<compile_context>
chip_gen: v7x
topology: tpu7x:2x2x1
jax: 0.10.2.dev20260603
libtpu: 0.0.44.dev20260713+nightly
codegen_flags: <defaults>
</compile_context>

<pallas_src>
import functools

import jax
import jax.numpy as jnp
from jax.experimental import pallas as pl
from jax.experimental.pallas import tpu as pltpu

B = 32; C = 3; IMG = 224; P = 16; N = (IMG // P) ** 2; E = 384; H = 6; DH = E // H
HID = int(E * 4.0); NE = 8; K = 2; NC = 1000
T = B * N
TILE = 512
NT = 32
S = NT * TILE


def _ln(x, g, b):
    m = jnp.mean(x, axis=-1, keepdims=True)
    v = jnp.mean((x - m) ** 2, axis=-1, keepdims=True)
    return (x - m) / jnp.sqrt(v + 1e-5) * g + b


IPA = 4


def _attn_body(p_ref, pos_ref, pw_ref, pb_ref, g1_ref, b1_ref, qkvw_ref,
               qkvb_ref, ow_ref, ob_ref, rw_ref, rb_ref, z_ref, lg_ref):
    p = jnp.concatenate([p_ref[im] for im in range(IPA)], axis=0)
    z = jax.lax.dot_general(p, pw_ref[...], (((1,), (1,)), ((), ())),
                            preferred_element_type=jnp.float32)
    z = z + pb_ref[...] + pos_ref[...]
    y = _ln(z, g1_ref[...], b1_ref[...])
    qkv = jax.lax.dot_general(y, qkvw_ref[...], (((1,), (1,)), ((), ())),
                              preferred_element_type=jnp.float32)
    qkv = qkv + qkvb_ref[...]
    imgs = []
    for im in range(IPA):
        r0 = im * N
        aos = []
        for h in range(H):
            q = qkv[r0:r0 + N, h * DH:(h + 1) * DH]
            k = qkv[r0:r0 + N, E + h * DH:E + (h + 1) * DH]
            v = qkv[r0:r0 + N, 2 * E + h * DH:2 * E + (h + 1) * DH]
            s = jax.lax.dot_general(q, k, (((1,), (1,)), ((), ())),
                                    preferred_element_type=jnp.float32)
            s = s * (1.0 / (DH ** 0.5))
            s = s - jnp.max(s, axis=-1, keepdims=True)
            es = jnp.exp(s)
            att = es / jnp.sum(es, axis=-1, keepdims=True)
            aos.append(jnp.dot(att, v, preferred_element_type=jnp.float32))
        imgs.append(jnp.concatenate(aos, axis=-1))
    ao = jnp.concatenate(imgs, axis=0)
    z2 = z + (jax.lax.dot_general(ao, ow_ref[...], (((1,), (1,)), ((), ())),
                                  preferred_element_type=jnp.float32) + ob_ref[...])
    z_ref[...] = z2
    lg_ref[...] = jax.lax.dot_general(z2, rw_ref[...], (((1,), (1,)), ((), ())),
                                      preferred_element_type=jnp.float32) + rb_ref[...]


def _gelu(x):
    return 0.5 * x * (1.0 + jax.lax.erf(x * (2.0 ** -0.5)))


def _moe_body(ept_ref, xs_ref, w1_ref, b1_ref, w2_ref, b2_ref, o_ref):
    x = xs_ref[...].astype(jnp.bfloat16)
    h = jax.lax.dot_general(x, w1_ref[0], (((1,), (1,)), ((), ())),
                            preferred_element_type=jnp.float32)
    h = _gelu(h + b1_ref[0])
    y = jax.lax.dot_general(h.astype(jnp.bfloat16), w2_ref[0],
                            (((1,), (1,)), ((), ())),
                            preferred_element_type=jnp.float32)
    o_ref[...] = y + b2_ref[0]


def _route_body(lg_ref, d0_ref, d1_ref, ept_ref):
    lg = lg_ref[...]
    i8 = jax.lax.broadcasted_iota(jnp.int32, (T, NE), 1)
    v1 = jnp.max(lg, axis=1, keepdims=True)
    idx1 = jnp.min(jnp.where(lg == v1, i8, NE), axis=1, keepdims=True)
    lm = jnp.where(i8 == idx1, -3.4e38, lg)
    v2 = jnp.max(lm, axis=1, keepdims=True)
    idx2 = jnp.min(jnp.where(lm == v2, i8, NE), axis=1, keepdims=True)
    oh1 = (i8 == idx1).astype(jnp.float32)
    oh2 = (i8 == idx2).astype(jnp.float32)
    oh = oh1 + oh2
    r = jax.lax.broadcasted_iota(jnp.int32, (128, 128), 0)
    c = jax.lax.broadcasted_iota(jnp.int32, (128, 128), 1)
    Lx = (c < r).astype(jnp.float32)
    carry = jnp.zeros((1, NE), jnp.float32)
    cums = []
    for i in range(T // 128):
        blk = oh[i * 128:(i + 1) * 128, :]
        cums.append(jnp.dot(Lx, blk, preferred_element_type=jnp.float32) + carry)
        carry = carry + jnp.sum(blk, axis=0, keepdims=True)
    cum = jnp.concatenate(cums, axis=0)
    ci = carry.astype(jnp.int32)
    padded = jnp.bitwise_and(ci + (TILE - 1), ~(TILE - 1))
    pf = padded.astype(jnp.float32)
    er = jax.lax.broadcasted_iota(jnp.int32, (NE, NE), 0)
    ec = jax.lax.broadcasted_iota(jnp.int32, (NE, NE), 1)
    U8 = (er < ec).astype(jnp.float32)
    offs = jnp.dot(pf, U8, preferred_element_type=jnp.float32)
    pos = offs + cum
    d0_ref[...] = jnp.sum(oh1 * pos, axis=1, keepdims=True).astype(jnp.int32)
    d1_ref[...] = jnp.sum(oh2 * pos, axis=1, keepdims=True).astype(jnp.int32)
    cum8 = offs + pf
    t0 = jax.lax.broadcasted_iota(jnp.int32, (NT, NE), 0).astype(jnp.float32) * TILE
    ept = jnp.sum((cum8 <= t0).astype(jnp.int32), axis=1, keepdims=True)
    ept_ref[...] = jnp.minimum(ept, NE - 1)


IPB = 16


def _head_body(ye_ref, yo_ref, g_ref, b_ref, hw_ref, hb_ref, o_ref):
    m = (ye_ref[...] + yo_ref[...]) * (1.0 / K)
    z = _ln(m, g_ref[...], b_ref[...])
    rr = jax.lax.broadcasted_iota(jnp.int32, (IPB, IPB * N), 0)
    cc = jax.lax.broadcasted_iota(jnp.int32, (IPB, IPB * N), 1)
    M = jnp.where(cc // N == rr, 1.0 / N, 0.0).astype(jnp.float32)
    pooled = jnp.dot(M, z, preferred_element_type=jnp.float32)
    o_ref[...] = jax.lax.dot_general(pooled, hw_ref[...], (((1,), (1,)), ((), ())),
                                     preferred_element_type=jnp.float32) + hb_ref[...]


CH = 112
NCH = T // CH
NW = 32


def _sc_mesh():
    from jax.experimental.pallas import tpu_sc as plsc
    return plsc.VectorSubcoreMesh(core_axis_name="c", subcore_axis_name="s")


def _sc_disperse(z_flat, destE2, destO2):
    @functools.partial(
        pl.kernel,
        mesh=_sc_mesh(),
        out_type=jax.ShapeDtypeStruct((S, E), jnp.float32),
        scratch_types=[
            pltpu.VMEM((CH,), jnp.int32),
            pltpu.VMEM((CH,), jnp.int32),
            pltpu.VMEM((CH,), jnp.int32),
            pltpu.VMEM((CH,), jnp.int32),
            pltpu.VMEM((CH, E), jnp.float32),
            pltpu.VMEM((CH, E), jnp.float32),
            pltpu.SemaphoreType.DMA,
            pltpu.SemaphoreType.DMA,
            pltpu.SemaphoreType.DMA,
        ],
    )
    def disperse(z_hbm, de_hbm, do_hbm, zs_hbm, idxe0, idxo0, idxe1, idxo1,
                 buf0, buf1, semr, seme, semo):
        w = jax.lax.axis_index("s") * 2 + jax.lax.axis_index("c")
        ci0 = w
        ci1 = w + NW
        r0 = pltpu.async_copy(z_hbm.at[pl.ds(ci0 * CH, CH)], buf0, semr)
        pltpu.sync_copy(de_hbm.at[pl.ds(ci0 * CH, CH)], idxe0)
        pltpu.sync_copy(do_hbm.at[pl.ds(ci0 * CH, CH)], idxo0)

        @pl.when(ci1 < NCH)
        def _():
            pltpu.sync_copy(de_hbm.at[pl.ds(ci1 * CH, CH)], idxe1)
            pltpu.sync_copy(do_hbm.at[pl.ds(ci1 * CH, CH)], idxo1)

        r0.wait()
        ce0 = pltpu.async_copy(buf0, zs_hbm.at[idxe0], seme)
        co0 = pltpu.async_copy(buf0, zs_hbm.at[idxo0], semo)

        @pl.when(ci1 < NCH)
        def _():
            pltpu.async_copy(z_hbm.at[pl.ds(ci1 * CH, CH)], buf1, semr).wait()

        ce0.wait()
        co0.wait()

        @pl.when(ci1 < NCH)
        def _():
            ce1 = pltpu.async_copy(buf1, zs_hbm.at[idxe1], seme)
            co1 = pltpu.async_copy(buf1, zs_hbm.at[idxo1], semo)
            ce1.wait()
            co1.wait()

    return disperse(z_flat, destE2, destO2)


def _sc_combine(ys, destE2, destO2):
    @functools.partial(
        pl.kernel,
        mesh=_sc_mesh(),
        out_type=[
            jax.ShapeDtypeStruct((T, E), jnp.float32),
            jax.ShapeDtypeStruct((T, E), jnp.float32),
        ],
        scratch_types=[
            pltpu.VMEM((CH,), jnp.int32),
            pltpu.VMEM((CH,), jnp.int32),
            pltpu.VMEM((CH, E), jnp.float32),
            pltpu.VMEM((CH, E), jnp.float32),
            pltpu.SemaphoreType.DMA,
            pltpu.SemaphoreType.DMA,
        ],
    )
    def combine(ys_hbm, de_hbm, do_hbm, ye_hbm, yo_hbm, idxe_v, idxo_v,
                bufe_v, bufo_v, seme, semo):
        w = jax.lax.axis_index("s") * 2 + jax.lax.axis_index("c")
        for j in range(2):
            ci = w + NW * j

            @pl.when(ci < NCH)
            def _():
                tok0 = ci * CH
                pltpu.sync_copy(de_hbm.at[pl.ds(tok0, CH)], idxe_v)
                pltpu.sync_copy(do_hbm.at[pl.ds(tok0, CH)], idxo_v)
                ce = pltpu.async_copy(ys_hbm.at[idxe_v], bufe_v, seme)
                co = pltpu.async_copy(ys_hbm.at[idxo_v], bufo_v, semo)
                ce.wait()
                co.wait()
                pltpu.sync_copy(bufe_v, ye_hbm.at[pl.ds(tok0, CH)])
                pltpu.sync_copy(bufo_v, yo_hbm.at[pl.ds(tok0, CH)])

    return combine(ys, destE2, destO2)


def kernel(x, patch_W, patch_b, pos_embed, ln1_g, ln1_b, qkv_w, qkv_b, out_w,
           out_b, router_w, router_b, eW1, eb1, eW2, eb2, ln2_g, ln2_b,
           head_w, head_b):
    f32 = jnp.float32
    patches = x.reshape(B, C, N // (IMG // P), P, IMG // P, P) \
               .transpose(0, 2, 4, 1, 3, 5).reshape(B, N, C * P * P)
    pos2 = jnp.concatenate([pos_embed[0]] * IPA, axis=0)
    pwr = patch_W.reshape(E, C * P * P)
    row2 = lambda a: a.reshape(1, -1)

    RA = IPA * N
    z, logits = pl.pallas_call(
        _attn_body,
        grid=(B // IPA,),
        in_specs=[
            pl.BlockSpec((IPA, N, C * P * P), lambda i: (i, 0, 0)),
            pl.BlockSpec((RA, E), lambda i: (0, 0)),
            pl.BlockSpec((E, C * P * P), lambda i: (0, 0)),
            pl.BlockSpec((1, E), lambda i: (0, 0)),
            pl.BlockSpec((1, E), lambda i: (0, 0)),
            pl.BlockSpec((1, E), lambda i: (0, 0)),
            pl.BlockSpec((3 * E, E), lambda i: (0, 0)),
            pl.BlockSpec((1, 3 * E), lambda i: (0, 0)),
            pl.BlockSpec((E, E), lambda i: (0, 0)),
            pl.BlockSpec((1, E), lambda i: (0, 0)),
            pl.BlockSpec((NE, E), lambda i: (0, 0)),
            pl.BlockSpec((1, NE), lambda i: (0, 0)),
        ],
        out_specs=[
            pl.BlockSpec((RA, E), lambda i: (i, 0)),
            pl.BlockSpec((RA, NE), lambda i: (i, 0)),
        ],
        out_shape=[
            jax.ShapeDtypeStruct((T, E), f32),
            jax.ShapeDtypeStruct((T, NE), f32),
        ],
    )(patches, pos2, pwr, row2(patch_b), row2(ln1_g), row2(ln1_b),
      qkv_w, row2(qkv_b), out_w, row2(out_b), router_w, row2(router_b))

    d0, d1, ept = pl.pallas_call(
        _route_body,
        grid=(1,),
        in_specs=[pl.BlockSpec((T, NE), lambda i: (0, 0))],
        out_specs=[
            pl.BlockSpec((T, 1), lambda i: (0, 0)),
            pl.BlockSpec((T, 1), lambda i: (0, 0)),
            pl.BlockSpec((NT, 1), lambda i: (0, 0)),
        ],
        out_shape=[
            jax.ShapeDtypeStruct((T, 1), jnp.int32),
            jax.ShapeDtypeStruct((T, 1), jnp.int32),
            jax.ShapeDtypeStruct((NT, 1), jnp.int32),
        ],
    )(logits)
    ept = ept.reshape(NT)

    z_flat = z
    destE2 = d0.reshape(T)
    destO2 = d1.reshape(T)
    zs = _sc_disperse(z_flat, destE2, destO2)

    w1b = eW1.astype(jnp.bfloat16)
    w2b = eW2.astype(jnp.bfloat16)
    ys = pl.pallas_call(
        _moe_body,
        grid_spec=pltpu.PrefetchScalarGridSpec(
            num_scalar_prefetch=1,
            grid=(NT,),
            in_specs=[
                pl.BlockSpec((TILE, E), lambda t, ept: (t, 0)),
                pl.BlockSpec((1, HID, E), lambda t, ept: (ept[t], 0, 0)),
                pl.BlockSpec((1, 1, HID), lambda t, ept: (ept[t], 0, 0)),
                pl.BlockSpec((1, E, HID), lambda t, ept: (ept[t], 0, 0)),
                pl.BlockSpec((1, 1, E), lambda t, ept: (ept[t], 0, 0)),
            ],
            out_specs=pl.BlockSpec((TILE, E), lambda t, ept: (t, 0)),
        ),
        out_shape=jax.ShapeDtypeStruct((S, E), f32),
    )(ept, zs, w1b, eb1.reshape(NE, 1, HID), w2b, eb2.reshape(NE, 1, E))

    ye, yo = _sc_combine(ys, destE2, destO2)
    out = pl.pallas_call(
        _head_body,
        grid=(B // IPB,),
        in_specs=[
            pl.BlockSpec((IPB * N, E), lambda i: (i, 0)),
            pl.BlockSpec((IPB * N, E), lambda i: (i, 0)),
            pl.BlockSpec((1, E), lambda i: (0, 0)),
            pl.BlockSpec((1, E), lambda i: (0, 0)),
            pl.BlockSpec((NC, E), lambda i: (0, 0)),
            pl.BlockSpec((1, NC), lambda i: (0, 0)),
        ],
        out_specs=pl.BlockSpec((IPB, NC), lambda i: (i, 0)),
        out_shape=jax.ShapeDtypeStruct((B, NC), f32),
    )(ye, yo, row2(ln2_g), row2(ln2_b), head_w, row2(head_b))
    return out

# --- scband reference (transcript-rebuilt; emitter-appended) ---
"""Pipeline reference for scband-vi-tmo-e-77352361001112 (READ-ONLY COPY).

The authoritative reference and input builder live on the scoring server;
editing this copy changes nothing except your own understanding.
"""

import jax, jax.numpy as jnp
import numpy as np

B = 32; C = 3; IMG = 224; P = 16; N = (IMG // P) ** 2; E = 384; H = 6; DH = E // H
HID = int(E * 4.0); NE = 8; K = 2; NC = 1000


def setup_inputs(seed: int = 0) -> dict:
    key = jax.random.key(seed)
    ks = jax.random.split(key, 10)
    s = 0.02
    return {
        "x": jax.random.normal(ks[0], (B, C, IMG, IMG), jnp.float32),
        "patch_W": jax.random.normal(ks[1], (E, C, P, P), jnp.float32) * s,
        "patch_b": jnp.zeros((E,), jnp.float32),
        "pos_embed": jax.random.normal(ks[2], (1, N, E), jnp.float32) * s,
        "ln1_g": jnp.ones((E,), jnp.float32),
        "ln1_b": jnp.zeros((E,), jnp.float32),
        "qkv_w": jax.random.normal(ks[3], (3 * E, E), jnp.float32) * s,
        "qkv_b": jnp.zeros((3 * E,), jnp.float32),
        "out_w": jax.random.normal(ks[4], (E, E), jnp.float32) * s,
        "out_b": jnp.zeros((E,), jnp.float32),
        "router_w": jax.random.normal(ks[5], (NE, E), jnp.float32) * s,
        "router_b": jnp.zeros((NE,), jnp.float32),
        "eW1": jax.random.normal(ks[6], (NE, HID, E), jnp.float32) * s,
        "eb1": jnp.zeros((NE, HID), jnp.float32),
        "eW2": jax.random.normal(ks[7], (NE, E, HID), jnp.float32) * s,
        "eb2": jnp.zeros((NE, E), jnp.float32),
        "ln2_g": jnp.ones((E,), jnp.float32),
        "ln2_b": jnp.zeros((E,), jnp.float32),
        "head_w": jax.random.normal(ks[8], (NC, E), jnp.float32) * s,
        "head_b": jnp.zeros((NC,), jnp.float32),
    }


def _ln(x, g, b):
    m = x.mean(-1, keepdims=True)
    v = ((x - m) ** 2).mean(-1, keepdims=True)
    return (x - m) / jnp.sqrt(v + 1e-5) * g + b


def _fwd(x, patch_W, patch_b, pos_embed, ln1_g, ln1_b, qkv_w, qkv_b, out_w, out_b,
         router_w, router_b, eW1, eb1, eW2, eb2, ln2_g, ln2_b, head_w, head_b):
    Bv = x.shape[0]
    # PatchEmbedding (Conv2d kernel=stride=P == patchify + linear)
    patches = x.reshape(Bv, C, IMG // P, P, IMG // P, P).transpose(0, 2, 4, 1, 3, 5).reshape(Bv, N, C * P * P)
    z = patches @ patch_W.reshape(E, -1).T + patch_b
    z = z + pos_embed  # dropout is identity in eval mode
    # SelfAttentionBlock
    y = _ln(z, ln1_g, ln1_b)
    qkv = y @ qkv_w.T + qkv_b
    q, k, v = jnp.split(qkv, 3, axis=-1)
    def heads(t):
        return t.reshape(Bv, N, H, DH).transpose(0, 2, 1, 3)
    q, k, v = heads(q), heads(k), heads(v)
    att = jax.nn.softmax(q @ k.transpose(0, 1, 3, 2) / jnp.sqrt(jnp.float32(DH)), axis=-1)
    ao = (att @ v).transpose(0, 2, 1, 3).reshape(Bv, N, E)
    z = z + (ao @ out_w.T + out_b)
    # MoE (top-k routing; dense-masked expert compute, mathematically identical)
    logits = z @ router_w.T + router_b
    _, topk_idx = jax.lax.top_k(logits, K)
    T = Bv * N
    fx = z.reshape(T, E)
    ft = topk_idx.reshape(T, K)
    out = jnp.zeros_like(fx)
    for e in range(NE):
        cnt = (ft == e).sum(axis=1, keepdims=True).astype(jnp.float32)
        h = jax.nn.gelu(fx @ eW1[e].T + eb1[e], approximate=False)
        out = out + (h @ eW2[e].T + eb2[e]) * cnt
    z = (out / K).reshape(Bv, N, E)
    z = _ln(z, ln2_g, ln2_b)
    return z.mean(axis=1) @ head_w.T + head_b


def reference(x, patch_W, patch_b, pos_embed, ln1_g, ln1_b, qkv_w, qkv_b, out_w, out_b,
              router_w, router_b, eW1, eb1, eW2, eb2, ln2_g, ln2_b, head_w, head_b):
    return _fwd(x, patch_W, patch_b, pos_embed, ln1_g, ln1_b, qkv_w, qkv_b, out_w, out_b,
                router_w, router_b, eW1, eb1, eW2, eb2, ln2_g, ln2_b, head_w, head_b)

if __name__ == "__main__":
    import jax
    _d = setup_inputs()
    print(jax.jit(kernel)(*tuple(_d.values())))

</pallas_src>

<mosaic_0001>
#map = affine_map<(d0, d1) -> (0, 0)>
#map1 = affine_map<(d0, d1) -> (0)>
module attributes {stable_mosaic.version = 14 : i64} {
  func.func @combine(%arg0: i32, %arg1: i32, %arg2: memref<16384x384xf32, #tpu.memory_space<hbm>>, %arg3: memref<6272xi32, #tpu.memory_space<hbm>>, %arg4: memref<6272xi32, #tpu.memory_space<hbm>>, %arg5: memref<6272x384xf32, #tpu.memory_space<hbm>>, %arg6: memref<6272x384xf32, #tpu.memory_space<hbm>>, %arg7: memref<112xi32, #tpu.memory_space<vmem>>, %arg8: memref<112xi32, #tpu.memory_space<vmem>>, %arg9: memref<112x384xf32, #tpu.memory_space<vmem>>, %arg10: memref<112x384xf32, #tpu.memory_space<vmem>>, %arg11: memref<!tpu.dma_semaphore, #tpu.memory_space<semaphore_mem>>, %arg12: memref<!tpu.dma_semaphore, #tpu.memory_space<semaphore_mem>>) attributes {dimension_semantics = [#tpu.dimension_semantics<core_parallel>, #tpu.dimension_semantics<subcore_parallel>], iteration_bounds = array<i64: 2, 16>, scalar_prefetch = 0 : i64, scratch_operands = 6 : i64, tpu.core_type = #tpu.core_type<sc_vector_subcore>, window_params = [{transform_indices = #map}, {transform_indices = #map1}, {transform_indices = #map1}, {transform_indices = #map}, {transform_indices = #map}]} {
    %mul3A = arith.constant 2 : i32
    %mul3A_0 = arith.muli %arg1, %mul3A : i32
    %add3A = arith.addi %mul3A_0, %arg0 : i32
    %add3A_1 = arith.constant 0 : i32
    %add3A_2 = arith.addi %add3A, %add3A_1 : i32
    %lt3A = arith.constant 56 : i32
    %lt3A_3 = arith.cmpi slt, %add3A_2, %lt3A : i32
    %convert_element_type3A = arith.extui %lt3A_3 : i1 to i32
    %cond3A = arith.constant 0 : i32
    %cond3A_4 = arith.cmpi ne, %convert_element_type3A, %cond3A : i32
    scf.if %cond3A_4 {
      %mul3A_12 = arith.constant 112 : i32
      %mul3A_13 = arith.muli %add3A_2, %mul3A_12 : i32
      "tpu.region"() ({
        %run_scoped3A = tpu.sem_alloc : memref<!tpu.dma_semaphore, #tpu.memory_space<semaphore_mem>>
        %dma_start3A_24 = tpu.memref_slice %arg3[%mul3A_13] : memref<6272xi32, #tpu.memory_space<hbm>> -> memref<112xi32, #tpu.memory_space<hbm>>
        %dma_start3A_25 = tpu.memref_slice %arg3[%mul3A_13] : memref<6272xi32, #tpu.memory_space<hbm>> -> memref<112xi32, #tpu.memory_space<hbm>>
        tpu.enqueue_dma source(%dma_start3A_25 : memref<112xi32, #tpu.memory_space<hbm>>) target(%arg7 : memref<112xi32, #tpu.memory_space<vmem>>) target_semaphore(%run_scoped3A : memref<!tpu.dma_semaphore, #tpu.memory_space<semaphore_mem>>)
        %dma_wait3A_26 = tpu.memref_slice %arg3[%mul3A_13] : memref<6272xi32, #tpu.memory_space<hbm>> -> memref<112xi32, #tpu.memory_space<hbm>>
        %dma_wait3A_27 = tpu.memref_slice %arg3[%mul3A_13] : memref<6272xi32, #tpu.memory_space<hbm>> -> memref<112xi32, #tpu.memory_space<hbm>>
        tpu.wait_dma2 semaphore(%run_scoped3A : memref<!tpu.dma_semaphore, #tpu.memory_space<semaphore_mem>>) src(%dma_wait3A_27 : memref<112xi32, #tpu.memory_space<hbm>>) dst(%arg7 : memref<112xi32, #tpu.memory_space<vmem>>)
        tpu.yield
      }) : () -> ()
      "tpu.region"() ({
        %run_scoped3A = tpu.sem_alloc : memref<!tpu.dma_semaphore, #tpu.memory_space<semaphore_mem>>
        %dma_start3A_24 = tpu.memref_slice %arg4[%mul3A_13] : memref<6272xi32, #tpu.memory_space<hbm>> -> memref<112xi32, #tpu.memory_space<hbm>>
        %dma_start3A_25 = tpu.memref_slice %arg4[%mul3A_13] : memref<6272xi32, #tpu.memory_space<hbm>> -> memref<112xi32, #tpu.memory_space<hbm>>
        tpu.enqueue_dma source(%dma_start3A_25 : memref<112xi32, #tpu.memory_space<hbm>>) target(%arg8 : memref<112xi32, #tpu.memory_space<vmem>>) target_semaphore(%run_scoped3A : memref<!tpu.dma_semaphore, #tpu.memory_space<semaphore_mem>>)
        %dma_wait3A_26 = tpu.memref_slice %arg4[%mul3A_13] : memref<6272xi32, #tpu.memory_space<hbm>> -> memref<112xi32, #tpu.memory_space<hbm>>
        %dma_wait3A_27 = tpu.memref_slice %arg4[%mul3A_13] : memref<6272xi32, #tpu.memory_space<hbm>> -> memref<112xi32, #tpu.memory_space<hbm>>
        tpu.wait_dma2 semaphore(%run_scoped3A : memref<!tpu.dma_semaphore, #tpu.memory_space<semaphore_mem>>) src(%dma_wait3A_27 : memref<112xi32, #tpu.memory_space<hbm>>) dst(%arg8 : memref<112xi32, #tpu.memory_space<vmem>>)
        tpu.yield
      }) : () -> ()
      %dma_start3A = arith.constant 0 : i32
      %dma_start3A_14 = arith.constant 0 : i32
      %dma_start3A_15 = tpu.memref_slice %arg2[%dma_start3A, %dma_start3A_14] : memref<16384x384xf32, #tpu.memory_space<hbm>> -> memref<16384x384xf32, #tpu.memory_space<hbm>>
      tpu.enqueue_indirect_dma source(%dma_start3A_15 : memref<16384x384xf32, #tpu.memory_space<hbm>>) target(%arg9 : memref<112x384xf32, #tpu.memory_space<vmem>>) offsets(%arg7 : memref<112xi32, #tpu.memory_space<vmem>>) semaphore(%arg11 : memref<!tpu.dma_semaphore, #tpu.memory_space<semaphore_mem>>)
      %dma_start3A_16 = arith.constant 0 : i32
      %dma_start3A_17 = arith.constant 0 : i32
      %dma_start3A_18 = tpu.memref_slice %arg2[%dma_start3A_16, %dma_start3A_17] : memref<16384x384xf32, #tpu.memory_space<hbm>> -> memref<16384x384xf32, #tpu.memory_space<hbm>>
      tpu.enqueue_indirect_dma source(%dma_start3A_18 : memref<16384x384xf32, #tpu.memory_space<hbm>>) target(%arg10 : memref<112x384xf32, #tpu.memory_space<vmem>>) offsets(%arg8 : memref<112xi32, #tpu.memory_space<vmem>>) semaphore(%arg12 : memref<!tpu.dma_semaphore, #tpu.memory_space<semaphore_mem>>)
      %dma_wait3A = arith.constant 0 : i32
      %dma_wait3A_19 = arith.constant 0 : i32
      %dma_wait3A_20 = tpu.memref_slice %arg2[%dma_wait3A, %dma_wait3A_19] : memref<16384x384xf32, #tpu.memory_space<hbm>> -> memref<16384x384xf32, #tpu.memory_space<hbm>>
      tpu.wait_indirect_dma semaphore(%arg11 : memref<!tpu.dma_semaphore, #tpu.memory_space<semaphore_mem>>) src(%dma_wait3A_20 : memref<16384x384xf32, #tpu.memory_space<hbm>>) dst(%arg9 : memref<112x384xf32, #tpu.memory_space<vmem>>)
      %dma_wait3A_21 = arith.constant 0 : i32
      %dma_wait3A_22 = arith.constant 0 : i32
      %dma_wait3A_23 = tpu.memref_slice %arg2[%dma_wait3A_21, %dma_wait3A_22] : memref<16384x384xf32, #tpu.memory_space<hbm>> -> memref<16384x384xf32, #tpu.memory_space<hbm>>
      tpu.wait_indirect_dma semaphore(%arg12 : memref<!tpu.dma_semaphore, #tpu.memory_space<semaphore_mem>>) src(%dma_wait3A_23 : memref<16384x384xf32, #tpu.memory_space<hbm>>) dst(%arg10 : memref<112x384xf32, #tpu.memory_space<vmem>>)
      "tpu.region"() ({
        %run_scoped3A = tpu.sem_alloc : memref<!tpu.dma_semaphore, #tpu.memory_space<semaphore_mem>>
        %dma_start3A_24 = arith.constant 0 : i32
        %dma_start3A_25 = tpu.memref_slice %arg5[%mul3A_13, %dma_start3A_24] : memref<6272x384xf32, #tpu.memory_space<hbm>> -> memref<112x384xf32, #tpu.memory_space<hbm>>
        %dma_start3A_26 = arith.constant 0 : i32
        %dma_start3A_27 = tpu.memref_slice %arg5[%mul3A_13, %dma_start3A_26] : memref<6272x384xf32, #tpu.memory_space<hbm>> -> memref<112x384xf32, #tpu.memory_space<hbm>>
        tpu.enqueue_dma source(%arg9 : memref<112x384xf32, #tpu.memory_space<vmem>>) target(%dma_start3A_27 : memref<112x384xf32, #tpu.memory_space<hbm>>) target_semaphore(%run_scoped3A : memref<!tpu.dma_semaphore, #tpu.memory_space<semaphore_mem>>)
        %dma_wait3A_28 = arith.constant 0 : i32
        %dma_wait3A_29 = tpu.memref_slice %arg5[%mul3A_13, %dma_wait3A_28] : memref<6272x384xf32, #tpu.memory_space<hbm>> -> memref<112x384xf32, #tpu.memory_space<hbm>>
        %dma_wait3A_30 = arith.constant 0 : i32
        %dma_wait3A_31 = tpu.memref_slice %arg5[%mul3A_13, %dma_wait3A_30] : memref<6272x384xf32, #tpu.memory_space<hbm>> -> memref<112x384xf32, #tpu.memory_space<hbm>>
        tpu.wait_dma2 semaphore(%run_scoped3A : memref<!tpu.dma_semaphore, #tpu.memory_space<semaphore_mem>>) src(%arg9 : memref<112x384xf32, #tpu.memory_space<vmem>>) dst(%dma_wait3A_31 : memref<112x384xf32, #tpu.memory_space<hbm>>)
        tpu.yield
      }) : () -> ()
      "tpu.region"() ({
        %run_scoped3A = tpu.sem_alloc : memref<!tpu.dma_semaphore, #tpu.memory_space<semaphore_mem>>
        %dma_start3A_24 = arith.constant 0 : i32
        %dma_start3A_25 = tpu.memref_slice %arg6[%mul3A_13, %dma_start3A_24] : memref<6272x384xf32, #tpu.memory_space<hbm>> -> memref<112x384xf32, #tpu.memory_space<hbm>>
        %dma_start3A_26 = arith.constant 0 : i32
        %dma_start3A_27 = tpu.memref_slice %arg6[%mul3A_13, %dma_start3A_26] : memref<6272x384xf32, #tpu.memory_space<hbm>> -> memref<112x384xf32, #tpu.memory_space<hbm>>
        tpu.enqueue_dma source(%arg10 : memref<112x384xf32, #tpu.memory_space<vmem>>) target(%dma_start3A_27 : memref<112x384xf32, #tpu.memory_space<hbm>>) target_semaphore(%run_scoped3A : memref<!tpu.dma_semaphore, #tpu.memory_space<semaphore_mem>>)
        %dma_wait3A_28 = arith.constant 0 : i32
        %dma_wait3A_29 = tpu.memref_slice %arg6[%mul3A_13, %dma_wait3A_28] : memref<6272x384xf32, #tpu.memory_space<hbm>> -> memref<112x384xf32, #tpu.memory_space<hbm>>
        %dma_wait3A_30 = arith.constant 0 : i32
        %dma_wait3A_31 = tpu.memref_slice %arg6[%mul3A_13, %dma_wait3A_30] : memref<6272x384xf32, #tpu.memory_space<hbm>> -> memref<112x384xf32, #tpu.memory_space<hbm>>
        tpu.wait_dma2 semaphore(%run_scoped3A : memref<!tpu.dma_semaphore, #tpu.memory_space<semaphore_mem>>) src(%arg10 : memref<112x384xf32, #tpu.memory_space<vmem>>) dst(%dma_wait3A_31 : memref<112x384xf32, #tpu.memory_space<hbm>>)
        tpu.yield
      }) : () -> ()
    } else {
    }
    %add3A_5 = arith.constant 32 : i32
    %add3A_6 = arith.addi %add3A, %add3A_5 : i32
    %lt3A_7 = arith.constant 56 : i32
    %lt3A_8 = arith.cmpi slt, %add3A_6, %lt3A_7 : i32
    %convert_element_type3A_9 = arith.extui %lt3A_8 : i1 to i32
    %cond3A_10 = arith.constant 0 : i32
    %cond3A_11 = arith.cmpi ne, %convert_element_type3A_9, %cond3A_10 : i32
    scf.if %cond3A_11 {
      %mul3A_12 = arith.constant 112 : i32
      %mul3A_13 = arith.muli %add3A_6, %mul3A_12 : i32
      "tpu.region"() ({
        %run_scoped3A = tpu.sem_alloc : memref<!tpu.dma_semaphore, #tpu.memory_space<semaphore_mem>>
        %dma_start3A_24 = tpu.memref_slice %arg3[%mul3A_13] : memref<6272xi32, #tpu.memory_space<hbm>> -> memref<112xi32, #tpu.memory_space<hbm>>
        %dma_start3A_25 = tpu.memref_slice %arg3[%mul3A_13] : memref<6272xi32, #tpu.memory_space<hbm>> -> memref<112xi32, #tpu.memory_space<hbm>>
        tpu.enqueue_dma source(%dma_start3A_25 : memref<112xi32, #tpu.memory_space<hbm>>) target(%arg7 : memref<112xi32, #tpu.memory_space<vmem>>) target_semaphore(%run_scoped3A : memref<!tpu.dma_semaphore, #tpu.memory_space<semaphore_mem>>)
        %dma_wait3A_26 = tpu.memref_slice %arg3[%mul3A_13] : memref<6272xi32, #tpu.memory_space<hbm>> -> memref<112xi32, #tpu.memory_space<hbm>>
        %dma_wait3A_27 = tpu.memref_slice %arg3[%mul3A_13] : memref<6272xi32, #tpu.memory_space<hbm>> -> memref<112xi32, #tpu.memory_space<hbm>>
        tpu.wait_dma2 semaphore(%run_scoped3A : memref<!tpu.dma_semaphore, #tpu.memory_space<semaphore_mem>>) src(%dma_wait3A_27 : memref<112xi32, #tpu.memory_space<hbm>>) dst(%arg7 : memref<112xi32, #tpu.memory_space<vmem>>)
        tpu.yield
      }) : () -> ()
      "tpu.region"() ({
        %run_scoped3A = tpu.sem_alloc : memref<!tpu.dma_semaphore, #tpu.memory_space<semaphore_mem>>
        %dma_start3A_24 = tpu.memref_slice %arg4[%mul3A_13] : memref<6272xi32, #tpu.memory_space<hbm>> -> memref<112xi32, #tpu.memory_space<hbm>>
        %dma_start3A_25 = tpu.memref_slice %arg4[%mul3A_13] : memref<6272xi32, #tpu.memory_space<hbm>> -> memref<112xi32, #tpu.memory_space<hbm>>
        tpu.enqueue_dma source(%dma_start3A_25 : memref<112xi32, #tpu.memory_space<hbm>>) target(%arg8 : memref<112xi32, #tpu.memory_space<vmem>>) target_semaphore(%run_scoped3A : memref<!tpu.dma_semaphore, #tpu.memory_space<semaphore_mem>>)
        %dma_wait3A_26 = tpu.memref_slice %arg4[%mul3A_13] : memref<6272xi32, #tpu.memory_space<hbm>> -> memref<112xi32, #tpu.memory_space<hbm>>
        %dma_wait3A_27 = tpu.memref_slice %arg4[%mul3A_13] : memref<6272xi32, #tpu.memory_space<hbm>> -> memref<112xi32, #tpu.memory_space<hbm>>
        tpu.wait_dma2 semaphore(%run_scoped3A : memref<!tpu.dma_semaphore, #tpu.memory_space<semaphore_mem>>) src(%dma_wait3A_27 : memref<112xi32, #tpu.memory_space<hbm>>) dst(%arg8 : memref<112xi32, #tpu.memory_space<vmem>>)
        tpu.yield
      }) : () -> ()
      %dma_start3A = arith.constant 0 : i32
      %dma_start3A_14 = arith.constant 0 : i32
      %dma_start3A_15 = tpu.memref_slice %arg2[%dma_start3A, %dma_start3A_14] : memref<16384x384xf32, #tpu.memory_space<hbm>> -> memref<16384x384xf32, #tpu.memory_space<hbm>>
      tpu.enqueue_indirect_dma source(%dma_start3A_15 : memref<16384x384xf32, #tpu.memory_space<hbm>>) target(%arg9 : memref<112x384xf32, #tpu.memory_space<vmem>>) offsets(%arg7 : memref<112xi32, #tpu.memory_space<vmem>>) semaphore(%arg11 : memref<!tpu.dma_semaphore, #tpu.memory_space<semaphore_mem>>)
      %dma_start3A_16 = arith.constant 0 : i32
      %dma_start3A_17 = arith.constant 0 : i32
      %dma_start3A_18 = tpu.memref_slice %arg2[%dma_start3A_16, %dma_start3A_17] : memref<16384x384xf32, #tpu.memory_space<hbm>> -> memref<16384x384xf32, #tpu.memory_space<hbm>>
      tpu.enqueue_indirect_dma source(%dma_start3A_18 : memref<16384x384xf32, #tpu.memory_space<hbm>>) target(%arg10 : memref<112x384xf32, #tpu.memory_space<vmem>>) offsets(%arg8 : memref<112xi32, #tpu.memory_space<vmem>>) semaphore(%arg12 : memref<!tpu.dma_semaphore, #tpu.memory_space<semaphore_mem>>)
      %dma_wait3A = arith.constant 0 : i32
      %dma_wait3A_19 = arith.constant 0 : i32
      %dma_wait3A_20 = tpu.memref_slice %arg2[%dma_wait3A, %dma_wait3A_19] : memref<16384x384xf32, #tpu.memory_space<hbm>> -> memref<16384x384xf32, #tpu.memory_space<hbm>>
      tpu.wait_indirect_dma semaphore(%arg11 : memref<!tpu.dma_semaphore, #tpu.memory_space<semaphore_mem>>) src(%dma_wait3A_20 : memref<16384x384xf32, #tpu.memory_space<hbm>>) dst(%arg9 : memref<112x384xf32, #tpu.memory_space<vmem>>)
      %dma_wait3A_21 = arith.constant 0 : i32
      %dma_wait3A_22 = arith.constant 0 : i32
      %dma_wait3A_23 = tpu.memref_slice %arg2[%dma_wait3A_21, %dma_wait3A_22] : memref<16384x384xf32, #tpu.memory_space<hbm>> -> memref<16384x384xf32, #tpu.memory_space<hbm>>
      tpu.wait_indirect_dma semaphore(%arg12 : memref<!tpu.dma_semaphore, #tpu.memory_space<semaphore_mem>>) src(%dma_wait3A_23 : memref<16384x384xf32, #tpu.memory_space<hbm>>) dst(%arg10 : memref<112x384xf32, #tpu.memory_space<vmem>>)
      "tpu.region"() ({
        %run_scoped3A = tpu.sem_alloc : memref<!tpu.dma_semaphore, #tpu.memory_space<semaphore_mem>>
        %dma_start3A_24 = arith.constant 0 : i32
        %dma_start3A_25 = tpu.memref_slice %arg5[%mul3A_13, %dma_start3A_24] : memref<6272x384xf32, #tpu.memory_space<hbm>> -> memref<112x384xf32, #tpu.memory_space<hbm>>
        %dma_start3A_26 = arith.constant 0 : i32
        %dma_start3A_27 = tpu.memref_slice %arg5[%mul3A_13, %dma_start3A_26] : memref<6272x384xf32, #tpu.memory_space<hbm>> -> memref<112x384xf32, #tpu.memory_space<hbm>>
        tpu.enqueue_dma source(%arg9 : memref<112x384xf32, #tpu.memory_space<vmem>>) target(%dma_start3A_27 : memref<112x384xf32, #tpu.memory_space<hbm>>) target_semaphore(%run_scoped3A : memref<!tpu.dma_semaphore, #tpu.memory_space<semaphore_mem>>)
        %dma_wait3A_28 = arith.constant 0 : i32
        %dma_wait3A_29 = tpu.memref_slice %arg5[%mul3A_13, %dma_wait3A_28] : memref<6272x384xf32, #tpu.memory_space<hbm>> -> memref<112x384xf32, #tpu.memory_space<hbm>>
        %dma_wait3A_30 = arith.constant 0 : i32
        %dma_wait3A_31 = tpu.memref_slice %arg5[%mul3A_13, %dma_wait3A_30] : memref<6272x384xf32, #tpu.memory_space<hbm>> -> memref<112x384xf32, #tpu.memory_space<hbm>>
        tpu.wait_dma2 semaphore(%run_scoped3A : memref<!tpu.dma_semaphore, #tpu.memory_space<semaphore_mem>>) src(%arg9 : memref<112x384xf32, #tpu.memory_space<vmem>>) dst(%dma_wait3A_31 : memref<112x384xf32, #tpu.memory_space<hbm>>)
        tpu.yield
      }) : () -> ()
      "tpu.region"() ({
        %run_scoped3A = tpu.sem_alloc : memref<!tpu.dma_semaphore, #tpu.memory_space<semaphore_mem>>
        %dma_start3A_24 = arith.constant 0 : i32
        %dma_start3A_25 = tpu.memref_slice %arg6[%mul3A_13, %dma_start3A_24] : memref<6272x384xf32, #tpu.memory_space<hbm>> -> memref<112x384xf32, #tpu.memory_space<hbm>>
        %dma_start3A_26 = arith.constant 0 : i32
        %dma_start3A_27 = tpu.memref_slice %arg6[%mul3A_13, %dma_start3A_26] : memref<6272x384xf32, #tpu.memory_space<hbm>> -> memref<112x384xf32, #tpu.memory_space<hbm>>
        tpu.enqueue_dma source(%arg10 : memref<112x384xf32, #tpu.memory_space<vmem>>) target(%dma_start3A_27 : memref<112x384xf32, #tpu.memory_space<hbm>>) target_semaphore(%run_scoped3A : memref<!tpu.dma_semaphore, #tpu.memory_space<semaphore_mem>>)
        %dma_wait3A_28 = arith.constant 0 : i32
        %dma_wait3A_29 = tpu.memref_slice %arg6[%mul3A_13, %dma_wait3A_28] : memref<6272x384xf32, #tpu.memory_space<hbm>> -> memref<112x384xf32, #tpu.memory_space<hbm>>
        %dma_wait3A_30 = arith.constant 0 : i32
        %dma_wait3A_31 = tpu.memref_slice %arg6[%mul3A_13, %dma_wait3A_30] : memref<6272x384xf32, #tpu.memory_space<hbm>> -> memref<112x384xf32, #tpu.memory_space<hbm>>
        tpu.wait_dma2 semaphore(%run_scoped3A : memref<!tpu.dma_semaphore, #tpu.memory_space<semaphore_mem>>) src(%arg10 : memref<112x384xf32, #tpu.memory_space<vmem>>) dst(%dma_wait3A_31 : memref<112x384xf32, #tpu.memory_space<hbm>>)
        tpu.yield
      }) : () -> ()
    } else {
    }
    return
  }
}

#map = affine_map<(d0, d1) -> (0, 0)>
#map1 = affine_map<(d0, d1) -> (0)>
module attributes {stable_mosaic.version = 14 : i64} {
  func.func @disperse(%arg0: i32, %arg1: i32, %arg2: memref<6272x384xf32, #tpu.memory_space<hbm>>, %arg3: memref<6272xi32, #tpu.memory_space<hbm>>, %arg4: memref<6272xi32, #tpu.memory_space<hbm>>, %arg5: memref<16384x384xf32, #tpu.memory_space<hbm>>, %arg6: memref<112xi32, #tpu.memory_space<vmem>>, %arg7: memref<112xi32, #tpu.memory_space<vmem>>, %arg8: memref<112xi32, #tpu.memory_space<vmem>>, %arg9: memref<112xi32, #tpu.memory_space<vmem>>, %arg10: memref<112x384xf32, #tpu.memory_space<vmem>>, %arg11: memref<112x384xf32, #tpu.memory_space<vmem>>, %arg12: memref<!tpu.dma_semaphore, #tpu.memory_space<semaphore_mem>>, %arg13: memref<!tpu.dma_semaphore, #tpu.memory_space<semaphore_mem>>, %arg14: memref<!tpu.dma_semaphore, #tpu.memory_space<semaphore_mem>>) attributes {dimension_semantics = [#tpu.dimension_semantics<core_parallel>, #tpu.dimension_semantics<subcore_parallel>], iteration_bounds = array<i64: 2, 16>, scalar_prefetch = 0 : i64, scratch_operands = 9 : i64, tpu.core_type = #tpu.core_type<sc_vector_subcore>, window_params = [{transform_indices = #map}, {transform_indices = #map1}, {transform_indices = #map1}, {transform_indices = #map}]} {
    %mul3A = arith.constant 2 : i32
    %mul3A_0 = arith.muli %arg1, %mul3A : i32
    %add3A = arith.addi %mul3A_0, %arg0 : i32
    %add3A_1 = arith.constant 32 : i32
    %add3A_2 = arith.addi %add3A, %add3A_1 : i32
    %mul3A_3 = arith.constant 112 : i32
    %mul3A_4 = arith.muli %add3A, %mul3A_3 : i32
    %dma_start3A = arith.constant 0 : i32
    %dma_start3A_5 = tpu.memref_slice %arg2[%mul3A_4, %dma_start3A] : memref<6272x384xf32, #tpu.memory_space<hbm>> -> memref<112x384xf32, #tpu.memory_space<hbm>>
    %dma_start3A_6 = arith.constant 0 : i32
    %dma_start3A_7 = tpu.memref_slice %arg2[%mul3A_4, %dma_start3A_6] : memref<6272x384xf32, #tpu.memory_space<hbm>> -> memref<112x384xf32, #tpu.memory_space<hbm>>
    tpu.enqueue_dma source(%dma_start3A_7 : memref<112x384xf32, #tpu.memory_space<hbm>>) target(%arg10 : memref<112x384xf32, #tpu.memory_space<vmem>>) target_semaphore(%arg12 : memref<!tpu.dma_semaphore, #tpu.memory_space<semaphore_mem>>)
    %mul3A_8 = arith.constant 112 : i32
    %mul3A_9 = arith.muli %add3A, %mul3A_8 : i32
    "tpu.region"() ({
      %run_scoped3A = tpu.sem_alloc : memref<!tpu.dma_semaphore, #tpu.memory_space<semaphore_mem>>
      %dma_start3A_39 = tpu.memref_slice %arg3[%mul3A_9] : memref<6272xi32, #tpu.memory_space<hbm>> -> memref<112xi32, #tpu.memory_space<hbm>>
      %dma_start3A_40 = tpu.memref_slice %arg3[%mul3A_9] : memref<6272xi32, #tpu.memory_space<hbm>> -> memref<112xi32, #tpu.memory_space<hbm>>
      tpu.enqueue_dma source(%dma_start3A_40 : memref<112xi32, #tpu.memory_space<hbm>>) target(%arg6 : memref<112xi32, #tpu.memory_space<vmem>>) target_semaphore(%run_scoped3A : memref<!tpu.dma_semaphore, #tpu.memory_space<semaphore_mem>>)
      %dma_wait3A_41 = tpu.memref_slice %arg3[%mul3A_9] : memref<6272xi32, #tpu.memory_space<hbm>> -> memref<112xi32, #tpu.memory_space<hbm>>
      %dma_wait3A_42 = tpu.memref_slice %arg3[%mul3A_9] : memref<6272xi32, #tpu.memory_space<hbm>> -> memref<112xi32, #tpu.memory_space<hbm>>
      tpu.wait_dma2 semaphore(%run_scoped3A : memref<!tpu.dma_semaphore, #tpu.memory_space<semaphore_mem>>) src(%dma_wait3A_42 : memref<112xi32, #tpu.memory_space<hbm>>) dst(%arg6 : memref<112xi32, #tpu.memory_space<vmem>>)
      tpu.yield
    }) : () -> ()
    %mul3A_10 = arith.constant 112 : i32
    %mul3A_11 = arith.muli %add3A, %mul3A_10 : i32
    "tpu.region"() ({
      %run_scoped3A = tpu.sem_alloc : memref<!tpu.dma_semaphore, #tpu.memory_space<semaphore_mem>>
      %dma_start3A_39 = tpu.memref_slice %arg4[%mul3A_11] : memref<6272xi32, #tpu.memory_space<hbm>> -> memref<112xi32, #tpu.memory_space<hbm>>
      %dma_start3A_40 = tpu.memref_slice %arg4[%mul3A_11] : memref<6272xi32, #tpu.memory_space<hbm>> -> memref<112xi32, #tpu.memory_space<hbm>>
      tpu.enqueue_dma source(%dma_start3A_40 : memref<112xi32, #tpu.memory_space<hbm>>) target(%arg7 : memref<112xi32, #tpu.memory_space<vmem>>) target_semaphore(%run_scoped3A : memref<!tpu.dma_semaphore, #tpu.memory_space<semaphore_mem>>)
      %dma_wait3A_41 = tpu.memref_slice %arg4[%mul3A_11] : memref<6272xi32, #tpu.memory_space<hbm>> -> memref<112xi32, #tpu.memory_space<hbm>>
      %dma_wait3A_42 = tpu.memref_slice %arg4[%mul3A_11] : memref<6272xi32, #tpu.memory_space<hbm>> -> memref<112xi32, #tpu.memory_space<hbm>>
      tpu.wait_dma2 semaphore(%run_scoped3A : memref<!tpu.dma_semaphore, #tpu.memory_space<semaphore_mem>>) src(%dma_wait3A_42 : memref<112xi32, #tpu.memory_space<hbm>>) dst(%arg7 : memref<112xi32, #tpu.memory_space<vmem>>)
      tpu.yield
    }) : () -> ()
    %lt3A = arith.constant 56 : i32
    %lt3A_12 = arith.cmpi slt, %add3A_2, %lt3A : i32
    %convert_element_type3A = arith.extui %lt3A_12 : i1 to i32
    %cond3A = arith.constant 0 : i32
    %cond3A_13 = arith.cmpi ne, %convert_element_type3A, %cond3A : i32
    scf.if %cond3A_13 {
      %mul3A_39 = arith.constant 112 : i32
      %mul3A_40 = arith.muli %add3A_2, %mul3A_39 : i32
      "tpu.region"() ({
        %run_scoped3A = tpu.sem_alloc : memref<!tpu.dma_semaphore, #tpu.memory_space<semaphore_mem>>
        %dma_start3A_43 = tpu.memref_slice %arg3[%mul3A_40] : memref<6272xi32, #tpu.memory_space<hbm>> -> memref<112xi32, #tpu.memory_space<hbm>>
        %dma_start3A_44 = tpu.memref_slice %arg3[%mul3A_40] : memref<6272xi32, #tpu.memory_space<hbm>> -> memref<112xi32, #tpu.memory_space<hbm>>
        tpu.enqueue_dma source(%dma_start3A_44 : memref<112xi32, #tpu.memory_space<hbm>>) target(%arg8 : memref<112xi32, #tpu.memory_space<vmem>>) target_semaphore(%run_scoped3A : memref<!tpu.dma_semaphore, #tpu.memory_space<semaphore_mem>>)
        %dma_wait3A_45 = tpu.memref_slice %arg3[%mul3A_40] : memref<6272xi32, #tpu.memory_space<hbm>> -> memref<112xi32, #tpu.memory_space<hbm>>
        %dma_wait3A_46 = tpu.memref_slice %arg3[%mul3A_40] : memref<6272xi32, #tpu.memory_space<hbm>> -> memref<112xi32, #tpu.memory_space<hbm>>
        tpu.wait_dma2 semaphore(%run_scoped3A : memref<!tpu.dma_semaphore, #tpu.memory_space<semaphore_mem>>) src(%dma_wait3A_46 : memref<112xi32, #tpu.memory_space<hbm>>) dst(%arg8 : memref<112xi32, #tpu.memory_space<vmem>>)
        tpu.yield
      }) : () -> ()
      %mul3A_41 = arith.constant 112 : i32
      %mul3A_42 = arith.muli %add3A_2, %mul3A_41 : i32
      "tpu.region"() ({
        %run_scoped3A = tpu.sem_alloc : memref<!tpu.dma_semaphore, #tpu.memory_space<semaphore_mem>>
        %dma_start3A_43 = tpu.memref_slice %arg4[%mul3A_42] : memref<6272xi32, #tpu.memory_space<hbm>> -> memref<112xi32, #tpu.memory_space<hbm>>
        %dma_start3A_44 = tpu.memref_slice %arg4[%mul3A_42] : memref<6272xi32, #tpu.memory_space<hbm>> -> memref<112xi32, #tpu.memory_space<hbm>>
        tpu.enqueue_dma source(%dma_start3A_44 : memref<112xi32, #tpu.memory_space<hbm>>) target(%arg9 : memref<112xi32, #tpu.memory_space<vmem>>) target_semaphore(%run_scoped3A : memref<!tpu.dma_semaphore, #tpu.memory_space<semaphore_mem>>)
        %dma_wait3A_45 = tpu.memref_slice %arg4[%mul3A_42] : memref<6272xi32, #tpu.memory_space<hbm>> -> memref<112xi32, #tpu.memory_space<hbm>>
        %dma_wait3A_46 = tpu.memref_slice %arg4[%mul3A_42] : memref<6272xi32, #tpu.memory_space<hbm>> -> memref<112xi32, #tpu.memory_space<hbm>>
        tpu.wait_dma2 semaphore(%run_scoped3A : memref<!tpu.dma_semaphore, #tpu.memory_space<semaphore_mem>>) src(%dma_wait3A_46 : memref<112xi32, #tpu.memory_space<hbm>>) dst(%arg9 : memref<112xi32, #tpu.memory_space<vmem>>)
        tpu.yield
      }) : () -> ()
    } else {
    }
    %dma_wait3A = arith.constant 0 : i32
    %dma_wait3A_14 = tpu.memref_slice %arg2[%mul3A_4, %dma_wait3A] : memref<6272x384xf32, #tpu.memory_space<hbm>> -> memref<112x384xf32, #tpu.memory_space<hbm>>
    %dma_wait3A_15 = arith.constant 0 : i32
    %dma_wait3A_16 = tpu.memref_slice %arg2[%mul3A_4, %dma_wait3A_15] : memref<6272x384xf32, #tpu.memory_space<hbm>> -> memref<112x384xf32, #tpu.memory_space<hbm>>
    tpu.wait_dma2 semaphore(%arg12 : memref<!tpu.dma_semaphore, #tpu.memory_space<semaphore_mem>>) src(%dma_wait3A_16 : memref<112x384xf32, #tpu.memory_space<hbm>>) dst(%arg10 : memref<112x384xf32, #tpu.memory_space<vmem>>)
    %dma_start3A_17 = arith.constant 0 : i32
    %dma_start3A_18 = arith.constant 0 : i32
    %dma_start3A_19 = tpu.memref_slice %arg5[%dma_start3A_17, %dma_start3A_18] : memref<16384x384xf32, #tpu.memory_space<hbm>> -> memref<16384x384xf32, #tpu.memory_space<hbm>>
    tpu.enqueue_indirect_dma source(%arg10 : memref<112x384xf32, #tpu.memory_space<vmem>>) target(%dma_start3A_19 : memref<16384x384xf32, #tpu.memory_space<hbm>>) offsets(%arg6 : memref<112xi32, #tpu.memory_space<vmem>>) semaphore(%arg13 : memref<!tpu.dma_semaphore, #tpu.memory_space<semaphore_mem>>)
    %dma_start3A_20 = arith.constant 0 : i32
    %dma_start3A_21 = arith.constant 0 : i32
    %dma_start3A_22 = tpu.memref_slice %arg5[%dma_start3A_20, %dma_start3A_21] : memref<16384x384xf32, #tpu.memory_space<hbm>> -> memref<16384x384xf32, #tpu.memory_space<hbm>>
    tpu.enqueue_indirect_dma source(%arg10 : memref<112x384xf32, #tpu.memory_space<vmem>>) target(%dma_start3A_22 : memref<16384x384xf32, #tpu.memory_space<hbm>>) offsets(%arg7 : memref<112xi32, #tpu.memory_space<vmem>>) semaphore(%arg14 : memref<!tpu.dma_semaphore, #tpu.memory_space<semaphore_mem>>)
    %lt3A_23 = arith.constant 56 : i32
    %lt3A_24 = arith.cmpi slt, %add3A_2, %lt3A_23 : i32
    %convert_element_type3A_25 = arith.extui %lt3A_24 : i1 to i32
    %cond3A_26 = arith.constant 0 : i32
    %cond3A_27 = arith.cmpi ne, %convert_element_type3A_25, %cond3A_26 : i32
    scf.if %cond3A_27 {
      %mul3A_39 = arith.constant 112 : i32
      %mul3A_40 = arith.muli %add3A_2, %mul3A_39 : i32
      %dma_start3A_41 = arith.constant 0 : i32
      %dma_start3A_42 = tpu.memref_slice %arg2[%mul3A_40, %dma_start3A_41] : memref<6272x384xf32, #tpu.memory_space<hbm>> -> memref<112x384xf32, #tpu.memory_space<hbm>>
      %dma_start3A_43 = arith.constant 0 : i32
      %dma_start3A_44 = tpu.memref_slice %arg2[%mul3A_40, %dma_start3A_43] : memref<6272x384xf32, #tpu.memory_space<hbm>> -> memref<112x384xf32, #tpu.memory_space<hbm>>
      tpu.enqueue_dma source(%dma_start3A_44 : memref<112x384xf32, #tpu.memory_space<hbm>>) target(%arg11 : memref<112x384xf32, #tpu.memory_space<vmem>>) target_semaphore(%arg12 : memref<!tpu.dma_semaphore, #tpu.memory_space<semaphore_mem>>)
      %dma_wait3A_45 = arith.constant 0 : i32
      %dma_wait3A_46 = tpu.memref_slice %arg2[%mul3A_40, %dma_wait3A_45] : memref<6272x384xf32, #tpu.memory_space<hbm>> -> memref<112x384xf32, #tpu.memory_space<hbm>>
      %dma_wait3A_47 = arith.constant 0 : i32
      %dma_wait3A_48 = tpu.memref_slice %arg2[%mul3A_40, %dma_wait3A_47] : memref<6272x384xf32, #tpu.memory_space<hbm>> -> memref<112x384xf32, #tpu.memory_space<hbm>>
      tpu.wait_dma2 semaphore(%arg12 : memref<!tpu.dma_semaphore, #tpu.memory_space<semaphore_mem>>) src(%dma_wait3A_48 : memref<112x384xf32, #tpu.memory_space<hbm>>) dst(%arg11 : memref<112x384xf32, #tpu.memory_space<vmem>>)
    } else {
    }
    %dma_wait3A_28 = arith.constant 0 : i32
    %dma_wait3A_29 = arith.constant 0 : i32
    %dma_wait3A_30 = tpu.memref_slice %arg5[%dma_wait3A_28, %dma_wait3A_29] : memref<16384x384xf32, #tpu.memory_space<hbm>> -> memref<16384x384xf32, #tpu.memory_space<hbm>>
    tpu.wait_indirect_dma semaphore(%arg13 : memref<!tpu.dma_semaphore, #tpu.memory_space<semaphore_mem>>) src(%arg10 : memref<112x384xf32, #tpu.memory_space<vmem>>) dst(%dma_wait3A_30 : memref<16384x384xf32, #tpu.memory_space<hbm>>)
    %dma_wait3A_31 = arith.constant 0 : i32
    %dma_wait3A_32 = arith.constant 0 : i32
    %dma_wait3A_33 = tpu.memref_slice %arg5[%dma_wait3A_31, %dma_wait3A_32] : memref<16384x384xf32, #tpu.memory_space<hbm>> -> memref<16384x384xf32, #tpu.memory_space<hbm>>
    tpu.wait_indirect_dma semaphore(%arg14 : memref<!tpu.dma_semaphore, #tpu.memory_space<semaphore_mem>>) src(%arg10 : memref<112x384xf32, #tpu.memory_space<vmem>>) dst(%dma_wait3A_33 : memref<16384x384xf32, #tpu.memory_space<hbm>>)
    %lt3A_34 = arith.constant 56 : i32
    %lt3A_35 = arith.cmpi slt, %add3A_2, %lt3A_34 : i32
    %convert_element_type3A_36 = arith.extui %lt3A_35 : i1 to i32
    %cond3A_37 = arith.constant 0 : i32
    %cond3A_38 = arith.cmpi ne, %convert_element_type3A_36, %cond3A_37 : i32
    scf.if %cond3A_38 {
      %dma_start3A_39 = arith.constant 0 : i32
      %dma_start3A_40 = arith.constant 0 : i32
      %dma_start3A_41 = tpu.memref_slice %arg5[%dma_start3A_39, %dma_start3A_40] : memref<16384x384xf32, #tpu.memory_space<hbm>> -> memref<16384x384xf32, #tpu.memory_space<hbm>>
      tpu.enqueue_indirect_dma source(%arg11 : memref<112x384xf32, #tpu.memory_space<vmem>>) target(%dma_start3A_41 : memref<16384x384xf32, #tpu.memory_space<hbm>>) offsets(%arg8 : memref<112xi32, #tpu.memory_space<vmem>>) semaphore(%arg13 : memref<!tpu.dma_semaphore, #tpu.memory_space<semaphore_mem>>)
      %dma_start3A_42 = arith.constant 0 : i32
      %dma_start3A_43 = arith.constant 0 : i32
      %dma_start3A_44 = tpu.memref_slice %arg5[%dma_start3A_42, %dma_start3A_43] : memref<16384x384xf32, #tpu.memory_space<hbm>> -> memref<16384x384xf32, #tpu.memory_space<hbm>>
      tpu.enqueue_indirect_dma source(%arg11 : memref<112x384xf32, #tpu.memory_space<vmem>>) target(%dma_start3A_44 : memref<16384x384xf32, #tpu.memory_space<hbm>>) offsets(%arg9 : memref<112xi32, #tpu.memory_space<vmem>>) semaphore(%arg14 : memref<!tpu.dma_semaphore, #tpu.memory_space<semaphore_mem>>)
      %dma_wait3A_45 = arith.constant 0 : i32
      %dma_wait3A_46 = arith.constant 0 : i32
      %dma_wait3A_47 = tpu.memref_slice %arg5[%dma_wait3A_45, %dma_wait3A_46] : memref<16384x384xf32, #tpu.memory_space<hbm>> -> memref<16384x384xf32, #tpu.memory_space<hbm>>
      tpu.wait_indirect_dma semaphore(%arg13 : memref<!tpu.dma_semaphore, #tpu.memory_space<semaphore_mem>>) src(%arg11 : memref<112x384xf32, #tpu.memory_space<vmem>>) dst(%dma_wait3A_47 : memref<16384x384xf32, #tpu.memory_space<hbm>>)
      %dma_wait3A_48 = arith.constant 0 : i32
      %dma_wait3A_49 = arith.constant 0 : i32
      %dma_wait3A_50 = tpu.memref_slice %arg5[%dma_wait3A_48, %dma_wait3A_49] : memref<16384x384xf32, #tpu.memory_space<hbm>> -> memref<16384x384xf32, #tpu.memory_space<hbm>>
      tpu.wait_indirect_dma semaphore(%arg14 : memref<!tpu.dma_semaphore, #tpu.memory_space<semaphore_mem>>) src(%arg11 : memref<112x384xf32, #tpu.memory_space<vmem>>) dst(%dma_wait3A_50 : memref<16384x384xf32, #tpu.memory_space<hbm>>)
    } else {
    }
    return
  }
}

module attributes {stable_mosaic.version = 14 : i64} {
  func.func @_attn_body(%arg0: i32, %arg1: memref<4x196x768xf32, #tpu.memory_space<vmem>>, %arg2: memref<784x384xf32, #tpu.memory_space<vmem>>, %arg3: memref<384x768xf32, #tpu.memory_space<vmem>>, %arg4: memref<1x384xf32, #tpu.memory_space<vmem>>, %arg5: memref<1x384xf32, #tpu.memory_space<vmem>>, %arg6: memref<1x384xf32, #tpu.memory_space<vmem>>, %arg7: memref<1152x384xf32, #tpu.memory_space<vmem>>, %arg8: memref<1x1152xf32, #tpu.memory_space<vmem>>, %arg9: memref<384x384xf32, #tpu.memory_space<vmem>>, %arg10: memref<1x384xf32, #tpu.memory_space<vmem>>, %arg11: memref<8x384xf32, #tpu.memory_space<vmem>>, %arg12: memref<1x8xf32, #tpu.memory_space<vmem>>, %arg13: memref<784x384xf32, #tpu.memory_space<vmem>>, %arg14: memref<784x8xf32, #tpu.memory_space<vmem>>) attributes {dimension_semantics = [#tpu.dimension_semantics<arbitrary>], iteration_bounds = array<i64: 8>, scalar_prefetch = 0 : i64, scratch_operands = 0 : i64, tpu.core_type = #tpu.core_type<tc>, window_params = [{transform_indices = @transform_0, window_bounds = array<i64: 4, 196, 768>}, {pipeline_mode = #tpu.pipeline_mode<synchronous>, transform_indices = @transform_1, window_bounds = array<i64: 784, 384>}, {pipeline_mode = #tpu.pipeline_mode<synchronous>, transform_indices = @transform_2, window_bounds = array<i64: 384, 768>}, {pipeline_mode = #tpu.pipeline_mode<synchronous>, transform_indices = @transform_3, window_bounds = array<i64: 1, 384>}, {pipeline_mode = #tpu.pipeline_mode<synchronous>, transform_indices = @transform_4, window_bounds = array<i64: 1, 384>}, {pipeline_mode = #tpu.pipeline_mode<synchronous>, transform_indices = @transform_5, window_bounds = array<i64: 1, 384>}, {pipeline_mode = #tpu.pipeline_mode<synchronous>, transform_indices = @transform_6, window_bounds = array<i64: 1152, 384>}, {pipeline_mode = #tpu.pipeline_mode<synchronous>, transform_indices = @transform_7, window_bounds = array<i64: 1, 1152>}, {pipeline_mode = #tpu.pipeline_mode<synchronous>, transform_indices = @transform_8, window_bounds = array<i64: 384, 384>}, {pipeline_mode = #tpu.pipeline_mode<synchronous>, transform_indices = @transform_9, window_bounds = array<i64: 1, 384>}, {pipeline_mode = #tpu.pipeline_mode<synchronous>, transform_indices = @transform_10, window_bounds = array<i64: 8, 384>}, {pipeline_mode = #tpu.pipeline_mode<synchronous>, transform_indices = @transform_11, window_bounds = array<i64: 1, 8>}, {transform_indices = @transform_12, window_bounds = array<i64: 784, 384>}, {transform_indices = @transform_13, window_bounds = array<i64: 784, 8>}]} {
    %get3A = arith.constant 0 : index
    %get3A_0 = arith.constant 0 : index
    %get3A_1 = arith.constant 0 : index
    %get3A_2 = vector.load %arg1[%get3A, %get3A_0, %get3A_1] : memref<4x196x768xf32, #tpu.memory_space<vmem>>, vector<1x196x768xf32>
    %get3A_3 = vector.shape_cast %get3A_2 : vector<1x196x768xf32> to vector<196x768xf32>
    %get3A_4 = arith.constant 1 : index
    %get3A_5 = arith.constant 0 : index
    %get3A_6 = arith.constant 0 : index
    %get3A_7 = vector.load %arg1[%get3A_4, %get3A_5, %get3A_6] : memref<4x196x768xf32, #tpu.memory_space<vmem>>, vector<1x196x768xf32>
    %get3A_8 = vector.shape_cast %get3A_7 : vector<1x196x768xf32> to vector<196x768xf32>
    %get3A_9 = arith.constant 2 : index
    %get3A_10 = arith.constant 0 : index
    %get3A_11 = arith.constant 0 : index
    %get3A_12 = vector.load %arg1[%get3A_9, %get3A_10, %get3A_11] : memref<4x196x768xf32, #tpu.memory_space<vmem>>, vector<1x196x768xf32>
    %get3A_13 = vector.shape_cast %get3A_12 : vector<1x196x768xf32> to vector<196x768xf32>
    %get3A_14 = arith.constant 3 : index
    %get3A_15 = arith.constant 0 : index
    %get3A_16 = arith.constant 0 : index
    %get3A_17 = vector.load %arg1[%get3A_14, %get3A_15, %get3A_16] : memref<4x196x768xf32, #tpu.memory_space<vmem>>, vector<1x196x768xf32>
    %get3A_18 = vector.shape_cast %get3A_17 : vector<1x196x768xf32> to vector<196x768xf32>
    %concatenate3A = tpu.concatenate %get3A_3, %get3A_8, %get3A_13, %get3A_18 in 0 : vector<196x768xf32>, vector<196x768xf32>, vector<196x768xf32>, vector<196x768xf32> -> vector<784x768xf32>
    %get3A_19 = arith.constant 0 : index
    %get3A_20 = arith.constant 0 : index
    %get3A_21 = vector.load %arg3[%get3A_19, %get3A_20] : memref<384x768xf32, #tpu.memory_space<vmem>>, vector<384x768xf32>
    %dot_general3A = arith.constant dense<0.000000e+00> : vector<784x384xf32>
    %dot_general3A_22 = tpu.matmul %concatenate3A, %get3A_21, %dot_general3A {dimension_numbers = #tpu.dot_dimension_numbers<[1], [1], [0], [0], [0, 0, 1, 0], [], []>, transpose_lhs_hint = false} : vector<784x768xf32>, vector<384x768xf32>, vector<784x384xf32> -> vector<784x384xf32>
    %get3A_23 = arith.constant 0 : index
    %get3A_24 = arith.constant 0 : index
    %get3A_25 = vector.load %arg4[%get3A_23, %get3A_24] : memref<1x384xf32, #tpu.memory_space<vmem>>, vector<1x384xf32>
    %add3A = vector.broadcast %get3A_25 : vector<1x384xf32> to vector<784x384xf32>
    %add3A_26 = arith.addf %dot_general3A_22, %add3A : vector<784x384xf32>
    %get3A_27 = arith.constant 0 : index
    %get3A_28 = arith.constant 0 : index
    %get3A_29 = vector.load %arg2[%get3A_27, %get3A_28] : memref<784x384xf32, #tpu.memory_space<vmem>>, vector<784x384xf32>
    %add3A_30 = arith.addf %add3A_26, %get3A_29 : vector<784x384xf32>
    %get3A_31 = arith.constant 0 : index
    %get3A_32 = arith.constant 0 : index
    %get3A_33 = vector.load %arg5[%get3A_31, %get3A_32] : memref<1x384xf32, #tpu.memory_space<vmem>>, vector<1x384xf32>
    %get3A_34 = arith.constant 0 : index
    %get3A_35 = arith.constant 0 : index
    %get3A_36 = vector.load %arg6[%get3A_34, %get3A_35] : memref<1x384xf32, #tpu.memory_space<vmem>>, vector<1x384xf32>
    %reduce_sum3A = arith.constant dense<0.000000e+00> : vector<784xf32>
    %reduce_sum3A_37 = vector.multi_reduction <add>, %add3A_30, %reduce_sum3A [1] : vector<784x384xf32> to vector<784xf32>
    %broadcast_in_dim3A = vector.shape_cast %reduce_sum3A_37 : vector<784xf32> to vector<784x1xf32>
    %div3A = arith.constant 3.840000e+02 : f32
    %div3A_38 = vector.broadcast %div3A : f32 to vector<784x1xf32>
    %div3A_39 = arith.divf %broadcast_in_dim3A, %div3A_38 : vector<784x1xf32>
    %sub3A = vector.broadcast %div3A_39 : vector<784x1xf32> to vector<784x384xf32>
    %sub3A_40 = arith.subf %add3A_30, %sub3A : vector<784x384xf32>
    %integer_pow3A = arith.mulf %sub3A_40, %sub3A_40 : vector<784x384xf32>
    %reduce_sum3A_41 = arith.constant dense<0.000000e+00> : vector<784xf32>
    %reduce_sum3A_42 = vector.multi_reduction <add>, %integer_pow3A, %reduce_sum3A_41 [1] : vector<784x384xf32> to vector<784xf32>
    %broadcast_in_dim3A_43 = vector.shape_cast %reduce_sum3A_42 : vector<784xf32> to vector<784x1xf32>
    %div3A_44 = arith.constant 3.840000e+02 : f32
    %div3A_45 = vector.broadcast %div3A_44 : f32 to vector<784x1xf32>
    %div3A_46 = arith.divf %broadcast_in_dim3A_43, %div3A_45 : vector<784x1xf32>
    %sub3A_47 = vector.broadcast %div3A_39 : vector<784x1xf32> to vector<784x384xf32>
    %sub3A_48 = arith.subf %add3A_30, %sub3A_47 : vector<784x384xf32>
    %add3A_49 = arith.constant 9.99999974E-6 : f32
    %add3A_50 = vector.broadcast %add3A_49 : f32 to vector<784x1xf32>
    %add3A_51 = arith.addf %div3A_46, %add3A_50 : vector<784x1xf32>
    %sqrt3A = math.sqrt %add3A_51 : vector<784x1xf32>
    %div3A_52 = vector.broadcast %sqrt3A : vector<784x1xf32> to vector<784x384xf32>
    %div3A_53 = arith.divf %sub3A_48, %div3A_52 : vector<784x384xf32>
    %mul3A = vector.broadcast %get3A_33 : vector<1x384xf32> to vector<784x384xf32>
    %mul3A_54 = arith.mulf %div3A_53, %mul3A : vector<784x384xf32>
    %add3A_55 = vector.broadcast %get3A_36 : vector<1x384xf32> to vector<784x384xf32>
    %add3A_56 = arith.addf %mul3A_54, %add3A_55 : vector<784x384xf32>
    %get3A_57 = arith.constant 0 : index
    %get3A_58 = arith.constant 0 : index
    %get3A_59 = vector.load %arg7[%get3A_57, %get3A_58] : memref<1152x384xf32, #tpu.memory_space<vmem>>, vector<1152x384xf32>
    %dot_general3A_60 = arith.constant dense<0.000000e+00> : vector<784x1152xf32>
    %dot_general3A_61 = tpu.matmul %add3A_56, %get3A_59, %dot_general3A_60 {dimension_numbers = #tpu.dot_dimension_numbers<[1], [1], [0], [0], [0, 0, 1, 0], [], []>, transpose_lhs_hint = false} : vector<784x384xf32>, vector<1152x384xf32>, vector<784x1152xf32> -> vector<784x1152xf32>
    %get3A_62 = arith.constant 0 : index
    %get3A_63 = arith.constant 0 : index
    %get3A_64 = vector.load %arg8[%get3A_62, %get3A_63] : memref<1x1152xf32, #tpu.memory_space<vmem>>, vector<1x1152xf32>
    %add3A_65 = vector.broadcast %get3A_64 : vector<1x1152xf32> to vector<784x1152xf32>
    %add3A_66 = arith.addf %dot_general3A_61, %add3A_65 : vector<784x1152xf32>
    %slice3A = vector.extract_strided_slice %add3A_66 {offsets = [0, 0], sizes = [196, 64], strides = [1, 1]} : vector<784x1152xf32> to vector<196x64xf32>
    %slice3A_67 = vector.extract_strided_slice %add3A_66 {offsets = [0, 384], sizes = [196, 64], strides = [1, 1]} : vector<784x1152xf32> to vector<196x64xf32>
    %slice3A_68 = vector.extract_strided_slice %add3A_66 {offsets = [0, 768], sizes = [196, 64], strides = [1, 1]} : vector<784x1152xf32> to vector<196x64xf32>
    %dot_general3A_69 = arith.constant dense<0.000000e+00> : vector<196x196xf32>
    %dot_general3A_70 = tpu.matmul %slice3A, %slice3A_67, %dot_general3A_69 {dimension_numbers = #tpu.dot_dimension_numbers<[1], [1], [0], [0], [0, 0, 1, 0], [], []>, transpose_lhs_hint = false} : vector<196x64xf32>, vector<196x64xf32>, vector<196x196xf32> -> vector<196x196xf32>
    %mul3A_71 = arith.constant 1.250000e-01 : f32
    %mul3A_72 = vector.broadcast %mul3A_71 : f32 to vector<196x196xf32>
    %mul3A_73 = arith.mulf %dot_general3A_70, %mul3A_72 : vector<196x196xf32>
    %reduce_max3A = arith.constant dense<0xFF800000> : vector<196xf32>
    %reduce_max3A_74 = vector.multi_reduction <maximumf>, %mul3A_73, %reduce_max3A [1] : vector<196x196xf32> to vector<196xf32>
    %broadcast_in_dim3A_75 = vector.shape_cast %reduce_max3A_74 : vector<196xf32> to vector<196x1xf32>
    %sub3A_76 = vector.broadcast %broadcast_in_dim3A_75 : vector<196x1xf32> to vector<196x196xf32>
    %sub3A_77 = arith.subf %mul3A_73, %sub3A_76 : vector<196x196xf32>
    %exp3A = math.exp %sub3A_77 : vector<196x196xf32>
    %reduce_sum3A_78 = arith.constant dense<0.000000e+00> : vector<196xf32>
    %reduce_sum3A_79 = vector.multi_reduction <add>, %exp3A, %reduce_sum3A_78 [1] : vector<196x196xf32> to vector<196xf32>
    %broadcast_in_dim3A_80 = vector.shape_cast %reduce_sum3A_79 : vector<196xf32> to vector<196x1xf32>
    %div3A_81 = vector.broadcast %broadcast_in_dim3A_80 : vector<196x1xf32> to vector<196x196xf32>
    %div3A_82 = arith.divf %exp3A, %div3A_81 : vector<196x196xf32>
    %dot_general3A_83 = arith.constant dense<0.000000e+00> : vector<196x64xf32>
    %dot_general3A_84 = tpu.matmul %div3A_82, %slice3A_68, %dot_general3A_83 {dimension_numbers = #tpu.dot_dimension_numbers<[1], [0], [0], [1], [0, 0, 1, 1], [], []>, transpose_lhs_hint = false} : vector<196x196xf32>, vector<196x64xf32>, vector<196x64xf32> -> vector<196x64xf32>
    %slice3A_85 = vector.extract_strided_slice %add3A_66 {offsets = [0, 64], sizes = [196, 64], strides = [1, 1]} : vector<784x1152xf32> to vector<196x64xf32>
    %slice3A_86 = vector.extract_strided_slice %add3A_66 {offsets = [0, 448], sizes = [196, 64], strides = [1, 1]} : vector<784x1152xf32> to vector<196x64xf32>
    %slice3A_87 = vector.extract_strided_slice %add3A_66 {offsets = [0, 832], sizes = [196, 64], strides = [1, 1]} : vector<784x1152xf32> to vector<196x64xf32>
    %dot_general3A_88 = arith.constant dense<0.000000e+00> : vector<196x196xf32>
    %dot_general3A_89 = tpu.matmul %slice3A_85, %slice3A_86, %dot_general3A_88 {dimension_numbers = #tpu.dot_dimension_numbers<[1], [1], [0], [0], [0, 0, 1, 0], [], []>, transpose_lhs_hint = false} : vector<196x64xf32>, vector<196x64xf32>, vector<196x196xf32> -> vector<196x196xf32>
    %mul3A_90 = arith.constant 1.250000e-01 : f32
    %mul3A_91 = vector.broadcast %mul3A_90 : f32 to vector<196x196xf32>
    %mul3A_92 = arith.mulf %dot_general3A_89, %mul3A_91 : vector<196x196xf32>
    %reduce_max3A_93 = arith.constant dense<0xFF800000> : vector<196xf32>
    %reduce_max3A_94 = vector.multi_reduction <maximumf>, %mul3A_92, %reduce_max3A_93 [1] : vector<196x196xf32> to vector<196xf32>
    %broadcast_in_dim3A_95 = vector.shape_cast %reduce_max3A_94 : vector<196xf32> to vector<196x1xf32>
    %sub3A_96 = vector.broadcast %broadcast_in_dim3A_95 : vector<196x1xf32> to vector<196x196xf32>
    %sub3A_97 = arith.subf %mul3A_92, %sub3A_96 : vector<196x196xf32>
    %exp3A_98 = math.exp %sub3A_97 : vector<196x196xf32>
    %reduce_sum3A_99 = arith.constant dense<0.000000e+00> : vector<196xf32>
    %reduce_sum3A_100 = vector.multi_reduction <add>, %exp3A_98, %reduce_sum3A_99 [1] : vector<196x196xf32> to vector<196xf32>
    %broadcast_in_dim3A_101 = vector.shape_cast %reduce_sum3A_100 : vector<196xf32> to vector<196x1xf32>
    %div3A_102 = vector.broadcast %broadcast_in_dim3A_101 : vector<196x1xf32> to vector<196x196xf32>
    %div3A_103 = arith.divf %exp3A_98, %div3A_102 : vector<196x196xf32>
    %dot_general3A_104 = arith.constant dense<0.000000e+00> : vector<196x64xf32>
    %dot_general3A_105 = tpu.matmul %div3A_103, %slice3A_87, %dot_general3A_104 {dimension_numbers = #tpu.dot_dimension_numbers<[1], [0], [0], [1], [0, 0, 1, 1], [], []>, transpose_lhs_hint = false} : vector<196x196xf32>, vector<196x64xf32>, vector<196x64xf32> -> vector<196x64xf32>
    %slice3A_106 = vector.extract_strided_slice %add3A_66 {offsets = [0, 128], sizes = [196, 64], strides = [1, 1]} : vector<784x1152xf32> to vector<196x64xf32>
    %slice3A_107 = vector.extract_strided_slice %add3A_66 {offsets = [0, 512], sizes = [196, 64], strides = [1, 1]} : vector<784x1152xf32> to vector<196x64xf32>
    %slice3A_108 = vector.extract_strided_slice %add3A_66 {offsets = [0, 896], sizes = [196, 64], strides = [1, 1]} : vector<784x1152xf32> to vector<196x64xf32>
    %dot_general3A_109 = arith.constant dense<0.000000e+00> : vector<196x196xf32>
    %dot_general3A_110 = tpu.matmul %slice3A_106, %slice3A_107, %dot_general3A_109 {dimension_numbers = #tpu.dot_dimension_numbers<[1], [1], [0], [0], [0, 0, 1, 0], [], []>, transpose_lhs_hint = false} : vector<196x64xf32>, vector<196x64xf32>, vector<196x196xf32> -> vector<196x196xf32>
    %mul3A_111 = arith.constant 1.250000e-01 : f32
    %mul3A_112 = vector.broadcast %mul3A_111 : f32 to vector<196x196xf32>
    %mul3A_113 = arith.mulf %dot_general3A_110, %mul3A_112 : vector<196x196xf32>
    %reduce_max3A_114 = arith.constant dense<0xFF800000> : vector<196xf32>
    %reduce_max3A_115 = vector.multi_reduction <maximumf>, %mul3A_113, %reduce_max3A_114 [1] : vector<196x196xf32> to vector<196xf32>
    %broadcast_in_dim3A_116 = vector.shape_cast %reduce_max3A_115 : vector<196xf32> to vector<196x1xf32>
    %sub3A_117 = vector.broadcast %broadcast_in_dim3A_116 : vector<196x1xf32> to vector<196x196xf32>
    %sub3A_118 = arith.subf %mul3A_113, %sub3A_117 : vector<196x196xf32>
    %exp3A_119 = math.exp %sub3A_118 : vector<196x196xf32>
    %reduce_sum3A_120 = arith.constant dense<0.000000e+00> : vector<196xf32>
    %reduce_sum3A_121 = vector.multi_reduction <add>, %exp3A_119, %reduce_sum3A_120 [1] : vector<196x196xf32> to vector<196xf32>
    %broadcast_in_dim3A_122 = vector.shape_cast %reduce_sum3A_121 : vector<196xf32> to vector<196x1xf32>
    %div3A_123 = vector.broadcast %broadcast_in_dim3A_122 : vector<196x1xf32> to vector<196x196xf32>
    %div3A_124 = arith.divf %exp3A_119, %div3A_123 : vector<196x196xf32>
    %dot_general3A_125 = arith.constant dense<0.000000e+00> : vector<196x64xf32>
    %dot_general3A_126 = tpu.matmul %div3A_124, %slice3A_108, %dot_general3A_125 {dimension_numbers = #tpu.dot_dimension_numbers<[1], [0], [0], [1], [0, 0, 1, 1], [], []>, transpose_lhs_hint = false} : vector<196x196xf32>, vector<196x64xf32>, vector<196x64xf32> -> vector<196x64xf32>
    %slice3A_127 = vector.extract_strided_slice %add3A_66 {offsets = [0, 192], sizes = [196, 64], strides = [1, 1]} : vector<784x1152xf32> to vector<196x64xf32>
    %slice3A_128 = vector.extract_strided_slice %add3A_66 {offsets = [0, 576], sizes = [196, 64], strides = [1, 1]} : vector<784x1152xf32> to vector<196x64xf32>
    %slice3A_129 = vector.extract_strided_slice %add3A_66 {offsets = [0, 960], sizes = [196, 64], strides = [1, 1]} : vector<784x1152xf32> to vector<196x64xf32>
    %dot_general3A_130 = arith.constant dense<0.000000e+00> : vector<196x196xf32>
    %dot_general3A_131 = tpu.matmul %slice3A_127, %slice3A_128, %dot_general3A_130 {dimension_numbers = #tpu.dot_dimension_numbers<[1], [1], [0], [0], [0, 0, 1, 0], [], []>, transpose_lhs_hint = false} : vector<196x64xf32>, vector<196x64xf32>, vector<196x196xf32> -> vector<196x196xf32>
    %mul3A_132 = arith.constant 1.250000e-01 : f32
    %mul3A_133 = vector.broadcast %mul3A_132 : f32 to vector<196x196xf32>
    %mul3A_134 = arith.mulf %dot_general3A_131, %mul3A_133 : vector<196x196xf32>
    %reduce_max3A_135 = arith.constant dense<0xFF800000> : vector<196xf32>
    %reduce_max3A_136 = vector.multi_reduction <maximumf>, %mul3A_134, %reduce_max3A_135 [1] : vector<196x196xf32> to vector<196xf32>
    %broadcast_in_dim3A_137 = vector.shape_cast %reduce_max3A_136 : vector<196xf32> to vector<196x1xf32>
    %sub3A_138 = vector.broadcast %broadcast_in_dim3A_137 : vector<196x1xf32> to vector<196x196xf32>
    %sub3A_139 = arith.subf %mul3A_134, %sub3A_138 : vector<196x196xf32>
    %exp3A_140 = math.exp %sub3A_139 : vector<196x196xf32>
    %reduce_sum3A_141 = arith.constant dense<0.000000e+00> : vector<196xf32>
    %reduce_sum3A_142 = vector.multi_reduction <add>, %exp3A_140, %reduce_sum3A_141 [1] : vector<196x196xf32> to vector<196xf32>
    %broadcast_in_dim3A_143 = vector.shape_cast %reduce_sum3A_142 : vector<196xf32> to vector<196x1xf32>
    %div3A_144 = vector.broadcast %broadcast_in_dim3A_143 : vector<196x1xf32> to vector<196x196xf32>
    %div3A_145 = arith.divf %exp3A_140, %div3A_144 : vector<196x196xf32>
    %dot_general3A_146 = arith.constant dense<0.000000e+00> : vector<196x64xf32>
    %dot_general3A_147 = tpu.matmul %div3A_145, %slice3A_129, %dot_general3A_146 {dimension_numbers = #tpu.dot_dimension_numbers<[1], [0], [0], [1], [0, 0, 1, 1], [], []>, transpose_lhs_hint = false} : vector<196x196xf32>, vector<196x64xf32>, vector<196x64xf32> -> vector<196x64xf32>
    %slice3A_148 = vector.extract_strided_slice %add3A_66 {offsets = [0, 256], sizes = [196, 64], strides = [1, 1]} : vector<784x1152xf32> to vector<196x64xf32>
    %slice3A_149 = vector.extract_strided_slice %add3A_66 {offsets = [0, 640], sizes = [196, 64], strides = [1, 1]} : vector<784x1152xf32> to vector<196x64xf32>
    %slice3A_150 = vector.extract_strided_slice %add3A_66 {offsets = [0, 1024], sizes = [196, 64], strides = [1, 1]} : vector<784x1152xf32> to vector<196x64xf32>
    %dot_general3A_151 = arith.constant dense<0.000000e+00> : vector<196x196xf32>
    %dot_general3A_152 = tpu.matmul %slice3A_148, %slice3A_149, %dot_general3A_151 {dimension_numbers = #tpu.dot_dimension_numbers<[1], [1], [0], [0], [0, 0, 1, 0], [], []>, transpose_lhs_hint = false} : vector<196x64xf32>, vector<196x64xf32>, vector<196x196xf32> -> vector<196x196xf32>
    %mul3A_153 = arith.constant 1.250000e-01 : f32
    %mul3A_154 = vector.broadcast %mul3A_153 : f32 to vector<196x196xf32>
    %mul3A_155 = arith.mulf %dot_general3A_152, %mul3A_154 : vector<196x196xf32>
    %reduce_max3A_156 = arith.constant dense<0xFF800000> : vector<196xf32>
    %reduce_max3A_157 = vector.multi_reduction <maximumf>, %mul3A_155, %reduce_max3A_156 [1] : vector<196x196xf32> to vector<196xf32>
    %broadcast_in_dim3A_158 = vector.shape_cast %reduce_max3A_157 : vector<196xf32> to vector<196x1xf32>
    %sub3A_159 = vector.broadcast %broadcast_in_dim3A_158 : vector<196x1xf32> to vector<196x196xf32>
    %sub3A_160 = arith.subf %mul3A_155, %sub3A_159 : vector<196x196xf32>
    %exp3A_161 = math.exp %sub3A_160 : vector<196x196xf32>
    %reduce_sum3A_162 = arith.constant dense<0.000000e+00> : vector<196xf32>
    %reduce_sum3A_163 = vector.multi_reduction <add>, %exp3A_161, %reduce_sum3A_162 [1] : vector<196x196xf32> to vector<196xf32>
    %broadcast_in_dim3A_164 = vector.shape_cast %reduce_sum3A_163 : vector<196xf32> to vector<196x1xf32>
    %div3A_165 = vector.broadcast %broadcast_in_dim3A_164 : vector<196x1xf32> to vector<196x196xf32>
    %div3A_166 = arith.divf %exp3A_161, %div3A_165 : vector<196x196xf32>
    %dot_general3A_167 = arith.constant dense<0.000000e+00> : vector<196x64xf32>
    %dot_general3A_168 = tpu.matmul %div3A_166, %slice3A_150, %dot_general3A_167 {dimension_numbers = #tpu.dot_dimension_numbers<[1], [0], [0], [1], [0, 0, 1, 1], [], []>, transpose_lhs_hint = false} : vector<196x196xf32>, vector<196x64xf32>, vector<196x64xf32> -> vector<196x64xf32>
    %slice3A_169 = vector.extract_strided_slice %add3A_66 {offsets = [0, 320], sizes = [196, 64], strides = [1, 1]} : vector<784x1152xf32> to vector<196x64xf32>
    %slice3A_170 = vector.extract_strided_slice %add3A_66 {offsets = [0, 704], sizes = [196, 64], strides = [1, 1]} : vector<784x1152xf32> to vector<196x64xf32>
    %slice3A_171 = vector.extract_strided_slice %add3A_66 {offsets = [0, 1088], sizes = [196, 64], strides = [1, 1]} : vector<784x1152xf32> to vector<196x64xf32>
    %dot_general3A_172 = arith.constant dense<0.000000e+00> : vector<196x196xf32>
    %dot_general3A_173 = tpu.matmul %slice3A_169, %slice3A_170, %dot_general3A_172 {dimension_numbers = #tpu.dot_dimension_numbers<[1], [1], [0], [0], [0, 0, 1, 0], [], []>, transpose_lhs_hint = false} : vector<196x64xf32>, vector<196x64xf32>, vector<196x196xf32> -> vector<196x196xf32>
    %mul3A_174 = arith.constant 1.250000e-01 : f32
    %mul3A_175 = vector.broadcast %mul3A_174 : f32 to vector<196x196xf32>
    %mul3A_176 = arith.mulf %dot_general3A_173, %mul3A_175 : vector<196x196xf32>
    %reduce_max3A_177 = arith.constant dense<0xFF800000> : vector<196xf32>
    %reduce_max3A_178 = vector.multi_reduction <maximumf>, %mul3A_176, %reduce_max3A_177 [1] : vector<196x196xf32> to vector<196xf32>
    %broadcast_in_dim3A_179 = vector.shape_cast %reduce_max3A_178 : vector<196xf32> to vector<196x1xf32>
    %sub3A_180 = vector.broadcast %broadcast_in_dim3A_179 : vector<196x1xf32> to vector<196x196xf32>
    %sub3A_181 = arith.subf %mul3A_176, %sub3A_180 : vector<196x196xf32>
    %exp3A_182 = math.exp %sub3A_181 : vector<196x196xf32>
    %reduce_sum3A_183 = arith.constant dense<0.000000e+00> : vector<196xf32>
    %reduce_sum3A_184 = vector.multi_reduction <add>, %exp3A_182, %reduce_sum3A_183 [1] : vector<196x196xf32> to vector<196xf32>
    %broadcast_in_dim3A_185 = vector.shape_cast %reduce_sum3A_184 : vector<196xf32> to vector<196x1xf32>
    %div3A_186 = vector.broadcast %broadcast_in_dim3A_185 : vector<196x1xf32> to vector<196x196xf32>
    %div3A_187 = arith.divf %exp3A_182, %div3A_186 : vector<196x196xf32>
    %dot_general3A_188 = arith.constant dense<0.000000e+00> : vector<196x64xf32>
    %dot_general3A_189 = tpu.matmul %div3A_187, %slice3A_171, %dot_general3A_188 {dimension_numbers = #tpu.dot_dimension_numbers<[1], [0], [0], [1], [0, 0, 1, 1], [], []>, transpose_lhs_hint = false} : vector<196x196xf32>, vector<196x64xf32>, vector<196x64xf32> -> vector<196x64xf32>
    %concatenate3A_190 = tpu.concatenate %dot_general3A_84, %dot_general3A_105, %dot_general3A_126, %dot_general3A_147, %dot_general3A_168, %dot_general3A_189 in 1 : vector<196x64xf32>, vector<196x64xf32>, vector<196x64xf32>, vector<196x64xf32>, vector<196x64xf32>, vector<196x64xf32> -> vector<196x384xf32>
    %slice3A_191 = vector.extract_strided_slice %add3A_66 {offsets = [196, 0], sizes = [196, 64], strides = [1, 1]} : vector<784x1152xf32> to vector<196x64xf32>
    %slice3A_192 = vector.extract_strided_slice %add3A_66 {offsets = [196, 384], sizes = [196, 64], strides = [1, 1]} : vector<784x1152xf32> to vector<196x64xf32>
    %slice3A_193 = vector.extract_strided_slice %add3A_66 {offsets = [196, 768], sizes = [196, 64], strides = [1, 1]} : vector<784x1152xf32> to vector<196x64xf32>
    %dot_general3A_194 = arith.constant dense<0.000000e+00> : vector<196x196xf32>
    %dot_general3A_195 = tpu.matmul %slice3A_191, %slice3A_192, %dot_general3A_194 {dimension_numbers = #tpu.dot_dimension_numbers<[1], [1], [0], [0], [0, 0, 1, 0], [], []>, transpose_lhs_hint = false} : vector<196x64xf32>, vector<196x64xf32>, vector<196x196xf32> -> vector<196x196xf32>
    %mul3A_196 = arith.constant 1.250000e-01 : f32
    %mul3A_197 = vector.broadcast %mul3A_196 : f32 to vector<196x196xf32>
    %mul3A_198 = arith.mulf %dot_general3A_195, %mul3A_197 : vector<196x196xf32>
    %reduce_max3A_199 = arith.constant dense<0xFF800000> : vector<196xf32>
    %reduce_max3A_200 = vector.multi_reduction <maximumf>, %mul3A_198, %reduce_max3A_199 [1] : vector<196x196xf32> to vector<196xf32>
    %broadcast_in_dim3A_201 = vector.shape_cast %reduce_max3A_200 : vector<196xf32> to vector<196x1xf32>
    %sub3A_202 = vector.broadcast %broadcast_in_dim3A_201 : vector<196x1xf32> to vector<196x196xf32>
    %sub3A_203 = arith.subf %mul3A_198, %sub3A_202 : vector<196x196xf32>
    %exp3A_204 = math.exp %sub3A_203 : vector<196x196xf32>
    %reduce_sum3A_205 = arith.constant dense<0.000000e+00> : vector<196xf32>
    %reduce_sum3A_206 = vector.multi_reduction <add>, %exp3A_204, %reduce_sum3A_205 [1] : vector<196x196xf32> to vector<196xf32>
    %broadcast_in_dim3A_207 = vector.shape_cast %reduce_sum3A_206 : vector<196xf32> to vector<196x1xf32>
    %div3A_208 = vector.broadcast %broadcast_in_dim3A_207 : vector<196x1xf32> to vector<196x196xf32>
    %div3A_209 = arith.divf %exp3A_204, %div3A_208 : vector<196x196xf32>
    %dot_general3A_210 = arith.constant dense<0.000000e+00> : vector<196x64xf32>
    %dot_general3A_211 = tpu.matmul %div3A_209, %slice3A_193, %dot_general3A_210 {dimension_numbers = #tpu.dot_dimension_numbers<[1], [0], [0], [1], [0, 0, 1, 1], [], []>, transpose_lhs_hint = false} : vector<196x196xf32>, vector<196x64xf32>, vector<196x64xf32> -> vector<196x64xf32>
    %slice3A_212 = vector.extract_strided_slice %add3A_66 {offsets = [196, 64], sizes = [196, 64], strides = [1, 1]} : vector<784x1152xf32> to vector<196x64xf32>
    %slice3A_213 = vector.extract_strided_slice %add3A_66 {offsets = [196, 448], sizes = [196, 64], strides = [1, 1]} : vector<784x1152xf32> to vector<196x64xf32>
    %slice3A_214 = vector.extract_strided_slice %add3A_66 {offsets = [196, 832], sizes = [196, 64], strides = [1, 1]} : vector<784x1152xf32> to vector<196x64xf32>
    %dot_general3A_215 = arith.constant dense<0.000000e+00> : vector<196x196xf32>
    %dot_general3A_216 = tpu.matmul %slice3A_212, %slice3A_213, %dot_general3A_215 {dimension_numbers = #tpu.dot_dimension_numbers<[1], [1], [0], [0], [0, 0, 1, 0], [], []>, transpose_lhs_hint = false} : vector<196x64xf32>, vector<196x64xf32>, vector<196x196xf32> -> vector<196x196xf32>
    %mul3A_217 = arith.constant 1.250000e-01 : f32
    %mul3A_218 = vector.broadcast %mul3A_217 : f32 to vector<196x196xf32>
    %mul3A_219 = arith.mulf %dot_general3A_216, %mul3A_218 : vector<196x196xf32>
    %reduce_max3A_220 = arith.constant dense<0xFF800000> : vector<196xf32>
    %reduce_max3A_221 = vector.multi_reduction <maximumf>, %mul3A_219, %reduce_max3A_220 [1] : vector<196x196xf32> to vector<196xf32>
    %broadcast_in_dim3A_222 = vector.shape_cast %reduce_max3A_221 : vector<196xf32> to vector<196x1xf32>
    %sub3A_223 = vector.broadcast %broadcast_in_dim3A_222 : vector<196x1xf32> to vector<196x196xf32>
    %sub3A_224 = arith.subf %mul3A_219, %sub3A_223 : vector<196x196xf32>
    %exp3A_225 = math.exp %sub3A_224 : vector<196x196xf32>
    %reduce_sum3A_226 = arith.constant dense<0.000000e+00> : vector<196xf32>
    %reduce_sum3A_227 = vector.multi_reduction <add>, %exp3A_225, %reduce_sum3A_226 [1] : vector<196x196xf32> to vector<196xf32>
    %broadcast_in_dim3A_228 = vector.shape_cast %reduce_sum3A_227 : vector<196xf32> to vector<196x1xf32>
    %div3A_229 = vector.broadcast %broadcast_in_dim3A_228 : vector<196x1xf32> to vector<196x196xf32>
    %div3A_230 = arith.divf %exp3A_225, %div3A_229 : vector<196x196xf32>
    %dot_general3A_231 = arith.constant dense<0.000000e+00> : vector<196x64xf32>
    %dot_general3A_232 = tpu.matmul %div3A_230, %slice3A_214, %dot_general3A_231 {dimension_numbers = #tpu.dot_dimension_numbers<[1], [0], [0], [1], [0, 0, 1, 1], [], []>, transpose_lhs_hint = false} : vector<196x196xf32>, vector<196x64xf32>, vector<196x64xf32> -> vector<196x64xf32>
    %slice3A_233 = vector.extract_strided_slice %add3A_66 {offsets = [196, 128], sizes = [196, 64], strides = [1, 1]} : vector<784x1152xf32> to vector<196x64xf32>
    %slice3A_234 = vector.extract_strided_slice %add3A_66 {offsets = [196, 512], sizes = [196, 64], strides = [1, 1]} : vector<784x1152xf32> to vector<196x64xf32>
    %slice3A_235 = vector.extract_strided_slice %add3A_66 {offsets = [196, 896], sizes = [196, 64], strides = [1, 1]} : vector<784x1152xf32> to vector<196x64xf32>
    %dot_general3A_236 = arith.constant dense<0.000000e+00> : vector<196x196xf32>
    %dot_general3A_237 = tpu.matmul %slice3A_233, %slice3A_234, %dot_general3A_236 {dimension_numbers = #tpu.dot_dimension_numbers<[1], [1], [0], [0], [0, 0, 1, 0], [], []>, transpose_lhs_hint = false} : vector<196x64xf32>, vector<196x64xf32>, vector<196x196xf32> -> vector<196x196xf32>
    %mul3A_238 = arith.constant 1.250000e-01 : f32
    %mul3A_239 = vector.broadcast %mul3A_238 : f32 to vector<196x196xf32>
    %mul3A_240 = arith.mulf %dot_general3A_237, %mul3A_239 : vector<196x196xf32>
    %reduce_max3A_241 = arith.constant dense<0xFF800000> : vector<196xf32>
    %reduce_max3A_242 = vector.multi_reduction <maximumf>, %mul3A_240, %reduce_max3A_241 [1] : vector<196x196xf32> to vector<196xf32>
    %broadcast_in_dim3A_243 = vector.shape_cast %reduce_max3A_242 : vector<196xf32> to vector<196x1xf32>
    %sub3A_244 = vector.broadcast %broadcast_in_dim3A_243 : vector<196x1xf32> to vector<196x196xf32>
    %sub3A_245 = arith.subf %mul3A_240, %sub3A_244 : vector<196x196xf32>
    %exp3A_246 = math.exp %sub3A_245 : vector<196x196xf32>
    %reduce_sum3A_247 = arith.constant dense<0.000000e+00> : vector<196xf32>
    %reduce_sum3A_248 = vector.multi_reduction <add>, %exp3A_246, %reduce_sum3A_247 [1] : vector<196x196xf32> to vector<196xf32>
    %broadcast_in_dim3A_249 = vector.shape_cast %reduce_sum3A_248 : vector<196xf32> to vector<196x1xf32>
    %div3A_250 = vector.broadcast %broadcast_in_dim3A_249 : vector<196x1xf32> to vector<196x196xf32>
    %div3A_251 = arith.divf %exp3A_246, %div3A_250 : vector<196x196xf32>
    %dot_general3A_252 = arith.constant dense<0.000000e+00> : vector<196x64xf32>
    %dot_general3A_253 = tpu.matmul %div3A_251, %slice3A_235, %dot_general3A_252 {dimension_numbers = #tpu.dot_dimension_numbers<[1], [0], [0], [1], [0, 0, 1, 1], [], []>, transpose_lhs_hint = false} : vector<196x196xf32>, vector<196x64xf32>, vector<196x64xf32> -> vector<196x64xf32>
    %slice3A_254 = vector.extract_strided_slice %add3A_66 {offsets = [196, 192], sizes = [196, 64], strides = [1, 1]} : vector<784x1152xf32> to vector<196x64xf32>
    %slice3A_255 = vector.extract_strided_slice %add3A_66 {offsets = [196, 576], sizes = [196, 64], strides = [1, 1]} : vector<784x1152xf32> to vector<196x64xf32>
    %slice3A_256 = vector.extract_strided_slice %add3A_66 {offsets = [196, 960], sizes = [196, 64], strides = [1, 1]} : vector<784x1152xf32> to vector<196x64xf32>
    %dot_general3A_257 = arith.constant dense<0.000000e+00> : vector<196x196xf32>
    %dot_general3A_258 = tpu.matmul %slice3A_254, %slice3A_255, %dot_general3A_257 {dimension_numbers = #tpu.dot_dimension_numbers<[1], [1], [0], [0], [0, 0, 1, 0], [], []>, transpose_lhs_hint = false} : vector<196x64xf32>, vector<196x64xf32>, vector<196x196xf32> -> vector<196x196xf32>
    %mul3A_259 = arith.constant 1.250000e-01 : f32
    %mul3A_260 = vector.broadcast %mul3A_259 : f32 to vector<196x196xf32>
    %mul3A_261 = arith.mulf %dot_general3A_258, %mul3A_260 : vector<196x196xf32>
    %reduce_max3A_262 = arith.constant dense<0xFF800000> : vector<196xf32>
    %reduce_max3A_263 = vector.multi_reduction <maximumf>, %mul3A_261, %reduce_max3A_262 [1] : vector<196x196xf32> to vector<196xf32>
    %broadcast_in_dim3A_264 = vector.shape_cast %reduce_max3A_263 : vector<196xf32> to vector<196x1xf32>
    %sub3A_265 = vector.broadcast %broadcast_in_dim3A_264 : vector<196x1xf32> to vector<196x196xf32>
    %sub3A_266 = arith.subf %mul3A_261, %sub3A_265 : vector<196x196xf32>
    %exp3A_267 = math.exp %sub3A_266 : vector<196x196xf32>
    %reduce_sum3A_268 = arith.constant dense<0.000000e+00> : vector<196xf32>
    %reduce_sum3A_269 = vector.multi_reduction <add>, %exp3A_267, %reduce_sum3A_268 [1] : vector<196x196xf32> to vector<196xf32>
    %broadcast_in_dim3A_270 = vector.shape_cast %reduce_sum3A_269 : vector<196xf32> to vector<196x1xf32>
    %div3A_271 = vector.broadcast %broadcast_in_dim3A_270 : vector<196x1xf32> to vector<196x196xf32>
    %div3A_272 = arith.divf %exp3A_267, %div3A_271 : vector<196x196xf32>
    %dot_general3A_273 = arith.constant dense<0.000000e+00> : vector<196x64xf32>
    %dot_general3A_274 = tpu.matmul %div3A_272, %slice3A_256, %dot_general3A_273 {dimension_numbers = #tpu.dot_dimension_numbers<[1], [0], [0], [1], [0, 0, 1, 1], [], []>, transpose_lhs_hint = false} : vector<196x196xf32>, vector<196x64xf32>, vector<196x64xf32> -> vector<196x64xf32>
    %slice3A_275 = vector.extract_strided_slice %add3A_66 {offsets = [196, 256], sizes = [196, 64], strides = [1, 1]} : vector<784x1152xf32> to vector<196x64xf32>
    %slice3A_276 = vector.extract_strided_slice %add3A_66 {offsets = [196, 640], sizes = [196, 64], strides = [1, 1]} : vector<784x1152xf32> to vector<196x64xf32>
    %slice3A_277 = vector.extract_strided_slice %add3A_66 {offsets = [196, 1024], sizes = [196, 64], strides = [1, 1]} : vector<784x1152xf32> to vector<196x64xf32>
    %dot_general3A_278 = arith.constant dense<0.000000e+00> : vector<196x196xf32>
    %dot_general3A_279 = tpu.matmul %slice3A_275, %slice3A_276, %dot_general3A_278 {dimension_numbers = #tpu.dot_dimension_numbers<[1], [1], [0], [0], [0, 0, 1, 0], [], []>, transpose_lhs_hint = false} : vector<196x64xf32>, vector<196x64xf32>, vector<196x196xf32> -> vector<196x196xf32>
    %mul3A_280 = arith.constant 1.250000e-01 : f32
    %mul3A_281 = vector.broadcast %mul3A_280 : f32 to vector<196x196xf32>
    %mul3A_282 = arith.mulf %dot_general3A_279, %mul3A_281 : vector<196x196xf32>
    %reduce_max3A_283 = arith.constant dense<0xFF800000> : vector<196xf32>
    %reduce_max3A_284 = vector.multi_reduction <maximumf>, %mul3A_282, %reduce_max3A_283 [1] : vector<196x196xf32> to vector<196xf32>
    %broadcast_in_dim3A_285 = vector.shape_cast %reduce_max3A_284 : vector<196xf32> to vector<196x1xf32>
    %sub3A_286 = vector.broadcast %broadcast_in_dim3A_285 : vector<196x1xf32> to vector<196x196xf32>
    %sub3A_287 = arith.subf %mul3A_282, %sub3A_286 : vector<196x196xf32>
    %exp3A_288 = math.exp %sub3A_287 : vector<196x196xf32>
    %reduce_sum3A_289 = arith.constant dense<0.000000e+00> : vector<196xf32>
    %reduce_sum3A_290 = vector.multi_reduction <add>, %exp3A_288, %reduce_sum3A_289 [1] : vector<196x196xf32> to vector<196xf32>
    %broadcast_in_dim3A_291 = vector.shape_cast %reduce_sum3A_290 : vector<196xf32> to vector<196x1xf32>
    %div3A_292 = vector.broadcast %broadcast_in_dim3A_291 : vector<196x1xf32> to vector<196x196xf32>
    %div3A_293 = arith.divf %exp3A_288, %div3A_292 : vector<196x196xf32>
    %dot_general3A_294 = arith.constant dense<0.000000e+00> : vector<196x64xf32>
    %dot_general3A_295 = tpu.matmul %div3A_293, %slice3A_277, %dot_general3A_294 {dimension_numbers = #tpu.dot_dimension_numbers<[1], [0], [0], [1], [0, 0, 1, 1], [], []>, transpose_lhs_hint = false} : vector<196x196xf32>, vector<196x64xf32>, vector<196x64xf32> -> vector<196x64xf32>
    %slice3A_296 = vector.extract_strided_slice %add3A_66 {offsets = [196, 320], sizes = [196, 64], strides = [1, 1]} : vector<784x1152xf32> to vector<196x64xf32>
    %slice3A_297 = vector.extract_strided_slice %add3A_66 {offsets = [196, 704], sizes = [196, 64], strides = [1, 1]} : vector<784x1152xf32> to vector<196x64xf32>
    %slice3A_298 = vector.extract_strided_slice %add3A_66 {offsets = [196, 1088], sizes = [196, 64], strides = [1, 1]} : vector<784x1152xf32> to vector<196x64xf32>
    %dot_general3A_299 = arith.constant dense<0.000000e+00> : vector<196x196xf32>
    %dot_general3A_300 = tpu.matmul %slice3A_296, %slice3A_297, %dot_general3A_299 {dimension_numbers = #tpu.dot_dimension_numbers<[1], [1], [0], [0], [0, 0, 1, 0], [], []>, transpose_lhs_hint = false} : vector<196x64xf32>, vector<196x64xf32>, vector<196x196xf32> -> vector<196x196xf32>
    %mul3A_301 = arith.constant 1.250000e-01 : f32
    %mul3A_302 = vector.broadcast %mul3A_301 : f32 to vector<196x196xf32>
    %mul3A_303 = arith.mulf %dot_general3A_300, %mul3A_302 : vector<196x196xf32>
    %reduce_max3A_304 = arith.constant dense<0xFF800000> : vector<196xf32>
    %reduce_max3A_305 = vector.multi_reduction <maximumf>, %mul3A_303, %reduce_max3A_304 [1] : vector<196x196xf32> to vector<196xf32>
    %broadcast_in_dim3A_306 = vector.shape_cast %reduce_max3A_305 : vector<196xf32> to vector<196x1xf32>
    %sub3A_307 = vector.broadcast %broadcast_in_dim3A_306 : vector<196x1xf32> to vector<196x196xf32>
    %sub3A_308 = arith.subf %mul3A_303, %sub3A_307 : vector<196x196xf32>
    %exp3A_309 = math.exp %sub3A_308 : vector<196x196xf32>
    %reduce_sum3A_310 = arith.constant dense<0.000000e+00> : vector<196xf32>
    %reduce_sum3A_311 = vector.multi_reduction <add>, %exp3A_309, %reduce_sum3A_310 [1] : vector<196x196xf32> to vector<196xf32>
    %broadcast_in_dim3A_312 = vector.shape_cast %reduce_sum3A_311 : vector<196xf32> to vector<196x1xf32>
    %div3A_313 = vector.broadcast %broadcast_in_dim3A_312 : vector<196x1xf32> to vector<196x196xf32>
    %div3A_314 = arith.divf %exp3A_309, %div3A_313 : vector<196x196xf32>
    %dot_general3A_315 = arith.constant dense<0.000000e+00> : vector<196x64xf32>
    %dot_general3A_316 = tpu.matmul %div3A_314, %slice3A_298, %dot_general3A_315 {dimension_numbers = #tpu.dot_dimension_numbers<[1], [0], [0], [1], [0, 0, 1, 1], [], []>, transpose_lhs_hint = false} : vector<196x196xf32>, vector<196x64xf32>, vector<196x64xf32> -> vector<196x64xf32>
    %concatenate3A_317 = tpu.concatenate %dot_general3A_211, %dot_general3A_232, %dot_general3A_253, %dot_general3A_274, %dot_general3A_295, %dot_general3A_316 in 1 : vector<196x64xf32>, vector<196x64xf32>, vector<196x64xf32>, vector<196x64xf32>, vector<196x64xf32>, vector<196x64xf32> -> vector<196x384xf32>
    %slice3A_318 = vector.extract_strided_slice %add3A_66 {offsets = [392, 0], sizes = [196, 64], strides = [1, 1]} : vector<784x1152xf32> to vector<196x64xf32>
    %slice3A_319 = vector.extract_strided_slice %add3A_66 {offsets = [392, 384], sizes = [196, 64], strides = [1, 1]} : vector<784x1152xf32> to vector<196x64xf32>
    %slice3A_320 = vector.extract_strided_slice %add3A_66 {offsets = [392, 768], sizes = [196, 64], strides = [1, 1]} : vector<784x1152xf32> to vector<196x64xf32>
    %dot_general3A_321 = arith.constant dense<0.000000e+00> : vector<196x196xf32>
    %dot_general3A_322 = tpu.matmul %slice3A_318, %slice3A_319, %dot_general3A_321 {dimension_numbers = #tpu.dot_dimension_numbers<[1], [1], [0], [0], [0, 0, 1, 0], [], []>, transpose_lhs_hint = false} : vector<196x64xf32>, vector<196x64xf32>, vector<196x196xf32> -> vector<196x196xf32>
    %mul3A_323 = arith.constant 1.250000e-01 : f32
    %mul3A_324 = vector.broadcast %mul3A_323 : f32 to vector<196x196xf32>
    %mul3A_325 = arith.mulf %dot_general3A_322, %mul3A_324 : vector<196x196xf32>
    %reduce_max3A_326 = arith.constant dense<0xFF800000> : vector<196xf32>
    %reduce_max3A_327 = vector.multi_reduction <maximumf>, %mul3A_325, %reduce_max3A_326 [1] : vector<196x196xf32> to vector<196xf32>
    %broadcast_in_dim3A_328 = vector.shape_cast %reduce_max3A_327 : vector<196xf32> to vector<196x1xf32>
    %sub3A_329 = vector.broadcast %broadcast_in_dim3A_328 : vector<196x1xf32> to vector<196x196xf32>
    %sub3A_330 = arith.subf %mul3A_325, %sub3A_329 : vector<196x196xf32>
    %exp3A_331 = math.exp %sub3A_330 : vector<196x196xf32>
    %reduce_sum3A_332 = arith.constant dense<0.000000e+00> : vector<196xf32>
    %reduce_sum3A_333 = vector.multi_reduction <add>, %exp3A_331, %reduce_sum3A_332 [1] : vector<196x196xf32> to vector<196xf32>
    %broadcast_in_dim3A_334 = vector.shape_cast %reduce_sum3A_333 : vector<196xf32> to vector<196x1xf32>
    %div3A_335 = vector.broadcast %broadcast_in_dim3A_334 : vector<196x1xf32> to vector<196x196xf32>
    %div3A_336 = arith.divf %exp3A_331, %div3A_335 : vector<196x196xf32>
    %dot_general3A_337 = arith.constant dense<0.000000e+00> : vector<196x64xf32>
    %dot_general3A_338 = tpu.matmul %div3A_336, %slice3A_320, %dot_general3A_337 {dimension_numbers = #tpu.dot_dimension_numbers<[1], [0], [0], [1], [0, 0, 1, 1], [], []>, transpose_lhs_hint = false} : vector<196x196xf32>, vector<196x64xf32>, vector<196x64xf32> -> vector<196x64xf32>
    %slice3A_339 = vector.extract_strided_slice %add3A_66 {offsets = [392, 64], sizes = [196, 64], strides = [1, 1]} : vector<784x1152xf32> to vector<196x64xf32>
    %slice3A_340 = vector.extract_strided_slice %add3A_66 {offsets = [392, 448], sizes = [196, 64], strides = [1, 1]} : vector<784x1152xf32> to vector<196x64xf32>
    %slice3A_341 = vector.extract_strided_slice %add3A_66 {offsets = [392, 832], sizes = [196, 64], strides = [1, 1]} : vector<784x1152xf32> to vector<196x64xf32>
    %dot_general3A_342 = arith.constant dense<0.000000e+00> : vector<196x196xf32>
    %dot_general3A_343 = tpu.matmul %slice3A_339, %slice3A_340, %dot_general3A_342 {dimension_numbers = #tpu.dot_dimension_numbers<[1], [1], [0], [0], [0, 0, 1, 0], [], []>, transpose_lhs_hint = false} : vector<196x64xf32>, vector<196x64xf32>, vector<196x196xf32> -> vector<196x196xf32>
    %mul3A_344 = arith.constant 1.250000e-01 : f32
    %mul3A_345 = vector.broadcast %mul3A_344 : f32 to vector<196x196xf32>
    %mul3A_346 = arith.mulf %dot_general3A_343, %mul3A_345 : vector<196x196xf32>
    %reduce_max3A_347 = arith.constant dense<0xFF800000> : vector<196xf32>
    %reduce_max3A_348 = vector.multi_reduction <maximumf>, %mul3A_346, %reduce_max3A_347 [1] : vector<196x196xf32> to vector<196xf32>
    %broadcast_in_dim3A_349 = vector.shape_cast %reduce_max3A_348 : vector<196xf32> to vector<196x1xf32>
    %sub3A_350 = vector.broadcast %broadcast_in_dim3A_349 : vector<196x1xf32> to vector<196x196xf32>
    %sub3A_351 = arith.subf %mul3A_346, %sub3A_350 : vector<196x196xf32>
    %exp3A_352 = math.exp %sub3A_351 : vector<196x196xf32>
    %reduce_sum3A_353 = arith.constant dense<0.000000e+00> : vector<196xf32>
    %reduce_sum3A_354 = vector.multi_reduction <add>, %exp3A_352, %reduce_sum3A_353 [1] : vector<196x196xf32> to vector<196xf32>
    %broadcast_in_dim3A_355 = vector.shape_cast %reduce_sum3A_354 : vector<196xf32> to vector<196x1xf32>
    %div3A_356 = vector.broadcast %broadcast_in_dim3A_355 : vector<196x1xf32> to vector<196x196xf32>
    %div3A_357 = arith.divf %exp3A_352, %div3A_356 : vector<196x196xf32>
    %dot_general3A_358 = arith.constant dense<0.000000e+00> : vector<196x64xf32>
    %dot_general3A_359 = tpu.matmul %div3A_357, %slice3A_341, %dot_general3A_358 {dimension_numbers = #tpu.dot_dimension_numbers<[1], [0], [0], [1], [0, 0, 1, 1], [], []>, transpose_lhs_hint = false} : vector<196x196xf32>, vector<196x64xf32>, vector<196x64xf32> -> vector<196x64xf32>
    %slice3A_360 = vector.extract_strided_slice %add3A_66 {offsets = [392, 128], sizes = [196, 64], strides = [1, 1]} : vector<784x1152xf32> to vector<196x64xf32>
    %slice3A_361 = vector.extract_strided_slice %add3A_66 {offsets = [392, 512], sizes = [196, 64], strides = [1, 1]} : vector<784x1152xf32> to vector<196x64xf32>
    %slice3A_362 = vector.extract_strided_slice %add3A_66 {offsets = [392, 896], sizes = [196, 64], strides = [1, 1]} : vector<784x1152xf32> to vector<196x64xf32>
    %dot_general3A_363 = arith.constant dense<0.000000e+00> : vector<196x196xf32>
    %dot_general3A_364 = tpu.matmul %slice3A_360, %slice3A_361, %dot_general3A_363 {dimension_numbers = #tpu.dot_dimension_numbers<[1], [1], [0], [0], [0, 0, 1, 0], [], []>, transpose_lhs_hint = false} : vector<196x64xf32>, vector<196x64xf32>, vector<196x196xf32> -> vector<196x196xf32>
    %mul3A_365 = arith.constant 1.250000e-01 : f32
    %mul3A_366 = vector.broadcast %mul3A_365 : f32 to vector<196x196xf32>
    %mul3A_367 = arith.mulf %dot_general3A_364, %mul3A_366 : vector<196x196xf32>
    %reduce_max3A_368 = arith.constant dense<0xFF800000> : vector<196xf32>
    %reduce_max3A_369 = vector.multi_reduction <maximumf>, %mul3A_367, %reduce_max3A_368 [1] : vector<196x196xf32> to vector<196xf32>
    %broadcast_in_dim3A_370 = vector.shape_cast %reduce_max3A_369 : vector<196xf32> to vector<196x1xf32>
    %sub3A_371 = vector.broadcast %broadcast_in_dim3A_370 : vector<196x1xf32> to vector<196x196xf32>
    %sub3A_372 = arith.subf %mul3A_367, %sub3A_371 : vector<196x196xf32>
    %exp3A_373 = math.exp %sub3A_372 : vector<196x196xf32>
    %reduce_sum3A_374 = arith.constant dense<0.000000e+00> : vector<196xf32>
    %reduce_sum3A_375 = vector.multi_reduction <add>, %exp3A_373, %reduce_sum3A_374 [1] : vector<196x196xf32> to vector<196xf32>
    %broadcast_in_dim3A_376 = vector.shape_cast %reduce_sum3A_375 : vector<196xf32> to vector<196x1xf32>
    %div3A_377 = vector.broadcast %broadcast_in_dim3A_376 : vector<196x1xf32> to vector<196x196xf32>
    %div3A_378 = arith.divf %exp3A_373, %div3A_377 : vector<196x196xf32>
    %dot_general3A_379 = arith.constant dense<0.000000e+00> : vector<196x64xf32>
    %dot_general3A_380 = tpu.matmul %div3A_378, %slice3A_362, %dot_general3A_379 {dimension_numbers = #tpu.dot_dimension_numbers<[1], [0], [0], [1], [0, 0, 1, 1], [], []>, transpose_lhs_hint = false} : vector<196x196xf32>, vector<196x64xf32>, vector<196x64xf32> -> vector<196x64xf32>
    %slice3A_381 = vector.extract_strided_slice %add3A_66 {offsets = [392, 192], sizes = [196, 64], strides = [1, 1]} : vector<784x1152xf32> to vector<196x64xf32>
    %slice3A_382 = vector.extract_strided_slice %add3A_66 {offsets = [392, 576], sizes = [196, 64], strides = [1, 1]} : vector<784x1152xf32> to vector<196x64xf32>
    %slice3A_383 = vector.extract_strided_slice %add3A_66 {offsets = [392, 960], sizes = [196, 64], strides = [1, 1]} : vector<784x1152xf32> to vector<196x64xf32>
    %dot_general3A_384 = arith.constant dense<0.000000e+00> : vector<196x196xf32>
    %dot_general3A_385 = tpu.matmul %slice3A_381, %slice3A_382, %dot_general3A_384 {dimension_numbers = #tpu.dot_dimension_numbers<[1], [1], [0], [0], [0, 0, 1, 0], [], []>, transpose_lhs_hint = false} : vector<196x64xf32>, vector<196x64xf32>, vector<196x196xf32> -> vector<196x196xf32>
    %mul3A_386 = arith.constant 1.250000e-01 : f32
    %mul3A_387 = vector.broadcast %mul3A_386 : f32 to vector<196x196xf32>
    %mul3A_388 = arith.mulf %dot_general3A_385, %mul3A_387 : vector<196x196xf32>
    %reduce_max3A_389 = arith.constant dense<0xFF800000> : vector<196xf32>
    %reduce_max3A_390 = vector.multi_reduction <maximumf>, %mul3A_388, %reduce_max3A_389 [1] : vector<196x196xf32> to vector<196xf32>
    %broadcast_in_dim3A_391 = vector.shape_cast %reduce_max3A_390 : vector<196xf32> to vector<196x1xf32>
    %sub3A_392 = vector.broadcast %broadcast_in_dim3A_391 : vector<196x1xf32> to vector<196x196xf32>
    %sub3A_393 = arith.subf %mul3A_388, %sub3A_392 : vector<196x196xf32>
    %exp3A_394 = math.exp %sub3A_393 : vector<196x196xf32>
    %reduce_sum3A_395 = arith.constant dense<0.000000e+00> : vector<196xf32>
    %reduce_sum3A_396 = vector.multi_reduction <add>, %exp3A_394, %reduce_sum3A_395 [1] : vector<196x196xf32> to vector<196xf32>
    %broadcast_in_dim3A_397 = vector.shape_cast %reduce_sum3A_396 : vector<196xf32> to vector<196x1xf32>
    %div3A_398 = vector.broadcast %broadcast_in_dim3A_397 : vector<196x1xf32> to vector<196x196xf32>
    %div3A_399 = arith.divf %exp3A_394, %div3A_398 : vector<196x196xf32>
    %dot_general3A_400 = arith.constant dense<0.000000e+00> : vector<196x64xf32>
    %dot_general3A_401 = tpu.matmul %div3A_399, %slice3A_383, %dot_general3A_400 {dimension_numbers = #tpu.dot_dimension_numbers<[1], [0], [0], [1], [0, 0, 1, 1], [], []>, transpose_lhs_hint = false} : vector<196x196xf32>, vector<196x64xf32>, vector<196x64xf32> -> vector<196x64xf32>
    %slice3A_402 = vector.extract_strided_slice %add3A_66 {offsets = [392, 256], sizes = [196, 64], strides = [1, 1]} : vector<784x1152xf32> to vector<196x64xf32>
    %slice3A_403 = vector.extract_strided_slice %add3A_66 {offsets = [392, 640], sizes = [196, 64], strides = [1, 1]} : vector<784x1152xf32> to vector<196x64xf32>
    %slice3A_404 = vector.extract_strided_slice %add3A_66 {offsets = [392, 1024], sizes = [196, 64], strides = [1, 1]} : vector<784x1152xf32> to vector<196x64xf32>
    %dot_general3A_405 = arith.constant dense<0.000000e+00> : vector<196x196xf32>
    %dot_general3A_406 = tpu.matmul %slice3A_402, %slice3A_403, %dot_general3A_405 {dimension_numbers = #tpu.dot_dimension_numbers<[1], [1], [0], [0], [0, 0, 1, 0], [], []>, transpose_lhs_hint = false} : vector<196x64xf32>, vector<196x64xf32>, vector<196x196xf32> -> vector<196x196xf32>
    %mul3A_407 = arith.constant 1.250000e-01 : f32
    %mul3A_408 = vector.broadcast %mul3A_407 : f32 to vector<196x196xf32>
    %mul3A_409 = arith.mulf %dot_general3A_406, %mul3A_408 : vector<196x196xf32>
    %reduce_max3A_410 = arith.constant dense<0xFF800000> : vector<196xf32>
    %reduce_max3A_411 = vector.multi_reduction <maximumf>, %mul3A_409, %reduce_max3A_410 [1] : vector<196x196xf32> to vector<196xf32>
    %broadcast_in_dim3A_412 = vector.shape_cast %reduce_max3A_411 : vector<196xf32> to vector<196x1xf32>
    %sub3A_413 = vector.broadcast %broadcast_in_dim3A_412 : vector<196x1xf32> to vector<196x196xf32>
    %sub3A_414 = arith.subf %mul3A_409, %sub3A_413 : vector<196x196xf32>
    %exp3A_415 = math.exp %sub3A_414 : vector<196x196xf32>
    %reduce_sum3A_416 = arith.constant dense<0.000000e+00> : vector<196xf32>
    %reduce_sum3A_417 = vector.multi_reduction <add>, %exp3A_415, %reduce_sum3A_416 [1] : vector<196x196xf32> to vector<196xf32>
    %broadcast_in_dim3A_418 = vector.shape_cast %reduce_sum3A_417 : vector<196xf32> to vector<196x1xf32>
    %div3A_419 = vector.broadcast %broadcast_in_dim3A_418 : vector<196x1xf32> to vector<196x196xf32>
    %div3A_420 = arith.divf %exp3A_415, %div3A_419 : vector<196x196xf32>
    %dot_general3A_421 = arith.constant dense<0.000000e+00> : vector<196x64xf32>
    %dot_general3A_422 = tpu.matmul %div3A_420, %slice3A_404, %dot_general3A_421 {dimension_numbers = #tpu.dot_dimension_numbers<[1], [0], [0], [1], [0, 0, 1, 1], [], []>, transpose_lhs_hint = false} : vector<196x196xf32>, vector<196x64xf32>, vector<196x64xf32> -> vector<196x64xf32>
    %slice3A_423 = vector.extract_strided_slice %add3A_66 {offsets = [392, 320], sizes = [196, 64], strides = [1, 1]} : vector<784x1152xf32> to vector<196x64xf32>
    %slice3A_424 = vector.extract_strided_slice %add3A_66 {offsets = [392, 704], sizes = [196, 64], strides = [1, 1]} : vector<784x1152xf32> to vector<196x64xf32>
    %slice3A_425 = vector.extract_strided_slice %add3A_66 {offsets = [392, 1088], sizes = [196, 64], strides = [1, 1]} : vector<784x1152xf32> to vector<196x64xf32>
    %dot_general3A_426 = arith.constant dense<0.000000e+00> : vector<196x196xf32>
    %dot_general3A_427 = tpu.matmul %slice3A_423, %slice3A_424, %dot_general3A_426 {dimension_numbers = #tpu.dot_dimension_numbers<[1], [1], [0], [0], [0, 0, 1, 0], [], []>, transpose_lhs_hint = false} : vector<196x64xf32>, vector<196x64xf32>, vector<196x196xf32> -> vector<196x196xf32>
    %mul3A_428 = arith.constant 1.250000e-01 : f32
    %mul3A_429 = vector.broadcast %mul3A_428 : f32 to vector<196x196xf32>
    %mul3A_430 = arith.mulf %dot_general3A_427, %mul3A_429 : vector<196x196xf32>
    %reduce_max3A_431 = arith.constant dense<0xFF800000> : vector<196xf32>
    %reduce_max3A_432 = vector.multi_reduction <maximumf>, %mul3A_430, %reduce_max3A_431 [1] : vector<196x196xf32> to vector<196xf32>
    %broadcast_in_dim3A_433 = vector.shape_cast %reduce_max3A_432 : vector<196xf32> to vector<196x1xf32>
    %sub3A_434 = vector.broadcast %broadcast_in_dim3A_433 : vector<196x1xf32> to vector<196x196xf32>
    %sub3A_435 = arith.subf %mul3A_430, %sub3A_434 : vector<196x196xf32>
    %exp3A_436 = math.exp %sub3A_435 : vector<196x196xf32>
    %reduce_sum3A_437 = arith.constant dense<0.000000e+00> : vector<196xf32>
    %reduce_sum3A_438 = vector.multi_reduction <add>, %exp3A_436, %reduce_sum3A_437 [1] : vector<196x196xf32> to vector<196xf32>
    %broadcast_in_dim3A_439 = vector.shape_cast %reduce_sum3A_438 : vector<196xf32> to vector<196x1xf32>
    %div3A_440 = vector.broadcast %broadcast_in_dim3A_439 : vector<196x1xf32> to vector<196x196xf32>
    %div3A_441 = arith.divf %exp3A_436, %div3A_440 : vector<196x196xf32>
    %dot_general3A_442 = arith.constant dense<0.000000e+00> : vector<196x64xf32>
    %dot_general3A_443 = tpu.matmul %div3A_441, %slice3A_425, %dot_general3A_442 {dimension_numbers = #tpu.dot_dimension_numbers<[1], [0], [0], [1], [0, 0, 1, 1], [], []>, transpose_lhs_hint = false} : vector<196x196xf32>, vector<196x64xf32>, vector<196x64xf32> -> vector<196x64xf32>
    %concatenate3A_444 = tpu.concatenate %dot_general3A_338, %dot_general3A_359, %dot_general3A_380, %dot_general3A_401, %dot_general3A_422, %dot_general3A_443 in 1 : vector<196x64xf32>, vector<196x64xf32>, vector<196x64xf32>, vector<196x64xf32>, vector<196x64xf32>, vector<196x64xf32> -> vector<196x384xf32>
    %slice3A_445 = vector.extract_strided_slice %add3A_66 {offsets = [588, 0], sizes = [196, 64], strides = [1, 1]} : vector<784x1152xf32> to vector<196x64xf32>
    %slice3A_446 = vector.extract_strided_slice %add3A_66 {offsets = [588, 384], sizes = [196, 64], strides = [1, 1]} : vector<784x1152xf32> to vector<196x64xf32>
    %slice3A_447 = vector.extract_strided_slice %add3A_66 {offsets = [588, 768], sizes = [196, 64], strides = [1, 1]} : vector<784x1152xf32> to vector<196x64xf32>
    %dot_general3A_448 = arith.constant dense<0.000000e+00> : vector<196x196xf32>
    %dot_general3A_449 = tpu.matmul %slice3A_445, %slice3A_446, %dot_general3A_448 {dimension_numbers = #tpu.dot_dimension_numbers<[1], [1], [0], [0], [0, 0, 1, 0], [], []>, transpose_lhs_hint = false} : vector<196x64xf32>, vector<196x64xf32>, vector<196x196xf32> -> vector<196x196xf32>
    %mul3A_450 = arith.constant 1.250000e-01 : f32
    %mul3A_451 = vector.broadcast %mul3A_450 : f32 to vector<196x196xf32>
    %mul3A_452 = arith.mulf %dot_general3A_449, %mul3A_451 : vector<196x196xf32>
    %reduce_max3A_453 = arith.constant dense<0xFF800000> : vector<196xf32>
    %reduce_max3A_454 = vector.multi_reduction <maximumf>, %mul3A_452, %reduce_max3A_453 [1] : vector<196x196xf32> to vector<196xf32>
    %broadcast_in_dim3A_455 = vector.shape_cast %reduce_max3A_454 : vector<196xf32> to vector<196x1xf32>
    %sub3A_456 = vector.broadcast %broadcast_in_dim3A_455 : vector<196x1xf32> to vector<196x196xf32>
    %sub3A_457 = arith.subf %mul3A_452, %sub3A_456 : vector<196x196xf32>
    %exp3A_458 = math.exp %sub3A_457 : vector<196x196xf32>
    %reduce_sum3A_459 = arith.constant dense<0.000000e+00> : vector<196xf32>
    %reduce_sum3A_460 = vector.multi_reduction <add>, %exp3A_458, %reduce_sum3A_459 [1] : vector<196x196xf32> to vector<196xf32>
    %broadcast_in_dim3A_461 = vector.shape_cast %reduce_sum3A_460 : vector<196xf32> to vector<196x1xf32>
    %div3A_462 = vector.broadcast %broadcast_in_dim3A_461 : vector<196x1xf32> to vector<196x196xf32>
    %div3A_463 = arith.divf %exp3A_458, %div3A_462 : vector<196x196xf32>
    %dot_general3A_464 = arith.constant dense<0.000000e+00> : vector<196x64xf32>
    %dot_general3A_465 = tpu.matmul %div3A_463, %slice3A_447, %dot_general3A_464 {dimension_numbers = #tpu.dot_dimension_numbers<[1], [0], [0], [1], [0, 0, 1, 1], [], []>, transpose_lhs_hint = false} : vector<196x196xf32>, vector<196x64xf32>, vector<196x64xf32> -> vector<196x64xf32>
    %slice3A_466 = vector.extract_strided_slice %add3A_66 {offsets = [588, 64], sizes = [196, 64], strides = [1, 1]} : vector<784x1152xf32> to vector<196x64xf32>
    %slice3A_467 = vector.extract_strided_slice %add3A_66 {offsets = [588, 448], sizes = [196, 64], strides = [1, 1]} : vector<784x1152xf32> to vector<196x64xf32>
    %slice3A_468 = vector.extract_strided_slice %add3A_66 {offsets = [588, 832], sizes = [196, 64], strides = [1, 1]} : vector<784x1152xf32> to vector<196x64xf32>
    %dot_general3A_469 = arith.constant dense<0.000000e+00> : vector<196x196xf32>
    %dot_general3A_470 = tpu.matmul %slice3A_466, %slice3A_467, %dot_general3A_469 {dimension_numbers = #tpu.dot_dimension_numbers<[1], [1], [0], [0], [0, 0, 1, 0], [], []>, transpose_lhs_hint = false} : vector<196x64xf32>, vector<196x64xf32>, vector<196x196xf32> -> vector<196x196xf32>
    %mul3A_471 = arith.constant 1.250000e-01 : f32
    %mul3A_472 = vector.broadcast %mul3A_471 : f32 to vector<196x196xf32>
    %mul3A_473 = arith.mulf %dot_general3A_470, %mul3A_472 : vector<196x196xf32>
    %reduce_max3A_474 = arith.constant dense<0xFF800000> : vector<196xf32>
    %reduce_max3A_475 = vector.multi_reduction <maximumf>, %mul3A_473, %reduce_max3A_474 [1] : vector<196x196xf32> to vector<196xf32>
    %broadcast_in_dim3A_476 = vector.shape_cast %reduce_max3A_475 : vector<196xf32> to vector<196x1xf32>
    %sub3A_477 = vector.broadcast %broadcast_in_dim3A_476 : vector<196x1xf32> to vector<196x196xf32>
    %sub3A_478 = arith.subf %mul3A_473, %sub3A_477 : vector<196x196xf32>
    %exp3A_479 = math.exp %sub3A_478 : vector<196x196xf32>
    %reduce_sum3A_480 = arith.constant dense<0.000000e+00> : vector<196xf32>
    %reduce_sum3A_481 = vector.multi_reduction <add>, %exp3A_479, %reduce_sum3A_480 [1] : vector<196x196xf32> to vector<196xf32>
    %broadcast_in_dim3A_482 = vector.shape_cast %reduce_sum3A_481 : vector<196xf32> to vector<196x1xf32>
    %div3A_483 = vector.broadcast %broadcast_in_dim3A_482 : vector<196x1xf32> to vector<196x196xf32>
    %div3A_484 = arith.divf %exp3A_479, %div3A_483 : vector<196x196xf32>
    %dot_general3A_485 = arith.constant dense<0.000000e+00> : vector<196x64xf32>
    %dot_general3A_486 = tpu.matmul %div3A_484, %slice3A_468, %dot_general3A_485 {dimension_numbers = #tpu.dot_dimension_numbers<[1], [0], [0], [1], [0, 0, 1, 1], [], []>, transpose_lhs_hint = false} : vector<196x196xf32>, vector<196x64xf32>, vector<196x64xf32> -> vector<196x64xf32>
    %slice3A_487 = vector.extract_strided_slice %add3A_66 {offsets = [588, 128], sizes = [196, 64], strides = [1, 1]} : vector<784x1152xf32> to vector<196x64xf32>
    %slice3A_488 = vector.extract_strided_slice %add3A_66 {offsets = [588, 512], sizes = [196, 64], strides = [1, 1]} : vector<784x1152xf32> to vector<196x64xf32>
    %slice3A_489 = vector.extract_strided_slice %add3A_66 {offsets = [588, 896], sizes = [196, 64], strides = [1, 1]} : vector<784x1152xf32> to vector<196x64xf32>
    %dot_general3A_490 = arith.constant dense<0.000000e+00> : vector<196x196xf32>
    %dot_general3A_491 = tpu.matmul %slice3A_487, %slice3A_488, %dot_general3A_490 {dimension_numbers = #tpu.dot_dimension_numbers<[1], [1], [0], [0], [0, 0, 1, 0], [], []>, transpose_lhs_hint = false} : vector<196x64xf32>, vector<196x64xf32>, vector<196x196xf32> -> vector<196x196xf32>
    %mul3A_492 = arith.constant 1.250000e-01 : f32
    %mul3A_493 = vector.broadcast %mul3A_492 : f32 to vector<196x196xf32>
    %mul3A_494 = arith.mulf %dot_general3A_491, %mul3A_493 : vector<196x196xf32>
    %reduce_max3A_495 = arith.constant dense<0xFF800000> : vector<196xf32>
    %reduce_max3A_496 = vector.multi_reduction <maximumf>, %mul3A_494, %reduce_max3A_495 [1] : vector<196x196xf32> to vector<196xf32>
    %broadcast_in_dim3A_497 = vector.shape_cast %reduce_max3A_496 : vector<196xf32> to vector<196x1xf32>
    %sub3A_498 = vector.broadcast %broadcast_in_dim3A_497 : vector<196x1xf32> to vector<196x196xf32>
    %sub3A_499 = arith.subf %mul3A_494, %sub3A_498 : vector<196x196xf32>
    %exp3A_500 = math.exp %sub3A_499 : vector<196x196xf32>
    %reduce_sum3A_501 = arith.constant dense<0.000000e+00> : vector<196xf32>
    %reduce_sum3A_502 = vector.multi_reduction <add>, %exp3A_500, %reduce_sum3A_501 [1] : vector<196x196xf32> to vector<196xf32>
    %broadcast_in_dim3A_503 = vector.shape_cast %reduce_sum3A_502 : vector<196xf32> to vector<196x1xf32>
    %div3A_504 = vector.broadcast %broadcast_in_dim3A_503 : vector<196x1xf32> to vector<196x196xf32>
    %div3A_505 = arith.divf %exp3A_500, %div3A_504 : vector<196x196xf32>
    %dot_general3A_506 = arith.constant dense<0.000000e+00> : vector<196x64xf32>
    %dot_general3A_507 = tpu.matmul %div3A_505, %slice3A_489, %dot_general3A_506 {dimension_numbers = #tpu.dot_dimension_numbers<[1], [0], [0], [1], [0, 0, 1, 1], [], []>, transpose_lhs_hint = false} : vector<196x196xf32>, vector<196x64xf32>, vector<196x64xf32> -> vector<196x64xf32>
    %slice3A_508 = vector.extract_strided_slice %add3A_66 {offsets = [588, 192], sizes = [196, 64], strides = [1, 1]} : vector<784x1152xf32> to vector<196x64xf32>
    %slice3A_509 = vector.extract_strided_slice %add3A_66 {offsets = [588, 576], sizes = [196, 64], strides = [1, 1]} : vector<784x1152xf32> to vector<196x64xf32>
    %slice3A_510 = vector.extract_strided_slice %add3A_66 {offsets = [588, 960], sizes = [196, 64], strides = [1, 1]} : vector<784x1152xf32> to vector<196x64xf32>
    %dot_general3A_511 = arith.constant dense<0.000000e+00> : vector<196x196xf32>
    %dot_general3A_512 = tpu.matmul %slice3A_508, %slice3A_509, %dot_general3A_511 {dimension_numbers = #tpu.dot_dimension_numbers<[1], [1], [0], [0], [0, 0, 1, 0], [], []>, transpose_lhs_hint = false} : vector<196x64xf32>, vector<196x64xf32>, vector<196x196xf32> -> vector<196x196xf32>
    %mul3A_513 = arith.constant 1.250000e-01 : f32
    %mul3A_514 = vector.broadcast %mul3A_513 : f32 to vector<196x196xf32>
    %mul3A_515 = arith.mulf %dot_general3A_512, %mul3A_514 : vector<196x196xf32>
    %reduce_max3A_516 = arith.constant dense<0xFF800000> : vector<196xf32>
    %reduce_max3A_517 = vector.multi_reduction <maximumf>, %mul3A_515, %reduce_max3A_516 [1] : vector<196x196xf32> to vector<196xf32>
    %broadcast_in_dim3A_518 = vector.shape_cast %reduce_max3A_517 : vector<196xf32> to vector<196x1xf32>
    %sub3A_519 = vector.broadcast %broadcast_in_dim3A_518 : vector<196x1xf32> to vector<196x196xf32>
    %sub3A_520 = arith.subf %mul3A_515, %sub3A_519 : vector<196x196xf32>
    %exp3A_521 = math.exp %sub3A_520 : vector<196x196xf32>
    %reduce_sum3A_522 = arith.constant dense<0.000000e+00> : vector<196xf32>
    %reduce_sum3A_523 = vector.multi_reduction <add>, %exp3A_521, %reduce_sum3A_522 [1] : vector<196x196xf32> to vector<196xf32>
    %broadcast_in_dim3A_524 = vector.shape_cast %reduce_sum3A_523 : vector<196xf32> to vector<196x1xf32>
    %div3A_525 = vector.broadcast %broadcast_in_dim3A_524 : vector<196x1xf32> to vector<196x196xf32>
    %div3A_526 = arith.divf %exp3A_521, %div3A_525 : vector<196x196xf32>
    %dot_general3A_527 = arith.constant dense<0.000000e+00> : vector<196x64xf32>
    %dot_general3A_528 = tpu.matmul %div3A_526, %slice3A_510, %dot_general3A_527 {dimension_numbers = #tpu.dot_dimension_numbers<[1], [0], [0], [1], [0, 0, 1, 1], [], []>, transpose_lhs_hint = false} : vector<196x196xf32>, vector<196x64xf32>, vector<196x64xf32> -> vector<196x64xf32>
    %slice3A_529 = vector.extract_strided_slice %add3A_66 {offsets = [588, 256], sizes = [196, 64], strides = [1, 1]} : vector<784x1152xf32> to vector<196x64xf32>
    %slice3A_530 = vector.extract_strided_slice %add3A_66 {offsets = [588, 640], sizes = [196, 64], strides = [1, 1]} : vector<784x1152xf32> to vector<196x64xf32>
    %slice3A_531 = vector.extract_strided_slice %add3A_66 {offsets = [588, 1024], sizes = [196, 64], strides = [1, 1]} : vector<784x1152xf32> to vector<196x64xf32>
    %dot_general3A_532 = arith.constant dense<0.000000e+00> : vector<196x196xf32>
    %dot_general3A_533 = tpu.matmul %slice3A_529, %slice3A_530, %dot_general3A_532 {dimension_numbers = #tpu.dot_dimension_numbers<[1], [1], [0], [0], [0, 0, 1, 0], [], []>, transpose_lhs_hint = false} : vector<196x64xf32>, vector<196x64xf32>, vector<196x196xf32> -> vector<196x196xf32>
    %mul3A_534 = arith.constant 1.250000e-01 : f32
    %mul3A_535 = vector.broadcast %mul3A_534 : f32 to vector<196x196xf32>
    %mul3A_536 = arith.mulf %dot_general3A_533, %mul3A_535 : vector<196x196xf32>
    %reduce_max3A_537 = arith.constant dense<0xFF800000> : vector<196xf32>
    %reduce_max3A_538 = vector.multi_reduction <maximumf>, %mul3A_536, %reduce_max3A_537 [1] : vector<196x196xf32> to vector<196xf32>
    %broadcast_in_dim3A_539 = vector.shape_cast %reduce_max3A_538 : vector<196xf32> to vector<196x1xf32>
    %sub3A_540 = vector.broadcast %broadcast_in_dim3A_539 : vector<196x1xf32> to vector<196x196xf32>
    %sub3A_541 = arith.subf %mul3A_536, %sub3A_540 : vector<196x196xf32>
    %exp3A_542 = math.exp %sub3A_541 : vector<196x196xf32>
    %reduce_sum3A_543 = arith.constant dense<0.000000e+00> : vector<196xf32>
    %reduce_sum3A_544 = vector.multi_reduction <add>, %exp3A_542, %reduce_sum3A_543 [1] : vector<196x196xf32> to vector<196xf32>
    %broadcast_in_dim3A_545 = vector.shape_cast %reduce_sum3A_544 : vector<196xf32> to vector<196x1xf32>
    %div3A_546 = vector.broadcast %broadcast_in_dim3A_545 : vector<196x1xf32> to vector<196x196xf32>
    %div3A_547 = arith.divf %exp3A_542, %div3A_546 : vector<196x196xf32>
    %dot_general3A_548 = arith.constant dense<0.000000e+00> : vector<196x64xf32>
    %dot_general3A_549 = tpu.matmul %div3A_547, %slice3A_531, %dot_general3A_548 {dimension_numbers = #tpu.dot_dimension_numbers<[1], [0], [0], [1], [0, 0, 1, 1], [], []>, transpose_lhs_hint = false} : vector<196x196xf32>, vector<196x64xf32>, vector<196x64xf32> -> vector<196x64xf32>
    %slice3A_550 = vector.extract_strided_slice %add3A_66 {offsets = [588, 320], sizes = [196, 64], strides = [1, 1]} : vector<784x1152xf32> to vector<196x64xf32>
    %slice3A_551 = vector.extract_strided_slice %add3A_66 {offsets = [588, 704], sizes = [196, 64], strides = [1, 1]} : vector<784x1152xf32> to vector<196x64xf32>
    %slice3A_552 = vector.extract_strided_slice %add3A_66 {offsets = [588, 1088], sizes = [196, 64], strides = [1, 1]} : vector<784x1152xf32> to vector<196x64xf32>
    %dot_general3A_553 = arith.constant dense<0.000000e+00> : vector<196x196xf32>
    %dot_general3A_554 = tpu.matmul %slice3A_550, %slice3A_551, %dot_general3A_553 {dimension_numbers = #tpu.dot_dimension_numbers<[1], [1], [0], [0], [0, 0, 1, 0], [], []>, transpose_lhs_hint = false} : vector<196x64xf32>, vector<196x64xf32>, vector<196x196xf32> -> vector<196x196xf32>
    %mul3A_555 = arith.constant 1.250000e-01 : f32
    %mul3A_556 = vector.broadcast %mul3A_555 : f32 to vector<196x196xf32>
    %mul3A_557 = arith.mulf %dot_general3A_554, %mul3A_556 : vector<196x196xf32>
    %reduce_max3A_558 = arith.constant dense<0xFF800000> : vector<196xf32>
    %reduce_max3A_559 = vector.multi_reduction <maximumf>, %mul3A_557, %reduce_max3A_558 [1] : vector<196x196xf32> to vector<196xf32>
    %broadcast_in_dim3A_560 = vector.shape_cast %reduce_max3A_559 : vector<196xf32> to vector<196x1xf32>
    %sub3A_561 = vector.broadcast %broadcast_in_dim3A_560 : vector<196x1xf32> to vector<196x196xf32>
    %sub3A_562 = arith.subf %mul3A_557, %sub3A_561 : vector<196x196xf32>
    %exp3A_563 = math.exp %sub3A_562 : vector<196x196xf32>
    %reduce_sum3A_564 = arith.constant dense<0.000000e+00> : vector<196xf32>
    %reduce_sum3A_565 = vector.multi_reduction <add>, %exp3A_563, %reduce_sum3A_564 [1] : vector<196x196xf32> to vector<196xf32>
    %broadcast_in_dim3A_566 = vector.shape_cast %reduce_sum3A_565 : vector<196xf32> to vector<196x1xf32>
    %div3A_567 = vector.broadcast %broadcast_in_dim3A_566 : vector<196x1xf32> to vector<196x196xf32>
    %div3A_568 = arith.divf %exp3A_563, %div3A_567 : vector<196x196xf32>
    %dot_general3A_569 = arith.constant dense<0.000000e+00> : vector<196x64xf32>
    %dot_general3A_570 = tpu.matmul %div3A_568, %slice3A_552, %dot_general3A_569 {dimension_numbers = #tpu.dot_dimension_numbers<[1], [0], [0], [1], [0, 0, 1, 1], [], []>, transpose_lhs_hint = false} : vector<196x196xf32>, vector<196x64xf32>, vector<196x64xf32> -> vector<196x64xf32>
    %concatenate3A_571 = tpu.concatenate %dot_general3A_465, %dot_general3A_486, %dot_general3A_507, %dot_general3A_528, %dot_general3A_549, %dot_general3A_570 in 1 : vector<196x64xf32>, vector<196x64xf32>, vector<196x64xf32>, vector<196x64xf32>, vector<196x64xf32>, vector<196x64xf32> -> vector<196x384xf32>
    %concatenate3A_572 = tpu.concatenate %concatenate3A_190, %concatenate3A_317, %concatenate3A_444, %concatenate3A_571 in 0 : vector<196x384xf32>, vector<196x384xf32>, vector<196x384xf32>, vector<196x384xf32> -> vector<784x384xf32>
    %get3A_573 = arith.constant 0 : index
    %get3A_574 = arith.constant 0 : index
    %get3A_575 = vector.load %arg9[%get3A_573, %get3A_574] : memref<384x384xf32, #tpu.memory_space<vmem>>, vector<384x384xf32>
    %dot_general3A_576 = arith.constant dense<0.000000e+00> : vector<784x384xf32>
    %dot_general3A_577 = tpu.matmul %concatenate3A_572, %get3A_575, %dot_general3A_576 {dimension_numbers = #tpu.dot_dimension_numbers<[1], [1], [0], [0], [0, 0, 1, 0], [], []>, transpose_lhs_hint = false} : vector<784x384xf32>, vector<384x384xf32>, vector<784x384xf32> -> vector<784x384xf32>
    %get3A_578 = arith.constant 0 : index
    %get3A_579 = arith.constant 0 : index
    %get3A_580 = vector.load %arg10[%get3A_578, %get3A_579] : memref<1x384xf32, #tpu.memory_space<vmem>>, vector<1x384xf32>
    %add3A_581 = vector.broadcast %get3A_580 : vector<1x384xf32> to vector<784x384xf32>
    %add3A_582 = arith.addf %dot_general3A_577, %add3A_581 : vector<784x384xf32>
    %add3A_583 = arith.addf %add3A_30, %add3A_582 : vector<784x384xf32>
    %swap3A = arith.constant 0 : index
    %swap3A_584 = arith.constant 0 : index
    %swap3A_585 = vector.load %arg13[%swap3A, %swap3A_584] : memref<784x384xf32, #tpu.memory_space<vmem>>, vector<784x384xf32>
    tpu.vector_store %arg13[%swap3A, %swap3A_584], %add3A_583 {strides = array<i32>} : memref<784x384xf32, #tpu.memory_space<vmem>>, vector<784x384xf32>,
    %get3A_586 = arith.constant 0 : index
    %get3A_587 = arith.constant 0 : index
    %get3A_588 = vector.load %arg11[%get3A_586, %get3A_587] : memref<8x384xf32, #tpu.memory_space<vmem>>, vector<8x384xf32>
    %dot_general3A_589 = arith.constant dense<0.000000e+00> : vector<784x8xf32>
    %dot_general3A_590 = tpu.matmul %add3A_583, %get3A_588, %dot_general3A_589 {dimension_numbers = #tpu.dot_dimension_numbers<[1], [1], [0], [0], [0, 0, 1, 0], [], []>, transpose_lhs_hint = false} : vector<784x384xf32>, vector<8x384xf32>, vector<784x8xf32> -> vector<784x8xf32>
    %get3A_591 = arith.constant 0 : index
    %get3A_592 = arith.constant 0 : index
    %get3A_593 = vector.load %arg12[%get3A_591, %get3A_592] : memref<1x8xf32, #tpu.memory_space<vmem>>, vector<1x8xf32>
    %add3A_594 = vector.broadcast %get3A_593 : vector<1x8xf32> to vector<784x8xf32>
    %add3A_595 = arith.addf %dot_general3A_590, %add3A_594 : vector<784x8xf32>
    %swap3A_596 = arith.constant 0 : index
    %swap3A_597 = arith.constant 0 : index
    %swap3A_598 = vector.load %arg14[%swap3A_596, %swap3A_597] : memref<784x8xf32, #tpu.memory_space<vmem>>, vector<784x8xf32>
    tpu.vector_store %arg14[%swap3A_596, %swap3A_597], %add3A_595 {strides = array<i32>} : memref<784x8xf32, #tpu.memory_space<vmem>>, vector<784x8xf32>,
    return
  }
  func.func @transform_0(%arg0: i32) -> (i32, i32, i32) {
    %c0_i32 = arith.constant 0 : i32
    %c0_i32_0 = arith.constant 0 : i32
    %c0_i32_1 = arith.constant 0 : i32
    return %arg0, %c0_i32, %c0_i32_0 : i32, i32, i32
  }
  func.func @transform_1(%arg0: i32) -> (i32, i32) {
    %c0_i32 = arith.constant 0 : i32
    %c0_i32_0 = arith.constant 0 : i32
    %c0_i32_1 = arith.constant 0 : i32
    return %c0_i32, %c0_i32_0 : i32, i32
  }
  func.func @transform_2(%arg0: i32) -> (i32, i32) {
    %c0_i32 = arith.constant 0 : i32
    %c0_i32_0 = arith.constant 0 : i32
    %c0_i32_1 = arith.constant 0 : i32
    return %c0_i32, %c0_i32_0 : i32, i32
  }
  func.func @transform_3(%arg0: i32) -> (i32, i32) {
    %c0_i32 = arith.constant 0 : i32
    %c0_i32_0 = arith.constant 0 : i32
    %c0_i32_1 = arith.constant 0 : i32
    return %c0_i32, %c0_i32_0 : i32, i32
  }
  func.func @transform_4(%arg0: i32) -> (i32, i32) {
    %c0_i32 = arith.constant 0 : i32
    %c0_i32_0 = arith.constant 0 : i32
    %c0_i32_1 = arith.constant 0 : i32
    return %c0_i32, %c0_i32_0 : i32, i32
  }
  func.func @transform_5(%arg0: i32) -> (i32, i32) {
    %c0_i32 = arith.constant 0 : i32
    %c0_i32_0 = arith.constant 0 : i32
    %c0_i32_1 = arith.constant 0 : i32
    return %c0_i32, %c0_i32_0 : i32, i32
  }
  func.func @transform_6(%arg0: i32) -> (i32, i32) {
    %c0_i32 = arith.constant 0 : i32
    %c0_i32_0 = arith.constant 0 : i32
    %c0_i32_1 = arith.constant 0 : i32
    return %c0_i32, %c0_i32_0 : i32, i32
  }
  func.func @transform_7(%arg0: i32) -> (i32, i32) {
    %c0_i32 = arith.constant 0 : i32
    %c0_i32_0 = arith.constant 0 : i32
    %c0_i32_1 = arith.constant 0 : i32
    return %c0_i32, %c0_i32_0 : i32, i32
  }
  func.func @transform_8(%arg0: i32) -> (i32, i32) {
    %c0_i32 = arith.constant 0 : i32
    %c0_i32_0 = arith.constant 0 : i32
    %c0_i32_1 = arith.constant 0 : i32
    return %c0_i32, %c0_i32_0 : i32, i32
  }
  func.func @transform_9(%arg0: i32) -> (i32, i32) {
    %c0_i32 = arith.constant 0 : i32
    %c0_i32_0 = arith.constant 0 : i32
    %c0_i32_1 = arith.constant 0 : i32
    return %c0_i32, %c0_i32_0 : i32, i32
  }
  func.func @transform_10(%arg0: i32) -> (i32, i32) {
    %c0_i32 = arith.constant 0 : i32
    %c0_i32_0 = arith.constant 0 : i32
    %c0_i32_1 = arith.constant 0 : i32
    return %c0_i32, %c0_i32_0 : i32, i32
  }
  func.func @transform_11(%arg0: i32) -> (i32, i32) {
    %c0_i32 = arith.constant 0 : i32
    %c0_i32_0 = arith.constant 0 : i32
    %c0_i32_1 = arith.constant 0 : i32
    return %c0_i32, %c0_i32_0 : i32, i32
  }
  func.func @transform_12(%arg0: i32) -> (i32, i32) {
    %c0_i32 = arith.constant 0 : i32
    %c0_i32_0 = arith.constant 0 : i32
    return %arg0, %c0_i32 : i32, i32
  }
  func.func @transform_13(%arg0: i32) -> (i32, i32) {
    %c0_i32 = arith.constant 0 : i32
    %c0_i32_0 = arith.constant 0 : i32
    return %arg0, %c0_i32 : i32, i32
  }
}

module attributes {stable_mosaic.version = 14 : i64} {
  func.func @_route_body(%arg0: i32, %arg1: memref<6272x8xf32, #tpu.memory_space<vmem>>, %arg2: memref<6272x1xi32, #tpu.memory_space<vmem>>, %arg3: memref<6272x1xi32, #tpu.memory_space<vmem>>, %arg4: memref<32x1xi32, #tpu.memory_space<vmem>>) attributes {dimension_semantics = [#tpu.dimension_semantics<arbitrary>], iteration_bounds = array<i64: 1>, scalar_prefetch = 0 : i64, scratch_operands = 0 : i64, tpu.core_type = #tpu.core_type<tc>, window_params = [{pipeline_mode = #tpu.pipeline_mode<synchronous>, transform_indices = @transform_0, window_bounds = array<i64: 6272, 8>}, {pipeline_mode = #tpu.pipeline_mode<synchronous>, transform_indices = @transform_1, window_bounds = array<i64: 6272, 1>}, {pipeline_mode = #tpu.pipeline_mode<synchronous>, transform_indices = @transform_2, window_bounds = array<i64: 6272, 1>}, {pipeline_mode = #tpu.pipeline_mode<synchronous>, transform_indices = @transform_3, window_bounds = array<i64: 32, 1>}]} {
    %get3A = arith.constant 0 : index
    %get3A_0 = arith.constant 0 : index
    %get3A_1 = vector.load %arg1[%get3A, %get3A_0] : memref<6272x8xf32, #tpu.memory_space<vmem>>, vector<6272x8xf32>
    %iota3A = tpu.iota {dimensions = array<i32: 1>} : vector<6272x8xi32>
    %reduce_max3A = arith.constant dense<0xFF800000> : vector<6272xf32>
    %reduce_max3A_2 = vector.multi_reduction <maximumf>, %get3A_1, %reduce_max3A [1] : vector<6272x8xf32> to vector<6272xf32>
    %broadcast_in_dim3A = vector.shape_cast %reduce_max3A_2 : vector<6272xf32> to vector<6272x1xf32>
    %eq3A = vector.broadcast %broadcast_in_dim3A : vector<6272x1xf32> to vector<6272x8xf32>
    %eq3A_3 = arith.cmpf oeq, %get3A_1, %eq3A : vector<6272x8xf32>
    %jit3A = arith.constant 8 : i32
    %broadcast_in_dim3A_4 = vector.broadcast %jit3A : i32 to vector<6272x8xi32>
    %select_n3A = arith.select %eq3A_3, %iota3A, %broadcast_in_dim3A_4 : vector<6272x8xi1>, vector<6272x8xi32>
    %reduce_min3A = arith.constant dense<2147483647> : vector<6272xi32>
    %reduce_min3A_5 = vector.multi_reduction <minsi>, %select_n3A, %reduce_min3A [1] : vector<6272x8xi32> to vector<6272xi32>
    %broadcast_in_dim3A_6 = vector.shape_cast %reduce_min3A_5 : vector<6272xi32> to vector<6272x1xi32>
    %eq3A_7 = vector.broadcast %broadcast_in_dim3A_6 : vector<6272x1xi32> to vector<6272x8xi32>
    %eq3A_8 = arith.cmpi eq, %iota3A, %eq3A_7 : vector<6272x8xi32>
    %jit3A_9 = arith.constant -3.400000e+38 : f32
    %broadcast_in_dim3A_10 = vector.broadcast %jit3A_9 : f32 to vector<6272x8xf32>
    %select_n3A_11 = arith.select %eq3A_8, %broadcast_in_dim3A_10, %get3A_1 : vector<6272x8xi1>, vector<6272x8xf32>
    %reduce_max3A_12 = arith.constant dense<0xFF800000> : vector<6272xf32>
    %reduce_max3A_13 = vector.multi_reduction <maximumf>, %select_n3A_11, %reduce_max3A_12 [1] : vector<6272x8xf32> to vector<6272xf32>
    %broadcast_in_dim3A_14 = vector.shape_cast %reduce_max3A_13 : vector<6272xf32> to vector<6272x1xf32>
    %eq3A_15 = vector.broadcast %broadcast_in_dim3A_14 : vector<6272x1xf32> to vector<6272x8xf32>
    %eq3A_16 = arith.cmpf oeq, %select_n3A_11, %eq3A_15 : vector<6272x8xf32>
    %jit3A_17 = arith.constant 8 : i32
    %broadcast_in_dim3A_18 = vector.broadcast %jit3A_17 : i32 to vector<6272x8xi32>
    %select_n3A_19 = arith.select %eq3A_16, %iota3A, %broadcast_in_dim3A_18 : vector<6272x8xi1>, vector<6272x8xi32>
    %reduce_min3A_20 = arith.constant dense<2147483647> : vector<6272xi32>
    %reduce_min3A_21 = vector.multi_reduction <minsi>, %select_n3A_19, %reduce_min3A_20 [1] : vector<6272x8xi32> to vector<6272xi32>
    %broadcast_in_dim3A_22 = vector.shape_cast %reduce_min3A_21 : vector<6272xi32> to vector<6272x1xi32>
    %eq3A_23 = vector.broadcast %broadcast_in_dim3A_6 : vector<6272x1xi32> to vector<6272x8xi32>
    %eq3A_24 = arith.cmpi eq, %iota3A, %eq3A_23 : vector<6272x8xi32>
    %convert_element_type3A = arith.extui %eq3A_24 : vector<6272x8xi1> to vector<6272x8xi32>
    %convert_element_type3A_25 = arith.sitofp %convert_element_type3A : vector<6272x8xi32> to vector<6272x8xf32>
    %eq3A_26 = vector.broadcast %broadcast_in_dim3A_22 : vector<6272x1xi32> to vector<6272x8xi32>
    %eq3A_27 = arith.cmpi eq, %iota3A, %eq3A_26 : vector<6272x8xi32>
    %convert_element_type3A_28 = arith.extui %eq3A_27 : vector<6272x8xi1> to vector<6272x8xi32>
    %convert_element_type3A_29 = arith.sitofp %convert_element_type3A_28 : vector<6272x8xi32> to vector<6272x8xf32>
    %add3A = arith.addf %convert_element_type3A_25, %convert_element_type3A_29 : vector<6272x8xf32>
    %iota3A_30 = tpu.iota {dimensions = array<i32: 0>} : vector<128x128xi32>
    %iota3A_31 = tpu.iota {dimensions = array<i32: 1>} : vector<128x128xi32>
    %lt3A = arith.cmpi slt, %iota3A_31, %iota3A_30 : vector<128x128xi32>
    %convert_element_type3A_32 = arith.extui %lt3A : vector<128x128xi1> to vector<128x128xi32>
    %convert_element_type3A_33 = arith.sitofp %convert_element_type3A_32 : vector<128x128xi32> to vector<128x128xf32>
    %broadcast_in_dim3A_34 = arith.constant 0.000000e+00 : f32
    %broadcast_in_dim3A_35 = vector.broadcast %broadcast_in_dim3A_34 : f32 to vector<1x8xf32>
    %slice3A = vector.extract_strided_slice %add3A {offsets = [0, 0], sizes = [128, 8], strides = [1, 1]} : vector<6272x8xf32> to vector<128x8xf32>
    %dot_general3A = arith.constant dense<0.000000e+00> : vector<128x8xf32>
    %dot_general3A_36 = tpu.matmul %convert_element_type3A_33, %slice3A, %dot_general3A {dimension_numbers = #tpu.dot_dimension_numbers<[1], [0], [0], [1], [0, 0, 1, 1], [], []>, transpose_lhs_hint = false} : vector<128x128xf32>, vector<128x8xf32>, vector<128x8xf32> -> vector<128x8xf32>
    %add3A_37 = vector.broadcast %broadcast_in_dim3A_35 : vector<1x8xf32> to vector<128x8xf32>
    %add3A_38 = arith.addf %dot_general3A_36, %add3A_37 : vector<128x8xf32>
    %reduce_sum3A = arith.constant dense<0.000000e+00> : vector<8xf32>
    %reduce_sum3A_39 = vector.multi_reduction <add>, %slice3A, %reduce_sum3A [0] : vector<128x8xf32> to vector<8xf32>
    %broadcast_in_dim3A_40 = vector.shape_cast %reduce_sum3A_39 : vector<8xf32> to vector<1x8xf32>
    %add3A_41 = arith.addf %broadcast_in_dim3A_35, %broadcast_in_dim3A_40 : vector<1x8xf32>
    %slice3A_42 = vector.extract_strided_slice %add3A {offsets = [128, 0], sizes = [128, 8], strides = [1, 1]} : vector<6272x8xf32> to vector<128x8xf32>
    %dot_general3A_43 = arith.constant dense<0.000000e+00> : vector<128x8xf32>
    %dot_general3A_44 = tpu.matmul %convert_element_type3A_33, %slice3A_42, %dot_general3A_43 {dimension_numbers = #tpu.dot_dimension_numbers<[1], [0], [0], [1], [0, 0, 1, 1], [], []>, transpose_lhs_hint = false} : vector<128x128xf32>, vector<128x8xf32>, vector<128x8xf32> -> vector<128x8xf32>
    %add3A_45 = vector.broadcast %add3A_41 : vector<1x8xf32> to vector<128x8xf32>
    %add3A_46 = arith.addf %dot_general3A_44, %add3A_45 : vector<128x8xf32>
    %reduce_sum3A_47 = arith.constant dense<0.000000e+00> : vector<8xf32>
    %reduce_sum3A_48 = vector.multi_reduction <add>, %slice3A_42, %reduce_sum3A_47 [0] : vector<128x8xf32> to vector<8xf32>
    %broadcast_in_dim3A_49 = vector.shape_cast %reduce_sum3A_48 : vector<8xf32> to vector<1x8xf32>
    %add3A_50 = arith.addf %add3A_41, %broadcast_in_dim3A_49 : vector<1x8xf32>
    %slice3A_51 = vector.extract_strided_slice %add3A {offsets = [256, 0], sizes = [128, 8], strides = [1, 1]} : vector<6272x8xf32> to vector<128x8xf32>
    %dot_general3A_52 = arith.constant dense<0.000000e+00> : vector<128x8xf32>
    %dot_general3A_53 = tpu.matmul %convert_element_type3A_33, %slice3A_51, %dot_general3A_52 {dimension_numbers = #tpu.dot_dimension_numbers<[1], [0], [0], [1], [0, 0, 1, 1], [], []>, transpose_lhs_hint = false} : vector<128x128xf32>, vector<128x8xf32>, vector<128x8xf32> -> vector<128x8xf32>
    %add3A_54 = vector.broadcast %add3A_50 : vector<1x8xf32> to vector<128x8xf32>
    %add3A_55 = arith.addf %dot_general3A_53, %add3A_54 : vector<128x8xf32>
    %reduce_sum3A_56 = arith.constant dense<0.000000e+00> : vector<8xf32>
    %reduce_sum3A_57 = vector.multi_reduction <add>, %slice3A_51, %reduce_sum3A_56 [0] : vector<128x8xf32> to vector<8xf32>
    %broadcast_in_dim3A_58 = vector.shape_cast %reduce_sum3A_57 : vector<8xf32> to vector<1x8xf32>
    %add3A_59 = arith.addf %add3A_50, %broadcast_in_dim3A_58 : vector<1x8xf32>
    %slice3A_60 = vector.extract_strided_slice %add3A {offsets = [384, 0], sizes = [128, 8], strides = [1, 1]} : vector<6272x8xf32> to vector<128x8xf32>
    %dot_general3A_61 = arith.constant dense<0.000000e+00> : vector<128x8xf32>
    %dot_general3A_62 = tpu.matmul %convert_element_type3A_33, %slice3A_60, %dot_general3A_61 {dimension_numbers = #tpu.dot_dimension_numbers<[1], [0], [0], [1], [0, 0, 1, 1], [], []>, transpose_lhs_hint = false} : vector<128x128xf32>, vector<128x8xf32>, vector<128x8xf32> -> vector<128x8xf32>
    %add3A_63 = vector.broadcast %add3A_59 : vector<1x8xf32> to vector<128x8xf32>
    %add3A_64 = arith.addf %dot_general3A_62, %add3A_63 : vector<128x8xf32>
    %reduce_sum3A_65 = arith.constant dense<0.000000e+00> : vector<8xf32>
    %reduce_sum3A_66 = vector.multi_reduction <add>, %slice3A_60, %reduce_sum3A_65 [0] : vector<128x8xf32> to vector<8xf32>
    %broadcast_in_dim3A_67 = vector.shape_cast %reduce_sum3A_66 : vector<8xf32> to vector<1x8xf32>
    %add3A_68 = arith.addf %add3A_59, %broadcast_in_dim3A_67 : vector<1x8xf32>
    %slice3A_69 = vector.extract_strided_slice %add3A {offsets = [512, 0], sizes = [128, 8], strides = [1, 1]} : vector<6272x8xf32> to vector<128x8xf32>
    %dot_general3A_70 = arith.constant dense<0.000000e+00> : vector<128x8xf32>
    %dot_general3A_71 = tpu.matmul %convert_element_type3A_33, %slice3A_69, %dot_general3A_70 {dimension_numbers = #tpu.dot_dimension_numbers<[1], [0], [0], [1], [0, 0, 1, 1], [], []>, transpose_lhs_hint = false} : vector<128x128xf32>, vector<128x8xf32>, vector<128x8xf32> -> vector<128x8xf32>
    %add3A_72 = vector.broadcast %add3A_68 : vector<1x8xf32> to vector<128x8xf32>
    %add3A_73 = arith.addf %dot_general3A_71, %add3A_72 : vector<128x8xf32>
    %reduce_sum3A_74 = arith.constant dense<0.000000e+00> : vector<8xf32>
    %reduce_sum3A_75 = vector.multi_reduction <add>, %slice3A_69, %reduce_sum3A_74 [0] : vector<128x8xf32> to vector<8xf32>
    %broadcast_in_dim3A_76 = vector.shape_cast %reduce_sum3A_75 : vector<8xf32> to vector<1x8xf32>
    %add3A_77 = arith.addf %add3A_68, %broadcast_in_dim3A_76 : vector<1x8xf32>
    %slice3A_78 = vector.extract_strided_slice %add3A {offsets = [640, 0], sizes = [128, 8], strides = [1, 1]} : vector<6272x8xf32> to vector<128x8xf32>
    %dot_general3A_79 = arith.constant dense<0.000000e+00> : vector<128x8xf32>
    %dot_general3A_80 = tpu.matmul %convert_element_type3A_33, %slice3A_78, %dot_general3A_79 {dimension_numbers = #tpu.dot_dimension_numbers<[1], [0], [0], [1], [0, 0, 1, 1], [], []>, transpose_lhs_hint = false} : vector<128x128xf32>, vector<128x8xf32>, vector<128x8xf32> -> vector<128x8xf32>
    %add3A_81 = vector.broadcast %add3A_77 : vector<1x8xf32> to vector<128x8xf32>
    %add3A_82 = arith.addf %dot_general3A_80, %add3A_81 : vector<128x8xf32>
    %reduce_sum3A_83 = arith.constant dense<0.000000e+00> : vector<8xf32>
    %reduce_sum3A_84 = vector.multi_reduction <add>, %slice3A_78, %reduce_sum3A_83 [0] : vector<128x8xf32> to vector<8xf32>
    %broadcast_in_dim3A_85 = vector.shape_cast %reduce_sum3A_84 : vector<8xf32> to vector<1x8xf32>
    %add3A_86 = arith.addf %add3A_77, %broadcast_in_dim3A_85 : vector<1x8xf32>
    %slice3A_87 = vector.extract_strided_slice %add3A {offsets = [768, 0], sizes = [128, 8], strides = [1, 1]} : vector<6272x8xf32> to vector<128x8xf32>
    %dot_general3A_88 = arith.constant dense<0.000000e+00> : vector<128x8xf32>
    %dot_general3A_89 = tpu.matmul %convert_element_type3A_33, %slice3A_87, %dot_general3A_88 {dimension_numbers = #tpu.dot_dimension_numbers<[1], [0], [0], [1], [0, 0, 1, 1], [], []>, transpose_lhs_hint = false} : vector<128x128xf32>, vector<128x8xf32>, vector<128x8xf32> -> vector<128x8xf32>
    %add3A_90 = vector.broadcast %add3A_86 : vector<1x8xf32> to vector<128x8xf32>
    %add3A_91 = arith.addf %dot_general3A_89, %add3A_90 : vector<128x8xf32>
    %reduce_sum3A_92 = arith.constant dense<0.000000e+00> : vector<8xf32>
    %reduce_sum3A_93 = vector.multi_reduction <add>, %slice3A_87, %reduce_sum3A_92 [0] : vector<128x8xf32> to vector<8xf32>
    %broadcast_in_dim3A_94 = vector.shape_cast %reduce_sum3A_93 : vector<8xf32> to vector<1x8xf32>
    %add3A_95 = arith.addf %add3A_86, %broadcast_in_dim3A_94 : vector<1x8xf32>
    %slice3A_96 = vector.extract_strided_slice %add3A {offsets = [896, 0], sizes = [128, 8], strides = [1, 1]} : vector<6272x8xf32> to vector<128x8xf32>
    %dot_general3A_97 = arith.constant dense<0.000000e+00> : vector<128x8xf32>
    %dot_general3A_98 = tpu.matmul %convert_element_type3A_33, %slice3A_96, %dot_general3A_97 {dimension_numbers = #tpu.dot_dimension_numbers<[1], [0], [0], [1], [0, 0, 1, 1], [], []>, transpose_lhs_hint = false} : vector<128x128xf32>, vector<128x8xf32>, vector<128x8xf32> -> vector<128x8xf32>
    %add3A_99 = vector.broadcast %add3A_95 : vector<1x8xf32> to vector<128x8xf32>
    %add3A_100 = arith.addf %dot_general3A_98, %add3A_99 : vector<128x8xf32>
    %reduce_sum3A_101 = arith.constant dense<0.000000e+00> : vector<8xf32>
    %reduce_sum3A_102 = vector.multi_reduction <add>, %slice3A_96, %reduce_sum3A_101 [0] : vector<128x8xf32> to vector<8xf32>
    %broadcast_in_dim3A_103 = vector.shape_cast %reduce_sum3A_102 : vector<8xf32> to vector<1x8xf32>
    %add3A_104 = arith.addf %add3A_95, %broadcast_in_dim3A_103 : vector<1x8xf32>
    %slice3A_105 = vector.extract_strided_slice %add3A {offsets = [1024, 0], sizes = [128, 8], strides = [1, 1]} : vector<6272x8xf32> to vector<128x8xf32>
    %dot_general3A_106 = arith.constant dense<0.000000e+00> : vector<128x8xf32>
    %dot_general3A_107 = tpu.matmul %convert_element_type3A_33, %slice3A_105, %dot_general3A_106 {dimension_numbers = #tpu.dot_dimension_numbers<[1], [0], [0], [1], [0, 0, 1, 1], [], []>, transpose_lhs_hint = false} : vector<128x128xf32>, vector<128x8xf32>, vector<128x8xf32> -> vector<128x8xf32>
    %add3A_108 = vector.broadcast %add3A_104 : vector<1x8xf32> to vector<128x8xf32>
    %add3A_109 = arith.addf %dot_general3A_107, %add3A_108 : vector<128x8xf32>
    %reduce_sum3A_110 = arith.constant dense<0.000000e+00> : vector<8xf32>
    %reduce_sum3A_111 = vector.multi_reduction <add>, %slice3A_105, %reduce_sum3A_110 [0] : vector<128x8xf32> to vector<8xf32>
    %broadcast_in_dim3A_112 = vector.shape_cast %reduce_sum3A_111 : vector<8xf32> to vector<1x8xf32>
    %add3A_113 = arith.addf %add3A_104, %broadcast_in_dim3A_112 : vector<1x8xf32>
    %slice3A_114 = vector.extract_strided_slice %add3A {offsets = [1152, 0], sizes = [128, 8], strides = [1, 1]} : vector<6272x8xf32> to vector<128x8xf32>
    %dot_general3A_115 = arith.constant dense<0.000000e+00> : vector<128x8xf32>
    %dot_general3A_116 = tpu.matmul %convert_element_type3A_33, %slice3A_114, %dot_general3A_115 {dimension_numbers = #tpu.dot_dimension_numbers<[1], [0], [0], [1], [0, 0, 1, 1], [], []>, transpose_lhs_hint = false} : vector<128x128xf32>, vector<128x8xf32>, vector<128x8xf32> -> vector<128x8xf32>
    %add3A_117 = vector.broadcast %add3A_113 : vector<1x8xf32> to vector<128x8xf32>
    %add3A_118 = arith.addf %dot_general3A_116, %add3A_117 : vector<128x8xf32>
    %reduce_sum3A_119 = arith.constant dense<0.000000e+00> : vector<8xf32>
    %reduce_sum3A_120 = vector.multi_reduction <add>, %slice3A_114, %reduce_sum3A_119 [0] : vector<128x8xf32> to vector<8xf32>
    %broadcast_in_dim3A_121 = vector.shape_cast %reduce_sum3A_120 : vector<8xf32> to vector<1x8xf32>
    %add3A_122 = arith.addf %add3A_113, %broadcast_in_dim3A_121 : vector<1x8xf32>
    %slice3A_123 = vector.extract_strided_slice %add3A {offsets = [1280, 0], sizes = [128, 8], strides = [1, 1]} : vector<6272x8xf32> to vector<128x8xf32>
    %dot_general3A_124 = arith.constant dense<0.000000e+00> : vector<128x8xf32>
    %dot_general3A_125 = tpu.matmul %convert_element_type3A_33, %slice3A_123, %dot_general3A_124 {dimension_numbers = #tpu.dot_dimension_numbers<[1], [0], [0], [1], [0, 0, 1, 1], [], []>, transpose_lhs_hint = false} : vector<128x128xf32>, vector<128x8xf32>, vector<128x8xf32> -> vector<128x8xf32>
    %add3A_126 = vector.broadcast %add3A_122 : vector<1x8xf32> to vector<128x8xf32>
    %add3A_127 = arith.addf %dot_general3A_125, %add3A_126 : vector<128x8xf32>
    %reduce_sum3A_128 = arith.constant dense<0.000000e+00> : vector<8xf32>
    %reduce_sum3A_129 = vector.multi_reduction <add>, %slice3A_123, %reduce_sum3A_128 [0] : vector<128x8xf32> to vector<8xf32>
    %broadcast_in_dim3A_130 = vector.shape_cast %reduce_sum3A_129 : vector<8xf32> to vector<1x8xf32>
    %add3A_131 = arith.addf %add3A_122, %broadcast_in_dim3A_130 : vector<1x8xf32>
    %slice3A_132 = vector.extract_strided_slice %add3A {offsets = [1408, 0], sizes = [128, 8], strides = [1, 1]} : vector<6272x8xf32> to vector<128x8xf32>
    %dot_general3A_133 = arith.constant dense<0.000000e+00> : vector<128x8xf32>
    %dot_general3A_134 = tpu.matmul %convert_element_type3A_33, %slice3A_132, %dot_general3A_133 {dimension_numbers = #tpu.dot_dimension_numbers<[1], [0], [0], [1], [0, 0, 1, 1], [], []>, transpose_lhs_hint = false} : vector<128x128xf32>, vector<128x8xf32>, vector<128x8xf32> -> vector<128x8xf32>
    %add3A_135 = vector.broadcast %add3A_131 : vector<1x8xf32> to vector<128x8xf32>
    %add3A_136 = arith.addf %dot_general3A_134, %add3A_135 : vector<128x8xf32>
    %reduce_sum3A_137 = arith.constant dense<0.000000e+00> : vector<8xf32>
    %reduce_sum3A_138 = vector.multi_reduction <add>, %slice3A_132, %reduce_sum3A_137 [0] : vector<128x8xf32> to vector<8xf32>
    %broadcast_in_dim3A_139 = vector.shape_cast %reduce_sum3A_138 : vector<8xf32> to vector<1x8xf32>
    %add3A_140 = arith.addf %add3A_131, %broadcast_in_dim3A_139 : vector<1x8xf32>
    %slice3A_141 = vector.extract_strided_slice %add3A {offsets = [1536, 0], sizes = [128, 8], strides = [1, 1]} : vector<6272x8xf32> to vector<128x8xf32>
    %dot_general3A_142 = arith.constant dense<0.000000e+00> : vector<128x8xf32>
    %dot_general3A_143 = tpu.matmul %convert_element_type3A_33, %slice3A_141, %dot_general3A_142 {dimension_numbers = #tpu.dot_dimension_numbers<[1], [0], [0], [1], [0, 0, 1, 1], [], []>, transpose_lhs_hint = false} : vector<128x128xf32>, vector<128x8xf32>, vector<128x8xf32> -> vector<128x8xf32>
    %add3A_144 = vector.broadcast %add3A_140 : vector<1x8xf32> to vector<128x8xf32>
    %add3A_145 = arith.addf %dot_general3A_143, %add3A_144 : vector<128x8xf32>
    %reduce_sum3A_146 = arith.constant dense<0.000000e+00> : vector<8xf32>
    %reduce_sum3A_147 = vector.multi_reduction <add>, %slice3A_141, %reduce_sum3A_146 [0] : vector<128x8xf32> to vector<8xf32>
    %broadcast_in_dim3A_148 = vector.shape_cast %reduce_sum3A_147 : vector<8xf32> to vector<1x8xf32>
    %add3A_149 = arith.addf %add3A_140, %broadcast_in_dim3A_148 : vector<1x8xf32>
    %slice3A_150 = vector.extract_strided_slice %add3A {offsets = [1664, 0], sizes = [128, 8], strides = [1, 1]} : vector<6272x8xf32> to vector<128x8xf32>
    %dot_general3A_151 = arith.constant dense<0.000000e+00> : vector<128x8xf32>
    %dot_general3A_152 = tpu.matmul %convert_element_type3A_33, %slice3A_150, %dot_general3A_151 {dimension_numbers = #tpu.dot_dimension_numbers<[1], [0], [0], [1], [0, 0, 1, 1], [], []>, transpose_lhs_hint = false} : vector<128x128xf32>, vector<128x8xf32>, vector<128x8xf32> -> vector<128x8xf32>
    %add3A_153 = vector.broadcast %add3A_149 : vector<1x8xf32> to vector<128x8xf32>
    %add3A_154 = arith.addf %dot_general3A_152, %add3A_153 : vector<128x8xf32>
    %reduce_sum3A_155 = arith.constant dense<0.000000e+00> : vector<8xf32>
    %reduce_sum3A_156 = vector.multi_reduction <add>, %slice3A_150, %reduce_sum3A_155 [0] : vector<128x8xf32> to vector<8xf32>
    %broadcast_in_dim3A_157 = vector.shape_cast %reduce_sum3A_156 : vector<8xf32> to vector<1x8xf32>
    %add3A_158 = arith.addf %add3A_149, %broadcast_in_dim3A_157 : vector<1x8xf32>
    %slice3A_159 = vector.extract_strided_slice %add3A {offsets = [1792, 0], sizes = [128, 8], strides = [1, 1]} : vector<6272x8xf32> to vector<128x8xf32>
    %dot_general3A_160 = arith.constant dense<0.000000e+00> : vector<128x8xf32>
    %dot_general3A_161 = tpu.matmul %convert_element_type3A_33, %slice3A_159, %dot_general3A_160 {dimension_numbers = #tpu.dot_dimension_numbers<[1], [0], [0], [1], [0, 0, 1, 1], [], []>, transpose_lhs_hint = false} : vector<128x128xf32>, vector<128x8xf32>, vector<128x8xf32> -> vector<128x8xf32>
    %add3A_162 = vector.broadcast %add3A_158 : vector<1x8xf32> to vector<128x8xf32>
    %add3A_163 = arith.addf %dot_general3A_161, %add3A_162 : vector<128x8xf32>
    %reduce_sum3A_164 = arith.constant dense<0.000000e+00> : vector<8xf32>
    %reduce_sum3A_165 = vector.multi_reduction <add>, %slice3A_159, %reduce_sum3A_164 [0] : vector<128x8xf32> to vector<8xf32>
    %broadcast_in_dim3A_166 = vector.shape_cast %reduce_sum3A_165 : vector<8xf32> to vector<1x8xf32>
    %add3A_167 = arith.addf %add3A_158, %broadcast_in_dim3A_166 : vector<1x8xf32>
    %slice3A_168 = vector.extract_strided_slice %add3A {offsets = [1920, 0], sizes = [128, 8], strides = [1, 1]} : vector<6272x8xf32> to vector<128x8xf32>
    %dot_general3A_169 = arith.constant dense<0.000000e+00> : vector<128x8xf32>
    %dot_general3A_170 = tpu.matmul %convert_element_type3A_33, %slice3A_168, %dot_general3A_169 {dimension_numbers = #tpu.dot_dimension_numbers<[1], [0], [0], [1], [0, 0, 1, 1], [], []>, transpose_lhs_hint = false} : vector<128x128xf32>, vector<128x8xf32>, vector<128x8xf32> -> vector<128x8xf32>
    %add3A_171 = vector.broadcast %add3A_167 : vector<1x8xf32> to vector<128x8xf32>
    %add3A_172 = arith.addf %dot_general3A_170, %add3A_171 : vector<128x8xf32>
    %reduce_sum3A_173 = arith.constant dense<0.000000e+00> : vector<8xf32>
    %reduce_sum3A_174 = vector.multi_reduction <add>, %slice3A_168, %reduce_sum3A_173 [0] : vector<128x8xf32> to vector<8xf32>
    %broadcast_in_dim3A_175 = vector.shape_cast %reduce_sum3A_174 : vector<8xf32> to vector<1x8xf32>
    %add3A_176 = arith.addf %add3A_167, %broadcast_in_dim3A_175 : vector<1x8xf32>
    %slice3A_177 = vector.extract_strided_slice %add3A {offsets = [2048, 0], sizes = [128, 8], strides = [1, 1]} : vector<6272x8xf32> to vector<128x8xf32>
    %dot_general3A_178 = arith.constant dense<0.000000e+00> : vector<128x8xf32>
    %dot_general3A_179 = tpu.matmul %convert_element_type3A_33, %slice3A_177, %dot_general3A_178 {dimension_numbers = #tpu.dot_dimension_numbers<[1], [0], [0], [1], [0, 0, 1, 1], [], []>, transpose_lhs_hint = false} : vector<128x128xf32>, vector<128x8xf32>, vector<128x8xf32> -> vector<128x8xf32>
    %add3A_180 = vector.broadcast %add3A_176 : vector<1x8xf32> to vector<128x8xf32>
    %add3A_181 = arith.addf %dot_general3A_179, %add3A_180 : vector<128x8xf32>
    %reduce_sum3A_182 = arith.constant dense<0.000000e+00> : vector<8xf32>
    %reduce_sum3A_183 = vector.multi_reduction <add>, %slice3A_177, %reduce_sum3A_182 [0] : vector<128x8xf32> to vector<8xf32>
    %broadcast_in_dim3A_184 = vector.shape_cast %reduce_sum3A_183 : vector<8xf32> to vector<1x8xf32>
    %add3A_185 = arith.addf %add3A_176, %broadcast_in_dim3A_184 : vector<1x8xf32>
    %slice3A_186 = vector.extract_strided_slice %add3A {offsets = [2176, 0], sizes = [128, 8], strides = [1, 1]} : vector<6272x8xf32> to vector<128x8xf32>
    %dot_general3A_187 = arith.constant dense<0.000000e+00> : vector<128x8xf32>
    %dot_general3A_188 = tpu.matmul %convert_element_type3A_33, %slice3A_186, %dot_general3A_187 {dimension_numbers = #tpu.dot_dimension_numbers<[1], [0], [0], [1], [0, 0, 1, 1], [], []>, transpose_lhs_hint = false} : vector<128x128xf32>, vector<128x8xf32>, vector<128x8xf32> -> vector<128x8xf32>
    %add3A_189 = vector.broadcast %add3A_185 : vector<1x8xf32> to vector<128x8xf32>
    %add3A_190 = arith.addf %dot_general3A_188, %add3A_189 : vector<128x8xf32>
    %reduce_sum3A_191 = arith.constant dense<0.000000e+00> : vector<8xf32>
    %reduce_sum3A_192 = vector.multi_reduction <add>, %slice3A_186, %reduce_sum3A_191 [0] : vector<128x8xf32> to vector<8xf32>
    %broadcast_in_dim3A_193 = vector.shape_cast %reduce_sum3A_192 : vector<8xf32> to vector<1x8xf32>
    %add3A_194 = arith.addf %add3A_185, %broadcast_in_dim3A_193 : vector<1x8xf32>
    %slice3A_195 = vector.extract_strided_slice %add3A {offsets = [2304, 0], sizes = [128, 8], strides = [1, 1]} : vector<6272x8xf32> to vector<128x8xf32>
    %dot_general3A_196 = arith.constant dense<0.000000e+00> : vector<128x8xf32>
    %dot_general3A_197 = tpu.matmul %convert_element_type3A_33, %slice3A_195, %dot_general3A_196 {dimension_numbers = #tpu.dot_dimension_numbers<[1], [0], [0], [1], [0, 0, 1, 1], [], []>, transpose_lhs_hint = false} : vector<128x128xf32>, vector<128x8xf32>, vector<128x8xf32> -> vector<128x8xf32>
    %add3A_198 = vector.broadcast %add3A_194 : vector<1x8xf32> to vector<128x8xf32>
    %add3A_199 = arith.addf %dot_general3A_197, %add3A_198 : vector<128x8xf32>
    %reduce_sum3A_200 = arith.constant dense<0.000000e+00> : vector<8xf32>
    %reduce_sum3A_201 = vector.multi_reduction <add>, %slice3A_195, %reduce_sum3A_200 [0] : vector<128x8xf32> to vector<8xf32>
    %broadcast_in_dim3A_202 = vector.shape_cast %reduce_sum3A_201 : vector<8xf32> to vector<1x8xf32>
    %add3A_203 = arith.addf %add3A_194, %broadcast_in_dim3A_202 : vector<1x8xf32>
    %slice3A_204 = vector.extract_strided_slice %add3A {offsets = [2432, 0], sizes = [128, 8], strides = [1, 1]} : vector<6272x8xf32> to vector<128x8xf32>
    %dot_general3A_205 = arith.constant dense<0.000000e+00> : vector<128x8xf32>
    %dot_general3A_206 = tpu.matmul %convert_element_type3A_33, %slice3A_204, %dot_general3A_205 {dimension_numbers = #tpu.dot_dimension_numbers<[1], [0], [0], [1], [0, 0, 1, 1], [], []>, transpose_lhs_hint = false} : vector<128x128xf32>, vector<128x8xf32>, vector<128x8xf32> -> vector<128x8xf32>
    %add3A_207 = vector.broadcast %add3A_203 : vector<1x8xf32> to vector<128x8xf32>
    %add3A_208 = arith.addf %dot_general3A_206, %add3A_207 : vector<128x8xf32>
    %reduce_sum3A_209 = arith.constant dense<0.000000e+00> : vector<8xf32>
    %reduce_sum3A_210 = vector.multi_reduction <add>, %slice3A_204, %reduce_sum3A_209 [0] : vector<128x8xf32> to vector<8xf32>
    %broadcast_in_dim3A_211 = vector.shape_cast %reduce_sum3A_210 : vector<8xf32> to vector<1x8xf32>
    %add3A_212 = arith.addf %add3A_203, %broadcast_in_dim3A_211 : vector<1x8xf32>
    %slice3A_213 = vector.extract_strided_slice %add3A {offsets = [2560, 0], sizes = [128, 8], strides = [1, 1]} : vector<6272x8xf32> to vector<128x8xf32>
    %dot_general3A_214 = arith.constant dense<0.000000e+00> : vector<128x8xf32>
    %dot_general3A_215 = tpu.matmul %convert_element_type3A_33, %slice3A_213, %dot_general3A_214 {dimension_numbers = #tpu.dot_dimension_numbers<[1], [0], [0], [1], [0, 0, 1, 1], [], []>, transpose_lhs_hint = false} : vector<128x128xf32>, vector<128x8xf32>, vector<128x8xf32> -> vector<128x8xf32>
    %add3A_216 = vector.broadcast %add3A_212 : vector<1x8xf32> to vector<128x8xf32>
    %add3A_217 = arith.addf %dot_general3A_215, %add3A_216 : vector<128x8xf32>
    %reduce_sum3A_218 = arith.constant dense<0.000000e+00> : vector<8xf32>
    %reduce_sum3A_219 = vector.multi_reduction <add>, %slice3A_213, %reduce_sum3A_218 [0] : vector<128x8xf32> to vector<8xf32>
    %broadcast_in_dim3A_220 = vector.shape_cast %reduce_sum3A_219 : vector<8xf32> to vector<1x8xf32>
    %add3A_221 = arith.addf %add3A_212, %broadcast_in_dim3A_220 : vector<1x8xf32>
    %slice3A_222 = vector.extract_strided_slice %add3A {offsets = [2688, 0], sizes = [128, 8], strides = [1, 1]} : vector<6272x8xf32> to vector<128x8xf32>
    %dot_general3A_223 = arith.constant dense<0.000000e+00> : vector<128x8xf32>
    %dot_general3A_224 = tpu.matmul %convert_element_type3A_33, %slice3A_222, %dot_general3A_223 {dimension_numbers = #tpu.dot_dimension_numbers<[1], [0], [0], [1], [0, 0, 1, 1], [], []>, transpose_lhs_hint = false} : vector<128x128xf32>, vector<128x8xf32>, vector<128x8xf32> -> vector<128x8xf32>
    %add3A_225 = vector.broadcast %add3A_221 : vector<1x8xf32> to vector<128x8xf32>
    %add3A_226 = arith.addf %dot_general3A_224, %add3A_225 : vector<128x8xf32>
    %reduce_sum3A_227 = arith.constant dense<0.000000e+00> : vector<8xf32>
    %reduce_sum3A_228 = vector.multi_reduction <add>, %slice3A_222, %reduce_sum3A_227 [0] : vector<128x8xf32> to vector<8xf32>
    %broadcast_in_dim3A_229 = vector.shape_cast %reduce_sum3A_228 : vector<8xf32> to vector<1x8xf32>
    %add3A_230 = arith.addf %add3A_221, %broadcast_in_dim3A_229 : vector<1x8xf32>
    %slice3A_231 = vector.extract_strided_slice %add3A {offsets = [2816, 0], sizes = [128, 8], strides = [1, 1]} : vector<6272x8xf32> to vector<128x8xf32>
    %dot_general3A_232 = arith.constant dense<0.000000e+00> : vector<128x8xf32>
    %dot_general3A_233 = tpu.matmul %convert_element_type3A_33, %slice3A_231, %dot_general3A_232 {dimension_numbers = #tpu.dot_dimension_numbers<[1], [0], [0], [1], [0, 0, 1, 1], [], []>, transpose_lhs_hint = false} : vector<128x128xf32>, vector<128x8xf32>, vector<128x8xf32> -> vector<128x8xf32>
    %add3A_234 = vector.broadcast %add3A_230 : vector<1x8xf32> to vector<128x8xf32>
    %add3A_235 = arith.addf %dot_general3A_233, %add3A_234 : vector<128x8xf32>
    %reduce_sum3A_236 = arith.constant dense<0.000000e+00> : vector<8xf32>
    %reduce_sum3A_237 = vector.multi_reduction <add>, %slice3A_231, %reduce_sum3A_236 [0] : vector<128x8xf32> to vector<8xf32>
    %broadcast_in_dim3A_238 = vector.shape_cast %reduce_sum3A_237 : vector<8xf32> to vector<1x8xf32>
    %add3A_239 = arith.addf %add3A_230, %broadcast_in_dim3A_238 : vector<1x8xf32>
    %slice3A_240 = vector.extract_strided_slice %add3A {offsets = [2944, 0], sizes = [128, 8], strides = [1, 1]} : vector<6272x8xf32> to vector<128x8xf32>
    %dot_general3A_241 = arith.constant dense<0.000000e+00> : vector<128x8xf32>
    %dot_general3A_242 = tpu.matmul %convert_element_type3A_33, %slice3A_240, %dot_general3A_241 {dimension_numbers = #tpu.dot_dimension_numbers<[1], [0], [0], [1], [0, 0, 1, 1], [], []>, transpose_lhs_hint = false} : vector<128x128xf32>, vector<128x8xf32>, vector<128x8xf32> -> vector<128x8xf32>
    %add3A_243 = vector.broadcast %add3A_239 : vector<1x8xf32> to vector<128x8xf32>
    %add3A_244 = arith.addf %dot_general3A_242, %add3A_243 : vector<128x8xf32>
    %reduce_sum3A_245 = arith.constant dense<0.000000e+00> : vector<8xf32>
    %reduce_sum3A_246 = vector.multi_reduction <add>, %slice3A_240, %reduce_sum3A_245 [0] : vector<128x8xf32> to vector<8xf32>
    %broadcast_in_dim3A_247 = vector.shape_cast %reduce_sum3A_246 : vector<8xf32> to vector<1x8xf32>
    %add3A_248 = arith.addf %add3A_239, %broadcast_in_dim3A_247 : vector<1x8xf32>
    %slice3A_249 = vector.extract_strided_slice %add3A {offsets = [3072, 0], sizes = [128, 8], strides = [1, 1]} : vector<6272x8xf32> to vector<128x8xf32>
    %dot_general3A_250 = arith.constant dense<0.000000e+00> : vector<128x8xf32>
    %dot_general3A_251 = tpu.matmul %convert_element_type3A_33, %slice3A_249, %dot_general3A_250 {dimension_numbers = #tpu.dot_dimension_numbers<[1], [0], [0], [1], [0, 0, 1, 1], [], []>, transpose_lhs_hint = false} : vector<128x128xf32>, vector<128x8xf32>, vector<128x8xf32> -> vector<128x8xf32>
    %add3A_252 = vector.broadcast %add3A_248 : vector<1x8xf32> to vector<128x8xf32>
    %add3A_253 = arith.addf %dot_general3A_251, %add3A_252 : vector<128x8xf32>
    %reduce_sum3A_254 = arith.constant dense<0.000000e+00> : vector<8xf32>
    %reduce_sum3A_255 = vector.multi_reduction <add>, %slice3A_249, %reduce_sum3A_254 [0] : vector<128x8xf32> to vector<8xf32>
    %broadcast_in_dim3A_256 = vector.shape_cast %reduce_sum3A_255 : vector<8xf32> to vector<1x8xf32>
    %add3A_257 = arith.addf %add3A_248, %broadcast_in_dim3A_256 : vector<1x8xf32>
    %slice3A_258 = vector.extract_strided_slice %add3A {offsets = [3200, 0], sizes = [128, 8], strides = [1, 1]} : vector<6272x8xf32> to vector<128x8xf32>
    %dot_general3A_259 = arith.constant dense<0.000000e+00> : vector<128x8xf32>
    %dot_general3A_260 = tpu.matmul %convert_element_type3A_33, %slice3A_258, %dot_general3A_259 {dimension_numbers = #tpu.dot_dimension_numbers<[1], [0], [0], [1], [0, 0, 1, 1], [], []>, transpose_lhs_hint = false} : vector<128x128xf32>, vector<128x8xf32>, vector<128x8xf32> -> vector<128x8xf32>
    %add3A_261 = vector.broadcast %add3A_257 : vector<1x8xf32> to vector<128x8xf32>
    %add3A_262 = arith.addf %dot_general3A_260, %add3A_261 : vector<128x8xf32>
    %reduce_sum3A_263 = arith.constant dense<0.000000e+00> : vector<8xf32>
    %reduce_sum3A_264 = vector.multi_reduction <add>, %slice3A_258, %reduce_sum3A_263 [0] : vector<128x8xf32> to vector<8xf32>
    %broadcast_in_dim3A_265 = vector.shape_cast %reduce_sum3A_264 : vector<8xf32> to vector<1x8xf32>
    %add3A_266 = arith.addf %add3A_257, %broadcast_in_dim3A_265 : vector<1x8xf32>
    %slice3A_267 = vector.extract_strided_slice %add3A {offsets = [3328, 0], sizes = [128, 8], strides = [1, 1]} : vector<6272x8xf32> to vector<128x8xf32>
    %dot_general3A_268 = arith.constant dense<0.000000e+00> : vector<128x8xf32>
    %dot_general3A_269 = tpu.matmul %convert_element_type3A_33, %slice3A_267, %dot_general3A_268 {dimension_numbers = #tpu.dot_dimension_numbers<[1], [0], [0], [1], [0, 0, 1, 1], [], []>, transpose_lhs_hint = false} : vector<128x128xf32>, vector<128x8xf32>, vector<128x8xf32> -> vector<128x8xf32>
    %add3A_270 = vector.broadcast %add3A_266 : vector<1x8xf32> to vector<128x8xf32>
    %add3A_271 = arith.addf %dot_general3A_269, %add3A_270 : vector<128x8xf32>
    %reduce_sum3A_272 = arith.constant dense<0.000000e+00> : vector<8xf32>
    %reduce_sum3A_273 = vector.multi_reduction <add>, %slice3A_267, %reduce_sum3A_272 [0] : vector<128x8xf32> to vector<8xf32>
    %broadcast_in_dim3A_274 = vector.shape_cast %reduce_sum3A_273 : vector<8xf32> to vector<1x8xf32>
    %add3A_275 = arith.addf %add3A_266, %broadcast_in_dim3A_274 : vector<1x8xf32>
    %slice3A_276 = vector.extract_strided_slice %add3A {offsets = [3456, 0], sizes = [128, 8], strides = [1, 1]} : vector<6272x8xf32> to vector<128x8xf32>
    %dot_general3A_277 = arith.constant dense<0.000000e+00> : vector<128x8xf32>
    %dot_general3A_278 = tpu.matmul %convert_element_type3A_33, %slice3A_276, %dot_general3A_277 {dimension_numbers = #tpu.dot_dimension_numbers<[1], [0], [0], [1], [0, 0, 1, 1], [], []>, transpose_lhs_hint = false} : vector<128x128xf32>, vector<128x8xf32>, vector<128x8xf32> -> vector<128x8xf32>
    %add3A_279 = vector.broadcast %add3A_275 : vector<1x8xf32> to vector<128x8xf32>
    %add3A_280 = arith.addf %dot_general3A_278, %add3A_279 : vector<128x8xf32>
    %reduce_sum3A_281 = arith.constant dense<0.000000e+00> : vector<8xf32>
    %reduce_sum3A_282 = vector.multi_reduction <add>, %slice3A_276, %reduce_sum3A_281 [0] : vector<128x8xf32> to vector<8xf32>
    %broadcast_in_dim3A_283 = vector.shape_cast %reduce_sum3A_282 : vector<8xf32> to vector<1x8xf32>
    %add3A_284 = arith.addf %add3A_275, %broadcast_in_dim3A_283 : vector<1x8xf32>
    %slice3A_285 = vector.extract_strided_slice %add3A {offsets = [3584, 0], sizes = [128, 8], strides = [1, 1]} : vector<6272x8xf32> to vector<128x8xf32>
    %dot_general3A_286 = arith.constant dense<0.000000e+00> : vector<128x8xf32>
    %dot_general3A_287 = tpu.matmul %convert_element_type3A_33, %slice3A_285, %dot_general3A_286 {dimension_numbers = #tpu.dot_dimension_numbers<[1], [0], [0], [1], [0, 0, 1, 1], [], []>, transpose_lhs_hint = false} : vector<128x128xf32>, vector<128x8xf32>, vector<128x8xf32> -> vector<128x8xf32>
    %add3A_288 = vector.broadcast %add3A_284 : vector<1x8xf32> to vector<128x8xf32>
    %add3A_289 = arith.addf %dot_general3A_287, %add3A_288 : vector<128x8xf32>
    %reduce_sum3A_290 = arith.constant dense<0.000000e+00> : vector<8xf32>
    %reduce_sum3A_291 = vector.multi_reduction <add>, %slice3A_285, %reduce_sum3A_290 [0] : vector<128x8xf32> to vector<8xf32>
    %broadcast_in_dim3A_292 = vector.shape_cast %reduce_sum3A_291 : vector<8xf32> to vector<1x8xf32>
    %add3A_293 = arith.addf %add3A_284, %broadcast_in_dim3A_292 : vector<1x8xf32>
    %slice3A_294 = vector.extract_strided_slice %add3A {offsets = [3712, 0], sizes = [128, 8], strides = [1, 1]} : vector<6272x8xf32> to vector<128x8xf32>
    %dot_general3A_295 = arith.constant dense<0.000000e+00> : vector<128x8xf32>
    %dot_general3A_296 = tpu.matmul %convert_element_type3A_33, %slice3A_294, %dot_general3A_295 {dimension_numbers = #tpu.dot_dimension_numbers<[1], [0], [0], [1], [0, 0, 1, 1], [], []>, transpose_lhs_hint = false} : vector<128x128xf32>, vector<128x8xf32>, vector<128x8xf32> -> vector<128x8xf32>
    %add3A_297 = vector.broadcast %add3A_293 : vector<1x8xf32> to vector<128x8xf32>
    %add3A_298 = arith.addf %dot_general3A_296, %add3A_297 : vector<128x8xf32>
    %reduce_sum3A_299 = arith.constant dense<0.000000e+00> : vector<8xf32>
    %reduce_sum3A_300 = vector.multi_reduction <add>, %slice3A_294, %reduce_sum3A_299 [0] : vector<128x8xf32> to vector<8xf32>
    %broadcast_in_dim3A_301 = vector.shape_cast %reduce_sum3A_300 : vector<8xf32> to vector<1x8xf32>
    %add3A_302 = arith.addf %add3A_293, %broadcast_in_dim3A_301 : vector<1x8xf32>
    %slice3A_303 = vector.extract_strided_slice %add3A {offsets = [3840, 0], sizes = [128, 8], strides = [1, 1]} : vector<6272x8xf32> to vector<128x8xf32>
    %dot_general3A_304 = arith.constant dense<0.000000e+00> : vector<128x8xf32>
    %dot_general3A_305 = tpu.matmul %convert_element_type3A_33, %slice3A_303, %dot_general3A_304 {dimension_numbers = #tpu.dot_dimension_numbers<[1], [0], [0], [1], [0, 0, 1, 1], [], []>, transpose_lhs_hint = false} : vector<128x128xf32>, vector<128x8xf32>, vector<128x8xf32> -> vector<128x8xf32>
    %add3A_306 = vector.broadcast %add3A_302 : vector<1x8xf32> to vector<128x8xf32>
    %add3A_307 = arith.addf %dot_general3A_305, %add3A_306 : vector<128x8xf32>
    %reduce_sum3A_308 = arith.constant dense<0.000000e+00> : vector<8xf32>
    %reduce_sum3A_309 = vector.multi_reduction <add>, %slice3A_303, %reduce_sum3A_308 [0] : vector<128x8xf32> to vector<8xf32>
    %broadcast_in_dim3A_310 = vector.shape_cast %reduce_sum3A_309 : vector<8xf32> to vector<1x8xf32>
    %add3A_311 = arith.addf %add3A_302, %broadcast_in_dim3A_310 : vector<1x8xf32>
    %slice3A_312 = vector.extract_strided_slice %add3A {offsets = [3968, 0], sizes = [128, 8], strides = [1, 1]} : vector<6272x8xf32> to vector<128x8xf32>
    %dot_general3A_313 = arith.constant dense<0.000000e+00> : vector<128x8xf32>
    %dot_general3A_314 = tpu.matmul %convert_element_type3A_33, %slice3A_312, %dot_general3A_313 {dimension_numbers = #tpu.dot_dimension_numbers<[1], [0], [0], [1], [0, 0, 1, 1], [], []>, transpose_lhs_hint = false} : vector<128x128xf32>, vector<128x8xf32>, vector<128x8xf32> -> vector<128x8xf32>
    %add3A_315 = vector.broadcast %add3A_311 : vector<1x8xf32> to vector<128x8xf32>
    %add3A_316 = arith.addf %dot_general3A_314, %add3A_315 : vector<128x8xf32>
    %reduce_sum3A_317 = arith.constant dense<0.000000e+00> : vector<8xf32>
    %reduce_sum3A_318 = vector.multi_reduction <add>, %slice3A_312, %reduce_sum3A_317 [0] : vector<128x8xf32> to vector<8xf32>
    %broadcast_in_dim3A_319 = vector.shape_cast %reduce_sum3A_318 : vector<8xf32> to vector<1x8xf32>
    %add3A_320 = arith.addf %add3A_311, %broadcast_in_dim3A_319 : vector<1x8xf32>
    %slice3A_321 = vector.extract_strided_slice %add3A {offsets = [4096, 0], sizes = [128, 8], strides = [1, 1]} : vector<6272x8xf32> to vector<128x8xf32>
    %dot_general3A_322 = arith.constant dense<0.000000e+00> : vector<128x8xf32>
    %dot_general3A_323 = tpu.matmul %convert_element_type3A_33, %slice3A_321, %dot_general3A_322 {dimension_numbers = #tpu.dot_dimension_numbers<[1], [0], [0], [1], [0, 0, 1, 1], [], []>, transpose_lhs_hint = false} : vector<128x128xf32>, vector<128x8xf32>, vector<128x8xf32> -> vector<128x8xf32>
    %add3A_324 = vector.broadcast %add3A_320 : vector<1x8xf32> to vector<128x8xf32>
    %add3A_325 = arith.addf %dot_general3A_323, %add3A_324 : vector<128x8xf32>
    %reduce_sum3A_326 = arith.constant dense<0.000000e+00> : vector<8xf32>
    %reduce_sum3A_327 = vector.multi_reduction <add>, %slice3A_321, %reduce_sum3A_326 [0] : vector<128x8xf32> to vector<8xf32>
    %broadcast_in_dim3A_328 = vector.shape_cast %reduce_sum3A_327 : vector<8xf32> to vector<1x8xf32>
    %add3A_329 = arith.addf %add3A_320, %broadcast_in_dim3A_328 : vector<1x8xf32>
    %slice3A_330 = vector.extract_strided_slice %add3A {offsets = [4224, 0], sizes = [128, 8], strides = [1, 1]} : vector<6272x8xf32> to vector<128x8xf32>
    %dot_general3A_331 = arith.constant dense<0.000000e+00> : vector<128x8xf32>
    %dot_general3A_332 = tpu.matmul %convert_element_type3A_33, %slice3A_330, %dot_general3A_331 {dimension_numbers = #tpu.dot_dimension_numbers<[1], [0], [0], [1], [0, 0, 1, 1], [], []>, transpose_lhs_hint = false} : vector<128x128xf32>, vector<128x8xf32>, vector<128x8xf32> -> vector<128x8xf32>
    %add3A_333 = vector.broadcast %add3A_329 : vector<1x8xf32> to vector<128x8xf32>
    %add3A_334 = arith.addf %dot_general3A_332, %add3A_333 : vector<128x8xf32>
    %reduce_sum3A_335 = arith.constant dense<0.000000e+00> : vector<8xf32>
    %reduce_sum3A_336 = vector.multi_reduction <add>, %slice3A_330, %reduce_sum3A_335 [0] : vector<128x8xf32> to vector<8xf32>
    %broadcast_in_dim3A_337 = vector.shape_cast %reduce_sum3A_336 : vector<8xf32> to vector<1x8xf32>
    %add3A_338 = arith.addf %add3A_329, %broadcast_in_dim3A_337 : vector<1x8xf32>
    %slice3A_339 = vector.extract_strided_slice %add3A {offsets = [4352, 0], sizes = [128, 8], strides = [1, 1]} : vector<6272x8xf32> to vector<128x8xf32>
    %dot_general3A_340 = arith.constant dense<0.000000e+00> : vector<128x8xf32>
    %dot_general3A_341 = tpu.matmul %convert_element_type3A_33, %slice3A_339, %dot_general3A_340 {dimension_numbers = #tpu.dot_dimension_numbers<[1], [0], [0], [1], [0, 0, 1, 1], [], []>, transpose_lhs_hint = false} : vector<128x128xf32>, vector<128x8xf32>, vector<128x8xf32> -> vector<128x8xf32>
    %add3A_342 = vector.broadcast %add3A_338 : vector<1x8xf32> to vector<128x8xf32>
    %add3A_343 = arith.addf %dot_general3A_341, %add3A_342 : vector<128x8xf32>
    %reduce_sum3A_344 = arith.constant dense<0.000000e+00> : vector<8xf32>
    %reduce_sum3A_345 = vector.multi_reduction <add>, %slice3A_339, %reduce_sum3A_344 [0] : vector<128x8xf32> to vector<8xf32>
    %broadcast_in_dim3A_346 = vector.shape_cast %reduce_sum3A_345 : vector<8xf32> to vector<1x8xf32>
    %add3A_347 = arith.addf %add3A_338, %broadcast_in_dim3A_346 : vector<1x8xf32>
    %slice3A_348 = vector.extract_strided_slice %add3A {offsets = [4480, 0], sizes = [128, 8], strides = [1, 1]} : vector<6272x8xf32> to vector<128x8xf32>
    %dot_general3A_349 = arith.constant dense<0.000000e+00> : vector<128x8xf32>
    %dot_general3A_350 = tpu.matmul %convert_element_type3A_33, %slice3A_348, %dot_general3A_349 {dimension_numbers = #tpu.dot_dimension_numbers<[1], [0], [0], [1], [0, 0, 1, 1], [], []>, transpose_lhs_hint = false} : vector<128x128xf32>, vector<128x8xf32>, vector<128x8xf32> -> vector<128x8xf32>
    %add3A_351 = vector.broadcast %add3A_347 : vector<1x8xf32> to vector<128x8xf32>
    %add3A_352 = arith.addf %dot_general3A_350, %add3A_351 : vector<128x8xf32>
    %reduce_sum3A_353 = arith.constant dense<0.000000e+00> : vector<8xf32>
    %reduce_sum3A_354 = vector.multi_reduction <add>, %slice3A_348, %reduce_sum3A_353 [0] : vector<128x8xf32> to vector<8xf32>
    %broadcast_in_dim3A_355 = vector.shape_cast %reduce_sum3A_354 : vector<8xf32> to vector<1x8xf32>
    %add3A_356 = arith.addf %add3A_347, %broadcast_in_dim3A_355 : vector<1x8xf32>
    %slice3A_357 = vector.extract_strided_slice %add3A {offsets = [4608, 0], sizes = [128, 8], strides = [1, 1]} : vector<6272x8xf32> to vector<128x8xf32>
    %dot_general3A_358 = arith.constant dense<0.000000e+00> : vector<128x8xf32>
    %dot_general3A_359 = tpu.matmul %convert_element_type3A_33, %slice3A_357, %dot_general3A_358 {dimension_numbers = #tpu.dot_dimension_numbers<[1], [0], [0], [1], [0, 0, 1, 1], [], []>, transpose_lhs_hint = false} : vector<128x128xf32>, vector<128x8xf32>, vector<128x8xf32> -> vector<128x8xf32>
    %add3A_360 = vector.broadcast %add3A_356 : vector<1x8xf32> to vector<128x8xf32>
    %add3A_361 = arith.addf %dot_general3A_359, %add3A_360 : vector<128x8xf32>
    %reduce_sum3A_362 = arith.constant dense<0.000000e+00> : vector<8xf32>
    %reduce_sum3A_363 = vector.multi_reduction <add>, %slice3A_357, %reduce_sum3A_362 [0] : vector<128x8xf32> to vector<8xf32>
    %broadcast_in_dim3A_364 = vector.shape_cast %reduce_sum3A_363 : vector<8xf32> to vector<1x8xf32>
    %add3A_365 = arith.addf %add3A_356, %broadcast_in_dim3A_364 : vector<1x8xf32>
    %slice3A_366 = vector.extract_strided_slice %add3A {offsets = [4736, 0], sizes = [128, 8], strides = [1, 1]} : vector<6272x8xf32> to vector<128x8xf32>
    %dot_general3A_367 = arith.constant dense<0.000000e+00> : vector<128x8xf32>
    %dot_general3A_368 = tpu.matmul %convert_element_type3A_33, %slice3A_366, %dot_general3A_367 {dimension_numbers = #tpu.dot_dimension_numbers<[1], [0], [0], [1], [0, 0, 1, 1], [], []>, transpose_lhs_hint = false} : vector<128x128xf32>, vector<128x8xf32>, vector<128x8xf32> -> vector<128x8xf32>
    %add3A_369 = vector.broadcast %add3A_365 : vector<1x8xf32> to vector<128x8xf32>
    %add3A_370 = arith.addf %dot_general3A_368, %add3A_369 : vector<128x8xf32>
    %reduce_sum3A_371 = arith.constant dense<0.000000e+00> : vector<8xf32>
    %reduce_sum3A_372 = vector.multi_reduction <add>, %slice3A_366, %reduce_sum3A_371 [0] : vector<128x8xf32> to vector<8xf32>
    %broadcast_in_dim3A_373 = vector.shape_cast %reduce_sum3A_372 : vector<8xf32> to vector<1x8xf32>
    %add3A_374 = arith.addf %add3A_365, %broadcast_in_dim3A_373 : vector<1x8xf32>
    %slice3A_375 = vector.extract_strided_slice %add3A {offsets = [4864, 0], sizes = [128, 8], strides = [1, 1]} : vector<6272x8xf32> to vector<128x8xf32>
    %dot_general3A_376 = arith.constant dense<0.000000e+00> : vector<128x8xf32>
    %dot_general3A_377 = tpu.matmul %convert_element_type3A_33, %slice3A_375, %dot_general3A_376 {dimension_numbers = #tpu.dot_dimension_numbers<[1], [0], [0], [1], [0, 0, 1, 1], [], []>, transpose_lhs_hint = false} : vector<128x128xf32>, vector<128x8xf32>, vector<128x8xf32> -> vector<128x8xf32>
    %add3A_378 = vector.broadcast %add3A_374 : vector<1x8xf32> to vector<128x8xf32>
    %add3A_379 = arith.addf %dot_general3A_377, %add3A_378 : vector<128x8xf32>
    %reduce_sum3A_380 = arith.constant dense<0.000000e+00> : vector<8xf32>
    %reduce_sum3A_381 = vector.multi_reduction <add>, %slice3A_375, %reduce_sum3A_380 [0] : vector<128x8xf32> to vector<8xf32>
    %broadcast_in_dim3A_382 = vector.shape_cast %reduce_sum3A_381 : vector<8xf32> to vector<1x8xf32>
    %add3A_383 = arith.addf %add3A_374, %broadcast_in_dim3A_382 : vector<1x8xf32>
    %slice3A_384 = vector.extract_strided_slice %add3A {offsets = [4992, 0], sizes = [128, 8], strides = [1, 1]} : vector<6272x8xf32> to vector<128x8xf32>
    %dot_general3A_385 = arith.constant dense<0.000000e+00> : vector<128x8xf32>
    %dot_general3A_386 = tpu.matmul %convert_element_type3A_33, %slice3A_384, %dot_general3A_385 {dimension_numbers = #tpu.dot_dimension_numbers<[1], [0], [0], [1], [0, 0, 1, 1], [], []>, transpose_lhs_hint = false} : vector<128x128xf32>, vector<128x8xf32>, vector<128x8xf32> -> vector<128x8xf32>
    %add3A_387 = vector.broadcast %add3A_383 : vector<1x8xf32> to vector<128x8xf32>
    %add3A_388 = arith.addf %dot_general3A_386, %add3A_387 : vector<128x8xf32>
    %reduce_sum3A_389 = arith.constant dense<0.000000e+00> : vector<8xf32>
    %reduce_sum3A_390 = vector.multi_reduction <add>, %slice3A_384, %reduce_sum3A_389 [0] : vector<128x8xf32> to vector<8xf32>
    %broadcast_in_dim3A_391 = vector.shape_cast %reduce_sum3A_390 : vector<8xf32> to vector<1x8xf32>
    %add3A_392 = arith.addf %add3A_383, %broadcast_in_dim3A_391 : vector<1x8xf32>
    %slice3A_393 = vector.extract_strided_slice %add3A {offsets = [5120, 0], sizes = [128, 8], strides = [1, 1]} : vector<6272x8xf32> to vector<128x8xf32>
    %dot_general3A_394 = arith.constant dense<0.000000e+00> : vector<128x8xf32>
    %dot_general3A_395 = tpu.matmul %convert_element_type3A_33, %slice3A_393, %dot_general3A_394 {dimension_numbers = #tpu.dot_dimension_numbers<[1], [0], [0], [1], [0, 0, 1, 1], [], []>, transpose_lhs_hint = false} : vector<128x128xf32>, vector<128x8xf32>, vector<128x8xf32> -> vector<128x8xf32>
    %add3A_396 = vector.broadcast %add3A_392 : vector<1x8xf32> to vector<128x8xf32>
    %add3A_397 = arith.addf %dot_general3A_395, %add3A_396 : vector<128x8xf32>
    %reduce_sum3A_398 = arith.constant dense<0.000000e+00> : vector<8xf32>
    %reduce_sum3A_399 = vector.multi_reduction <add>, %slice3A_393, %reduce_sum3A_398 [0] : vector<128x8xf32> to vector<8xf32>
    %broadcast_in_dim3A_400 = vector.shape_cast %reduce_sum3A_399 : vector<8xf32> to vector<1x8xf32>
    %add3A_401 = arith.addf %add3A_392, %broadcast_in_dim3A_400 : vector<1x8xf32>
    %slice3A_402 = vector.extract_strided_slice %add3A {offsets = [5248, 0], sizes = [128, 8], strides = [1, 1]} : vector<6272x8xf32> to vector<128x8xf32>
    %dot_general3A_403 = arith.constant dense<0.000000e+00> : vector<128x8xf32>
    %dot_general3A_404 = tpu.matmul %convert_element_type3A_33, %slice3A_402, %dot_general3A_403 {dimension_numbers = #tpu.dot_dimension_numbers<[1], [0], [0], [1], [0, 0, 1, 1], [], []>, transpose_lhs_hint = false} : vector<128x128xf32>, vector<128x8xf32>, vector<128x8xf32> -> vector<128x8xf32>
    %add3A_405 = vector.broadcast %add3A_401 : vector<1x8xf32> to vector<128x8xf32>
    %add3A_406 = arith.addf %dot_general3A_404, %add3A_405 : vector<128x8xf32>
    %reduce_sum3A_407 = arith.constant dense<0.000000e+00> : vector<8xf32>
    %reduce_sum3A_408 = vector.multi_reduction <add>, %slice3A_402, %reduce_sum3A_407 [0] : vector<128x8xf32> to vector<8xf32>
    %broadcast_in_dim3A_409 = vector.shape_cast %reduce_sum3A_408 : vector<8xf32> to vector<1x8xf32>
    %add3A_410 = arith.addf %add3A_401, %broadcast_in_dim3A_409 : vector<1x8xf32>
    %slice3A_411 = vector.extract_strided_slice %add3A {offsets = [5376, 0], sizes = [128, 8], strides = [1, 1]} : vector<6272x8xf32> to vector<128x8xf32>
    %dot_general3A_412 = arith.constant dense<0.000000e+00> : vector<128x8xf32>
    %dot_general3A_413 = tpu.matmul %convert_element_type3A_33, %slice3A_411, %dot_general3A_412 {dimension_numbers = #tpu.dot_dimension_numbers<[1], [0], [0], [1], [0, 0, 1, 1], [], []>, transpose_lhs_hint = false} : vector<128x128xf32>, vector<128x8xf32>, vector<128x8xf32> -> vector<128x8xf32>
    %add3A_414 = vector.broadcast %add3A_410 : vector<1x8xf32> to vector<128x8xf32>
    %add3A_415 = arith.addf %dot_general3A_413, %add3A_414 : vector<128x8xf32>
    %reduce_sum3A_416 = arith.constant dense<0.000000e+00> : vector<8xf32>
    %reduce_sum3A_417 = vector.multi_reduction <add>, %slice3A_411, %reduce_sum3A_416 [0] : vector<128x8xf32> to vector<8xf32>
    %broadcast_in_dim3A_418 = vector.shape_cast %reduce_sum3A_417 : vector<8xf32> to vector<1x8xf32>
    %add3A_419 = arith.addf %add3A_410, %broadcast_in_dim3A_418 : vector<1x8xf32>
    %slice3A_420 = vector.extract_strided_slice %add3A {offsets = [5504, 0], sizes = [128, 8], strides = [1, 1]} : vector<6272x8xf32> to vector<128x8xf32>
    %dot_general3A_421 = arith.constant dense<0.000000e+00> : vector<128x8xf32>
    %dot_general3A_422 = tpu.matmul %convert_element_type3A_33, %slice3A_420, %dot_general3A_421 {dimension_numbers = #tpu.dot_dimension_numbers<[1], [0], [0], [1], [0, 0, 1, 1], [], []>, transpose_lhs_hint = false} : vector<128x128xf32>, vector<128x8xf32>, vector<128x8xf32> -> vector<128x8xf32>
    %add3A_423 = vector.broadcast %add3A_419 : vector<1x8xf32> to vector<128x8xf32>
    %add3A_424 = arith.addf %dot_general3A_422, %add3A_423 : vector<128x8xf32>
    %reduce_sum3A_425 = arith.constant dense<0.000000e+00> : vector<8xf32>
    %reduce_sum3A_426 = vector.multi_reduction <add>, %slice3A_420, %reduce_sum3A_425 [0] : vector<128x8xf32> to vector<8xf32>
    %broadcast_in_dim3A_427 = vector.shape_cast %reduce_sum3A_426 : vector<8xf32> to vector<1x8xf32>
    %add3A_428 = arith.addf %add3A_419, %broadcast_in_dim3A_427 : vector<1x8xf32>
    %slice3A_429 = vector.extract_strided_slice %add3A {offsets = [5632, 0], sizes = [128, 8], strides = [1, 1]} : vector<6272x8xf32> to vector<128x8xf32>
    %dot_general3A_430 = arith.constant dense<0.000000e+00> : vector<128x8xf32>
    %dot_general3A_431 = tpu.matmul %convert_element_type3A_33, %slice3A_429, %dot_general3A_430 {dimension_numbers = #tpu.dot_dimension_numbers<[1], [0], [0], [1], [0, 0, 1, 1], [], []>, transpose_lhs_hint = false} : vector<128x128xf32>, vector<128x8xf32>, vector<128x8xf32> -> vector<128x8xf32>
    %add3A_432 = vector.broadcast %add3A_428 : vector<1x8xf32> to vector<128x8xf32>
    %add3A_433 = arith.addf %dot_general3A_431, %add3A_432 : vector<128x8xf32>
    %reduce_sum3A_434 = arith.constant dense<0.000000e+00> : vector<8xf32>
    %reduce_sum3A_435 = vector.multi_reduction <add>, %slice3A_429, %reduce_sum3A_434 [0] : vector<128x8xf32> to vector<8xf32>
    %broadcast_in_dim3A_436 = vector.shape_cast %reduce_sum3A_435 : vector<8xf32> to vector<1x8xf32>
    %add3A_437 = arith.addf %add3A_428, %broadcast_in_dim3A_436 : vector<1x8xf32>
    %slice3A_438 = vector.extract_strided_slice %add3A {offsets = [5760, 0], sizes = [128, 8], strides = [1, 1]} : vector<6272x8xf32> to vector<128x8xf32>
    %dot_general3A_439 = arith.constant dense<0.000000e+00> : vector<128x8xf32>
    %dot_general3A_440 = tpu.matmul %convert_element_type3A_33, %slice3A_438, %dot_general3A_439 {dimension_numbers = #tpu.dot_dimension_numbers<[1], [0], [0], [1], [0, 0, 1, 1], [], []>, transpose_lhs_hint = false} : vector<128x128xf32>, vector<128x8xf32>, vector<128x8xf32> -> vector<128x8xf32>
    %add3A_441 = vector.broadcast %add3A_437 : vector<1x8xf32> to vector<128x8xf32>
    %add3A_442 = arith.addf %dot_general3A_440, %add3A_441 : vector<128x8xf32>
    %reduce_sum3A_443 = arith.constant dense<0.000000e+00> : vector<8xf32>
    %reduce_sum3A_444 = vector.multi_reduction <add>, %slice3A_438, %reduce_sum3A_443 [0] : vector<128x8xf32> to vector<8xf32>
    %broadcast_in_dim3A_445 = vector.shape_cast %reduce_sum3A_444 : vector<8xf32> to vector<1x8xf32>
    %add3A_446 = arith.addf %add3A_437, %broadcast_in_dim3A_445 : vector<1x8xf32>
    %slice3A_447 = vector.extract_strided_slice %add3A {offsets = [5888, 0], sizes = [128, 8], strides = [1, 1]} : vector<6272x8xf32> to vector<128x8xf32>
    %dot_general3A_448 = arith.constant dense<0.000000e+00> : vector<128x8xf32>
    %dot_general3A_449 = tpu.matmul %convert_element_type3A_33, %slice3A_447, %dot_general3A_448 {dimension_numbers = #tpu.dot_dimension_numbers<[1], [0], [0], [1], [0, 0, 1, 1], [], []>, transpose_lhs_hint = false} : vector<128x128xf32>, vector<128x8xf32>, vector<128x8xf32> -> vector<128x8xf32>
    %add3A_450 = vector.broadcast %add3A_446 : vector<1x8xf32> to vector<128x8xf32>
    %add3A_451 = arith.addf %dot_general3A_449, %add3A_450 : vector<128x8xf32>
    %reduce_sum3A_452 = arith.constant dense<0.000000e+00> : vector<8xf32>
    %reduce_sum3A_453 = vector.multi_reduction <add>, %slice3A_447, %reduce_sum3A_452 [0] : vector<128x8xf32> to vector<8xf32>
    %broadcast_in_dim3A_454 = vector.shape_cast %reduce_sum3A_453 : vector<8xf32> to vector<1x8xf32>
    %add3A_455 = arith.addf %add3A_446, %broadcast_in_dim3A_454 : vector<1x8xf32>
    %slice3A_456 = vector.extract_strided_slice %add3A {offsets = [6016, 0], sizes = [128, 8], strides = [1, 1]} : vector<6272x8xf32> to vector<128x8xf32>
    %dot_general3A_457 = arith.constant dense<0.000000e+00> : vector<128x8xf32>
    %dot_general3A_458 = tpu.matmul %convert_element_type3A_33, %slice3A_456, %dot_general3A_457 {dimension_numbers = #tpu.dot_dimension_numbers<[1], [0], [0], [1], [0, 0, 1, 1], [], []>, transpose_lhs_hint = false} : vector<128x128xf32>, vector<128x8xf32>, vector<128x8xf32> -> vector<128x8xf32>
    %add3A_459 = vector.broadcast %add3A_455 : vector<1x8xf32> to vector<128x8xf32>
    %add3A_460 = arith.addf %dot_general3A_458, %add3A_459 : vector<128x8xf32>
    %reduce_sum3A_461 = arith.constant dense<0.000000e+00> : vector<8xf32>
    %reduce_sum3A_462 = vector.multi_reduction <add>, %slice3A_456, %reduce_sum3A_461 [0] : vector<128x8xf32> to vector<8xf32>
    %broadcast_in_dim3A_463 = vector.shape_cast %reduce_sum3A_462 : vector<8xf32> to vector<1x8xf32>
    %add3A_464 = arith.addf %add3A_455, %broadcast_in_dim3A_463 : vector<1x8xf32>
    %slice3A_465 = vector.extract_strided_slice %add3A {offsets = [6144, 0], sizes = [128, 8], strides = [1, 1]} : vector<6272x8xf32> to vector<128x8xf32>
    %dot_general3A_466 = arith.constant dense<0.000000e+00> : vector<128x8xf32>
    %dot_general3A_467 = tpu.matmul %convert_element_type3A_33, %slice3A_465, %dot_general3A_466 {dimension_numbers = #tpu.dot_dimension_numbers<[1], [0], [0], [1], [0, 0, 1, 1], [], []>, transpose_lhs_hint = false} : vector<128x128xf32>, vector<128x8xf32>, vector<128x8xf32> -> vector<128x8xf32>
    %add3A_468 = vector.broadcast %add3A_464 : vector<1x8xf32> to vector<128x8xf32>
    %add3A_469 = arith.addf %dot_general3A_467, %add3A_468 : vector<128x8xf32>
    %reduce_sum3A_470 = arith.constant dense<0.000000e+00> : vector<8xf32>
    %reduce_sum3A_471 = vector.multi_reduction <add>, %slice3A_465, %reduce_sum3A_470 [0] : vector<128x8xf32> to vector<8xf32>
    %broadcast_in_dim3A_472 = vector.shape_cast %reduce_sum3A_471 : vector<8xf32> to vector<1x8xf32>
    %add3A_473 = arith.addf %add3A_464, %broadcast_in_dim3A_472 : vector<1x8xf32>
    %concatenate3A = tpu.concatenate %add3A_38, %add3A_46, %add3A_55, %add3A_64, %add3A_73, %add3A_82, %add3A_91, %add3A_100, %add3A_109, %add3A_118, %add3A_127, %add3A_136, %add3A_145, %add3A_154, %add3A_163, %add3A_172, %add3A_181, %add3A_190, %add3A_199, %add3A_208, %add3A_217, %add3A_226, %add3A_235, %add3A_244, %add3A_253, %add3A_262, %add3A_271, %add3A_280, %add3A_289, %add3A_298, %add3A_307, %add3A_316, %add3A_325, %add3A_334, %add3A_343, %add3A_352, %add3A_361, %add3A_370, %add3A_379, %add3A_388, %add3A_397, %add3A_406, %add3A_415, %add3A_424, %add3A_433, %add3A_442, %add3A_451, %add3A_460, %add3A_469 in 0 : vector<128x8xf32>, vector<128x8xf32>, vector<128x8xf32>, vector<128x8xf32>, vector<128x8xf32>, vector<128x8xf32>, vector<128x8xf32>, vector<128x8xf32>, vector<128x8xf32>, vector<128x8xf32>, vector<128x8xf32>, vector<128x8xf32>, vector<128x8xf32>, vector<128x8xf32>, vector<128x8xf32>, vector<128x8xf32>, vector<128x8xf32>, vector<128x8xf32>, vector<128x8xf32>, vector<128x8xf32>, vector<128x8xf32>, vector<128x8xf32>, vector<128x8xf32>, vector<128x8xf32>, vector<128x8xf32>, vector<128x8xf32>, vector<128x8xf32>, vector<128x8xf32>, vector<128x8xf32>, vector<128x8xf32>, vector<128x8xf32>, vector<128x8xf32>, vector<128x8xf32>, vector<128x8xf32>, vector<128x8xf32>, vector<128x8xf32>, vector<128x8xf32>, vector<128x8xf32>, vector<128x8xf32>, vector<128x8xf32>, vector<128x8xf32>, vector<128x8xf32>, vector<128x8xf32>, vector<128x8xf32>, vector<128x8xf32>, vector<128x8xf32>, vector<128x8xf32>, vector<128x8xf32>, vector<128x8xf32> -> vector<6272x8xf32>
    %convert_element_type3A_474 = arith.fptosi %add3A_473 : vector<1x8xf32> to vector<1x8xi32>
    %add3A_475 = arith.constant 511 : i32
    %add3A_476 = vector.broadcast %add3A_475 : i32 to vector<1x8xi32>
    %add3A_477 = arith.addi %convert_element_type3A_474, %add3A_476 : vector<1x8xi32>
    %and3A = arith.constant -512 : i32
    %and3A_478 = vector.broadcast %and3A : i32 to vector<1x8xi32>
    %and3A_479 = arith.andi %add3A_477, %and3A_478 : vector<1x8xi32>
    %convert_element_type3A_480 = arith.sitofp %and3A_479 : vector<1x8xi32> to vector<1x8xf32>
    %iota3A_481 = tpu.iota {dimensions = array<i32: 0>} : vector<8x8xi32>
    %iota3A_482 = tpu.iota {dimensions = array<i32: 1>} : vector<8x8xi32>
    %lt3A_483 = arith.cmpi slt, %iota3A_481, %iota3A_482 : vector<8x8xi32>
    %convert_element_type3A_484 = arith.extui %lt3A_483 : vector<8x8xi1> to vector<8x8xi32>
    %convert_element_type3A_485 = arith.sitofp %convert_element_type3A_484 : vector<8x8xi32> to vector<8x8xf32>
    %dot_general3A_486 = arith.constant dense<0.000000e+00> : vector<1x8xf32>
    %dot_general3A_487 = tpu.matmul %convert_element_type3A_480, %convert_element_type3A_485, %dot_general3A_486 {dimension_numbers = #tpu.dot_dimension_numbers<[1], [0], [0], [1], [0, 0, 1, 1], [], []>, transpose_lhs_hint = false} : vector<1x8xf32>, vector<8x8xf32>, vector<1x8xf32> -> vector<1x8xf32>
    %add3A_488 = vector.broadcast %dot_general3A_487 : vector<1x8xf32> to vector<6272x8xf32>
    %add3A_489 = arith.addf %add3A_488, %concatenate3A : vector<6272x8xf32>
    %mul3A = arith.mulf %convert_element_type3A_25, %add3A_489 : vector<6272x8xf32>
    %reduce_sum3A_490 = arith.constant dense<0.000000e+00> : vector<6272xf32>
    %reduce_sum3A_491 = vector.multi_reduction <add>, %mul3A, %reduce_sum3A_490 [1] : vector<6272x8xf32> to vector<6272xf32>
    %broadcast_in_dim3A_492 = vector.shape_cast %reduce_sum3A_491 : vector<6272xf32> to vector<6272x1xf32>
    %convert_element_type3A_493 = arith.fptosi %broadcast_in_dim3A_492 : vector<6272x1xf32> to vector<6272x1xi32>
    %swap3A = arith.constant 0 : index
    %swap3A_494 = arith.constant 0 : index
    %swap3A_495 = vector.load %arg2[%swap3A, %swap3A_494] : memref<6272x1xi32, #tpu.memory_space<vmem>>, vector<6272x1xi32>
    tpu.vector_store %arg2[%swap3A, %swap3A_494], %convert_element_type3A_493 {strides = array<i32>} : memref<6272x1xi32, #tpu.memory_space<vmem>>, vector<6272x1xi32>,
    %mul3A_496 = arith.mulf %convert_element_type3A_29, %add3A_489 : vector<6272x8xf32>
    %reduce_sum3A_497 = arith.constant dense<0.000000e+00> : vector<6272xf32>
    %reduce_sum3A_498 = vector.multi_reduction <add>, %mul3A_496, %reduce_sum3A_497 [1] : vector<6272x8xf32> to vector<6272xf32>
    %broadcast_in_dim3A_499 = vector.shape_cast %reduce_sum3A_498 : vector<6272xf32> to vector<6272x1xf32>
    %convert_element_type3A_500 = arith.fptosi %broadcast_in_dim3A_499 : vector<6272x1xf32> to vector<6272x1xi32>
    %swap3A_501 = arith.constant 0 : index
    %swap3A_502 = arith.constant 0 : index
    %swap3A_503 = vector.load %arg3[%swap3A_501, %swap3A_502] : memref<6272x1xi32, #tpu.memory_space<vmem>>, vector<6272x1xi32>
    tpu.vector_store %arg3[%swap3A_501, %swap3A_502], %convert_element_type3A_500 {strides = array<i32>} : memref<6272x1xi32, #tpu.memory_space<vmem>>, vector<6272x1xi32>,
    %add3A_504 = arith.addf %dot_general3A_487, %convert_element_type3A_480 : vector<1x8xf32>
    %iota3A_505 = tpu.iota {dimensions = array<i32: 0>} : vector<32x8xi32>
    %convert_element_type3A_506 = arith.sitofp %iota3A_505 : vector<32x8xi32> to vector<32x8xf32>
    %mul3A_507 = arith.constant 5.120000e+02 : f32
    %mul3A_508 = vector.broadcast %mul3A_507 : f32 to vector<32x8xf32>
    %mul3A_509 = arith.mulf %convert_element_type3A_506, %mul3A_508 : vector<32x8xf32>
    %le3A = vector.broadcast %add3A_504 : vector<1x8xf32> to vector<32x8xf32>
    %le3A_510 = arith.cmpf ole, %le3A, %mul3A_509 : vector<32x8xf32>
    %convert_element_type3A_511 = arith.extui %le3A_510 : vector<32x8xi1> to vector<32x8xi32>
    %reduce_sum3A_512 = arith.constant dense<0> : vector<32xi32>
    %reduce_sum3A_513 = vector.multi_reduction <add>, %convert_element_type3A_511, %reduce_sum3A_512 [1] : vector<32x8xi32> to vector<32xi32>
    %broadcast_in_dim3A_514 = vector.shape_cast %reduce_sum3A_513 : vector<32xi32> to vector<32x1xi32>
    %min3A = arith.constant 7 : i32
    %min3A_515 = vector.broadcast %min3A : i32 to vector<32x1xi32>
    %min3A_516 = arith.minsi %broadcast_in_dim3A_514, %min3A_515 : vector<32x1xi32>
    %swap3A_517 = arith.constant 0 : index
    %swap3A_518 = arith.constant 0 : index
    %swap3A_519 = vector.load %arg4[%swap3A_517, %swap3A_518] : memref<32x1xi32, #tpu.memory_space<vmem>>, vector<32x1xi32>
    tpu.vector_store %arg4[%swap3A_517, %swap3A_518], %min3A_516 {strides = array<i32>} : memref<32x1xi32, #tpu.memory_space<vmem>>, vector<32x1xi32>,
    return
  }
  func.func @transform_0(%arg0: i32) -> (i32, i32) {
    %c0_i32 = arith.constant 0 : i32
    %c0_i32_0 = arith.constant 0 : i32
    %c0_i32_1 = arith.constant 0 : i32
    return %c0_i32, %c0_i32_0 : i32, i32
  }
  func.func @transform_1(%arg0: i32) -> (i32, i32) {
    %c0_i32 = arith.constant 0 : i32
    %c0_i32_0 = arith.constant 0 : i32
    %c0_i32_1 = arith.constant 0 : i32
    return %c0_i32, %c0_i32_0 : i32, i32
  }
  func.func @transform_2(%arg0: i32) -> (i32, i32) {
    %c0_i32 = arith.constant 0 : i32
    %c0_i32_0 = arith.constant 0 : i32
    %c0_i32_1 = arith.constant 0 : i32
    return %c0_i32, %c0_i32_0 : i32, i32
  }
  func.func @transform_3(%arg0: i32) -> (i32, i32) {
    %c0_i32 = arith.constant 0 : i32
    %c0_i32_0 = arith.constant 0 : i32
    %c0_i32_1 = arith.constant 0 : i32
    return %c0_i32, %c0_i32_0 : i32, i32
  }
}

module attributes {stable_mosaic.version = 14 : i64} {
  func.func @_moe_body(%arg0: i32, %arg1: memref<32xi32, #tpu.memory_space<smem>>, %arg2: memref<512x384xf32, #tpu.memory_space<vmem>>, %arg3: memref<1x1536x384xbf16, #tpu.memory_space<vmem>>, %arg4: memref<1x1x1536xf32, #tpu.memory_space<vmem>>, %arg5: memref<1x384x1536xbf16, #tpu.memory_space<vmem>>, %arg6: memref<1x1x384xf32, #tpu.memory_space<vmem>>, %arg7: memref<512x384xf32, #tpu.memory_space<vmem>>) attributes {dimension_semantics = [#tpu.dimension_semantics<arbitrary>], iteration_bounds = array<i64: 32>, scalar_prefetch = 1 : i64, scratch_operands = 0 : i64, tpu.core_type = #tpu.core_type<tc>, window_params = [{transform_indices = @transform_0, window_bounds = array<i64: 512, 384>}, {transform_indices = @transform_1, window_bounds = array<i64: 1, 1536, 384>}, {transform_indices = @transform_2, window_bounds = array<i64: 1, 1, 1536>}, {transform_indices = @transform_3, window_bounds = array<i64: 1, 384, 1536>}, {transform_indices = @transform_4, window_bounds = array<i64: 1, 1, 384>}, {transform_indices = @transform_5, window_bounds = array<i64: 512, 384>}]} {
    %get3A = arith.constant 0 : index
    %get3A_0 = arith.constant 0 : index
    %get3A_1 = vector.load %arg2[%get3A, %get3A_0] : memref<512x384xf32, #tpu.memory_space<vmem>>, vector<512x384xf32>
    %convert_element_type3A = arith.truncf %get3A_1 : vector<512x384xf32> to vector<512x384xbf16>
    %get3A_2 = arith.constant 0 : index
    %get3A_3 = arith.constant 0 : index
    %get3A_4 = arith.constant 0 : index
    %get3A_5 = vector.load %arg3[%get3A_2, %get3A_3, %get3A_4] : memref<1x1536x384xbf16, #tpu.memory_space<vmem>>, vector<1x1536x384xbf16>
    %get3A_6 = vector.shape_cast %get3A_5 : vector<1x1536x384xbf16> to vector<1536x384xbf16>
    %dot_general3A = arith.constant dense<0.000000e+00> : vector<512x1536xf32>
    %dot_general3A_7 = tpu.matmul %convert_element_type3A, %get3A_6, %dot_general3A {dimension_numbers = #tpu.dot_dimension_numbers<[1], [1], [0], [0], [0, 0, 1, 0], [], []>, transpose_lhs_hint = false} : vector<512x384xbf16>, vector<1536x384xbf16>, vector<512x1536xf32> -> vector<512x1536xf32>
    %get3A_8 = arith.constant 0 : index
    %get3A_9 = arith.constant 0 : index
    %get3A_10 = arith.constant 0 : index
    %get3A_11 = vector.load %arg4[%get3A_8, %get3A_9, %get3A_10] : memref<1x1x1536xf32, #tpu.memory_space<vmem>>, vector<1x1x1536xf32>
    %get3A_12 = vector.shape_cast %get3A_11 : vector<1x1x1536xf32> to vector<1x1536xf32>
    %add3A = vector.broadcast %get3A_12 : vector<1x1536xf32> to vector<512x1536xf32>
    %add3A_13 = arith.addf %dot_general3A_7, %add3A : vector<512x1536xf32>
    %mul3A = arith.constant 5.000000e-01 : f32
    %mul3A_14 = vector.broadcast %mul3A : f32 to vector<512x1536xf32>
    %mul3A_15 = arith.mulf %mul3A_14, %add3A_13 : vector<512x1536xf32>
    %mul3A_16 = arith.constant 0.707106769 : f32
    %mul3A_17 = vector.broadcast %mul3A_16 : f32 to vector<512x1536xf32>
    %mul3A_18 = arith.mulf %add3A_13, %mul3A_17 : vector<512x1536xf32>
    %erf3A = math.erf %mul3A_18 : vector<512x1536xf32>
    %add3A_19 = arith.constant 1.000000e+00 : f32
    %add3A_20 = vector.broadcast %add3A_19 : f32 to vector<512x1536xf32>
    %add3A_21 = arith.addf %add3A_20, %erf3A : vector<512x1536xf32>
    %mul3A_22 = arith.mulf %mul3A_15, %add3A_21 : vector<512x1536xf32>
    %convert_element_type3A_23 = arith.truncf %mul3A_22 : vector<512x1536xf32> to vector<512x1536xbf16>
    %get3A_24 = arith.constant 0 : index
    %get3A_25 = arith.constant 0 : index
    %get3A_26 = arith.constant 0 : index
    %get3A_27 = vector.load %arg5[%get3A_24, %get3A_25, %get3A_26] : memref<1x384x1536xbf16, #tpu.memory_space<vmem>>, vector<1x384x1536xbf16>
    %get3A_28 = vector.shape_cast %get3A_27 : vector<1x384x1536xbf16> to vector<384x1536xbf16>
    %dot_general3A_29 = arith.constant dense<0.000000e+00> : vector<512x384xf32>
    %dot_general3A_30 = tpu.matmul %convert_element_type3A_23, %get3A_28, %dot_general3A_29 {dimension_numbers = #tpu.dot_dimension_numbers<[1], [1], [0], [0], [0, 0, 1, 0], [], []>, transpose_lhs_hint = false} : vector<512x1536xbf16>, vector<384x1536xbf16>, vector<512x384xf32> -> vector<512x384xf32>
    %get3A_31 = arith.constant 0 : index
    %get3A_32 = arith.constant 0 : index
    %get3A_33 = arith.constant 0 : index
    %get3A_34 = vector.load %arg6[%get3A_31, %get3A_32, %get3A_33] : memref<1x1x384xf32, #tpu.memory_space<vmem>>, vector<1x1x384xf32>
    %get3A_35 = vector.shape_cast %get3A_34 : vector<1x1x384xf32> to vector<1x384xf32>
    %add3A_36 = vector.broadcast %get3A_35 : vector<1x384xf32> to vector<512x384xf32>
    %add3A_37 = arith.addf %dot_general3A_30, %add3A_36 : vector<512x384xf32>
    %swap3A = arith.constant 0 : index
    %swap3A_38 = arith.constant 0 : index
    %swap3A_39 = vector.load %arg7[%swap3A, %swap3A_38] : memref<512x384xf32, #tpu.memory_space<vmem>>, vector<512x384xf32>
    tpu.vector_store %arg7[%swap3A, %swap3A_38], %add3A_37 {strides = array<i32>} : memref<512x384xf32, #tpu.memory_space<vmem>>, vector<512x384xf32>,
    return
  }
  func.func @transform_0(%arg0: i32, %arg1: memref<32xi32, #tpu.memory_space<smem>>) -> (i32, i32) {
    %c0_i32 = arith.constant 0 : i32
    %c0_i32_0 = arith.constant 0 : i32
    return %arg0, %c0_i32 : i32, i32
  }
  func.func @transform_1(%arg0: i32, %arg1: memref<32xi32, #tpu.memory_space<smem>>) -> (i32, i32, i32) {
    %get3A = arith.index_cast %arg0 : i32 to index
    %get3A_0 = memref.load %arg1[%get3A] : memref<32xi32, #tpu.memory_space<smem>>
    %c0_i32 = arith.constant 0 : i32
    %c0_i32_1 = arith.constant 0 : i32
    %c0_i32_2 = arith.constant 0 : i32
    return %get3A_0, %c0_i32, %c0_i32_1 : i32, i32, i32
  }
  func.func @transform_2(%arg0: i32, %arg1: memref<32xi32, #tpu.memory_space<smem>>) -> (i32, i32, i32) {
    %get3A = arith.index_cast %arg0 : i32 to index
    %get3A_0 = memref.load %arg1[%get3A] : memref<32xi32, #tpu.memory_space<smem>>
    %c0_i32 = arith.constant 0 : i32
    %c0_i32_1 = arith.constant 0 : i32
    %c0_i32_2 = arith.constant 0 : i32
    return %get3A_0, %c0_i32, %c0_i32_1 : i32, i32, i32
  }
  func.func @transform_3(%arg0: i32, %arg1: memref<32xi32, #tpu.memory_space<smem>>) -> (i32, i32, i32) {
    %get3A = arith.index_cast %arg0 : i32 to index
    %get3A_0 = memref.load %arg1[%get3A] : memref<32xi32, #tpu.memory_space<smem>>
    %c0_i32 = arith.constant 0 : i32
    %c0_i32_1 = arith.constant 0 : i32
    %c0_i32_2 = arith.constant 0 : i32
    return %get3A_0, %c0_i32, %c0_i32_1 : i32, i32, i32
  }
  func.func @transform_4(%arg0: i32, %arg1: memref<32xi32, #tpu.memory_space<smem>>) -> (i32, i32, i32) {
    %get3A = arith.index_cast %arg0 : i32 to index
    %get3A_0 = memref.load %arg1[%get3A] : memref<32xi32, #tpu.memory_space<smem>>
    %c0_i32 = arith.constant 0 : i32
    %c0_i32_1 = arith.constant 0 : i32
    %c0_i32_2 = arith.constant 0 : i32
    return %get3A_0, %c0_i32, %c0_i32_1 : i32, i32, i32
  }
  func.func @transform_5(%arg0: i32, %arg1: memref<32xi32, #tpu.memory_space<smem>>) -> (i32, i32) {
    %c0_i32 = arith.constant 0 : i32
    %c0_i32_0 = arith.constant 0 : i32
    return %arg0, %c0_i32 : i32, i32
  }
}

module attributes {stable_mosaic.version = 14 : i64} {
  func.func @_head_body(%arg0: i32, %arg1: memref<3136x384xf32, #tpu.memory_space<vmem>>, %arg2: memref<3136x384xf32, #tpu.memory_space<vmem>>, %arg3: memref<1x384xf32, #tpu.memory_space<vmem>>, %arg4: memref<1x384xf32, #tpu.memory_space<vmem>>, %arg5: memref<1000x384xf32, #tpu.memory_space<vmem>>, %arg6: memref<1x1000xf32, #tpu.memory_space<vmem>>, %arg7: memref<16x1000xf32, #tpu.memory_space<vmem>>) attributes {dimension_semantics = [#tpu.dimension_semantics<arbitrary>], iteration_bounds = array<i64: 2>, scalar_prefetch = 0 : i64, scratch_operands = 0 : i64, tpu.core_type = #tpu.core_type<tc>, window_params = [{transform_indices = @transform_0, window_bounds = array<i64: 3136, 384>}, {transform_indices = @transform_1, window_bounds = array<i64: 3136, 384>}, {pipeline_mode = #tpu.pipeline_mode<synchronous>, transform_indices = @transform_2, window_bounds = array<i64: 1, 384>}, {pipeline_mode = #tpu.pipeline_mode<synchronous>, transform_indices = @transform_3, window_bounds = array<i64: 1, 384>}, {pipeline_mode = #tpu.pipeline_mode<synchronous>, transform_indices = @transform_4, window_bounds = array<i64: 1000, 384>}, {pipeline_mode = #tpu.pipeline_mode<synchronous>, transform_indices = @transform_5, window_bounds = array<i64: 1, 1000>}, {transform_indices = @transform_6, window_bounds = array<i64: 16, 1000>}]} {
    %get3A = arith.constant 0 : index
    %get3A_0 = arith.constant 0 : index
    %get3A_1 = vector.load %arg1[%get3A, %get3A_0] : memref<3136x384xf32, #tpu.memory_space<vmem>>, vector<3136x384xf32>
    %get3A_2 = arith.constant 0 : index
    %get3A_3 = arith.constant 0 : index
    %get3A_4 = vector.load %arg2[%get3A_2, %get3A_3] : memref<3136x384xf32, #tpu.memory_space<vmem>>, vector<3136x384xf32>
    %add3A = arith.addf %get3A_1, %get3A_4 : vector<3136x384xf32>
    %mul3A = arith.constant 5.000000e-01 : f32
    %mul3A_5 = vector.broadcast %mul3A : f32 to vector<3136x384xf32>
    %mul3A_6 = arith.mulf %add3A, %mul3A_5 : vector<3136x384xf32>
    %get3A_7 = arith.constant 0 : index
    %get3A_8 = arith.constant 0 : index
    %get3A_9 = vector.load %arg3[%get3A_7, %get3A_8] : memref<1x384xf32, #tpu.memory_space<vmem>>, vector<1x384xf32>
    %get3A_10 = arith.constant 0 : index
    %get3A_11 = arith.constant 0 : index
    %get3A_12 = vector.load %arg4[%get3A_10, %get3A_11] : memref<1x384xf32, #tpu.memory_space<vmem>>, vector<1x384xf32>
    %reduce_sum3A = arith.constant dense<0.000000e+00> : vector<3136xf32>
    %reduce_sum3A_13 = vector.multi_reduction <add>, %mul3A_6, %reduce_sum3A [1] : vector<3136x384xf32> to vector<3136xf32>
    %broadcast_in_dim3A = vector.shape_cast %reduce_sum3A_13 : vector<3136xf32> to vector<3136x1xf32>
    %div3A = arith.constant 3.840000e+02 : f32
    %div3A_14 = vector.broadcast %div3A : f32 to vector<3136x1xf32>
    %div3A_15 = arith.divf %broadcast_in_dim3A, %div3A_14 : vector<3136x1xf32>
    %sub3A = vector.broadcast %div3A_15 : vector<3136x1xf32> to vector<3136x384xf32>
    %sub3A_16 = arith.subf %mul3A_6, %sub3A : vector<3136x384xf32>
    %integer_pow3A = arith.mulf %sub3A_16, %sub3A_16 : vector<3136x384xf32>
    %reduce_sum3A_17 = arith.constant dense<0.000000e+00> : vector<3136xf32>
    %reduce_sum3A_18 = vector.multi_reduction <add>, %integer_pow3A, %reduce_sum3A_17 [1] : vector<3136x384xf32> to vector<3136xf32>
    %broadcast_in_dim3A_19 = vector.shape_cast %reduce_sum3A_18 : vector<3136xf32> to vector<3136x1xf32>
    %div3A_20 = arith.constant 3.840000e+02 : f32
    %div3A_21 = vector.broadcast %div3A_20 : f32 to vector<3136x1xf32>
    %div3A_22 = arith.divf %broadcast_in_dim3A_19, %div3A_21 : vector<3136x1xf32>
    %sub3A_23 = vector.broadcast %div3A_15 : vector<3136x1xf32> to vector<3136x384xf32>
    %sub3A_24 = arith.subf %mul3A_6, %sub3A_23 : vector<3136x384xf32>
    %add3A_25 = arith.constant 9.99999974E-6 : f32
    %add3A_26 = vector.broadcast %add3A_25 : f32 to vector<3136x1xf32>
    %add3A_27 = arith.addf %div3A_22, %add3A_26 : vector<3136x1xf32>
    %sqrt3A = math.sqrt %add3A_27 : vector<3136x1xf32>
    %div3A_28 = vector.broadcast %sqrt3A : vector<3136x1xf32> to vector<3136x384xf32>
    %div3A_29 = arith.divf %sub3A_24, %div3A_28 : vector<3136x384xf32>
    %mul3A_30 = vector.broadcast %get3A_9 : vector<1x384xf32> to vector<3136x384xf32>
    %mul3A_31 = arith.mulf %div3A_29, %mul3A_30 : vector<3136x384xf32>
    %add3A_32 = vector.broadcast %get3A_12 : vector<1x384xf32> to vector<3136x384xf32>
    %add3A_33 = arith.addf %mul3A_31, %add3A_32 : vector<3136x384xf32>
    %iota3A = tpu.iota {dimensions = array<i32: 0>} : vector<16x3136xi32>
    %iota3A_34 = tpu.iota {dimensions = array<i32: 1>} : vector<16x3136xi32>
    %jit3A = arith.constant 196 : i32
    %div3A_35 = vector.broadcast %jit3A : i32 to vector<16x3136xi32>
    %div3A_36 = arith.divsi %iota3A_34, %div3A_35 : vector<16x3136xi32>
    %sign3A = arith.constant 0 : i32
    %sign3A_37 = vector.broadcast %sign3A : i32 to vector<16x3136xi32>
    %sign3A_38 = arith.cmpi sgt, %iota3A_34, %sign3A_37 : vector<16x3136xi32>
    %sign3A_39 = arith.extui %sign3A_38 : vector<16x3136xi1> to vector<16x3136xi32>
    %sign3A_40 = arith.constant 0 : i32
    %sign3A_41 = vector.broadcast %sign3A_40 : i32 to vector<16x3136xi32>
    %sign3A_42 = arith.cmpi slt, %iota3A_34, %sign3A_41 : vector<16x3136xi32>
    %sign3A_43 = arith.extui %sign3A_42 : vector<16x3136xi1> to vector<16x3136xi32>
    %sign3A_44 = arith.subi %sign3A_39, %sign3A_43 : vector<16x3136xi32>
    %sign3A_45 = arith.constant 0 : i32
    %sign3A_46 = arith.cmpi sgt, %jit3A, %sign3A_45 : i32
    %sign3A_47 = arith.extui %sign3A_46 : i1 to i32
    %sign3A_48 = arith.constant 0 : i32
    %sign3A_49 = arith.cmpi slt, %jit3A, %sign3A_48 : i32
    %sign3A_50 = arith.extui %sign3A_49 : i1 to i32
    %sign3A_51 = arith.subi %sign3A_47, %sign3A_50 : i32
    %ne3A = vector.broadcast %sign3A_51 : i32 to vector<16x3136xi32>
    %ne3A_52 = arith.cmpi ne, %sign3A_44, %ne3A : vector<16x3136xi32>
    %rem3A = vector.broadcast %jit3A : i32 to vector<16x3136xi32>
    %rem3A_53 = arith.remsi %iota3A_34, %rem3A : vector<16x3136xi32>
    %ne3A_54 = arith.constant 0 : i32
    %ne3A_55 = vector.broadcast %ne3A_54 : i32 to vector<16x3136xi32>
    %ne3A_56 = arith.cmpi ne, %rem3A_53, %ne3A_55 : vector<16x3136xi32>
    %and3A = arith.andi %ne3A_52, %ne3A_56 : vector<16x3136xi1>
    %sub3A_57 = arith.constant 1 : i32
    %sub3A_58 = vector.broadcast %sub3A_57 : i32 to vector<16x3136xi32>
    %sub3A_59 = arith.subi %div3A_36, %sub3A_58 : vector<16x3136xi32>
    %select_n3A = arith.select %and3A, %sub3A_59, %div3A_36 : vector<16x3136xi1>, vector<16x3136xi32>
    %eq3A = arith.cmpi eq, %select_n3A, %iota3A : vector<16x3136xi32>
    %jit3A_60 = arith.constant 0.00510204071 : f32
    %jit3A_61 = arith.constant 0.000000e+00 : f32
    %broadcast_in_dim3A_62 = vector.broadcast %jit3A_60 : f32 to vector<16x3136xf32>
    %broadcast_in_dim3A_63 = vector.broadcast %jit3A_61 : f32 to vector<16x3136xf32>
    %select_n3A_64 = arith.select %eq3A, %broadcast_in_dim3A_62, %broadcast_in_dim3A_63 : vector<16x3136xi1>, vector<16x3136xf32>
    %dot_general3A = arith.constant dense<0.000000e+00> : vector<16x384xf32>
    %dot_general3A_65 = tpu.matmul %select_n3A_64, %add3A_33, %dot_general3A {dimension_numbers = #tpu.dot_dimension_numbers<[1], [0], [0], [1], [0, 0, 1, 1], [], []>, transpose_lhs_hint = false} : vector<16x3136xf32>, vector<3136x384xf32>, vector<16x384xf32> -> vector<16x384xf32>
    %get3A_66 = arith.constant 0 : index
    %get3A_67 = arith.constant 0 : index
    %get3A_68 = vector.load %arg5[%get3A_66, %get3A_67] : memref<1000x384xf32, #tpu.memory_space<vmem>>, vector<1000x384xf32>
    %dot_general3A_69 = arith.constant dense<0.000000e+00> : vector<16x1000xf32>
    %dot_general3A_70 = tpu.matmul %dot_general3A_65, %get3A_68, %dot_general3A_69 {dimension_numbers = #tpu.dot_dimension_numbers<[1], [1], [0], [0], [0, 0, 1, 0], [], []>, transpose_lhs_hint = false} : vector<16x384xf32>, vector<1000x384xf32>, vector<16x1000xf32> -> vector<16x1000xf32>
    %get3A_71 = arith.constant 0 : index
    %get3A_72 = arith.constant 0 : index
    %get3A_73 = vector.load %arg6[%get3A_71, %get3A_72] : memref<1x1000xf32, #tpu.memory_space<vmem>>, vector<1x1000xf32>
    %add3A_74 = vector.broadcast %get3A_73 : vector<1x1000xf32> to vector<16x1000xf32>
    %add3A_75 = arith.addf %dot_general3A_70, %add3A_74 : vector<16x1000xf32>
    %swap3A = arith.constant 0 : index
    %swap3A_76 = arith.constant 0 : index
    %swap3A_77 = vector.load %arg7[%swap3A, %swap3A_76] : memref<16x1000xf32, #tpu.memory_space<vmem>>, vector<16x1000xf32>
    tpu.vector_store %arg7[%swap3A, %swap3A_76], %add3A_75 {strides = array<i32>} : memref<16x1000xf32, #tpu.memory_space<vmem>>, vector<16x1000xf32>,
    return
  }
  func.func @transform_0(%arg0: i32) -> (i32, i32) {
    %c0_i32 = arith.constant 0 : i32
    %c0_i32_0 = arith.constant 0 : i32
    return %arg0, %c0_i32 : i32, i32
  }
  func.func @transform_1(%arg0: i32) -> (i32, i32) {
    %c0_i32 = arith.constant 0 : i32
    %c0_i32_0 = arith.constant 0 : i32
    return %arg0, %c0_i32 : i32, i32
  }
  func.func @transform_2(%arg0: i32) -> (i32, i32) {
    %c0_i32 = arith.constant 0 : i32
    %c0_i32_0 = arith.constant 0 : i32
    %c0_i32_1 = arith.constant 0 : i32
    return %c0_i32, %c0_i32_0 : i32, i32
  }
  func.func @transform_3(%arg0: i32) -> (i32, i32) {
    %c0_i32 = arith.constant 0 : i32
    %c0_i32_0 = arith.constant 0 : i32
    %c0_i32_1 = arith.constant 0 : i32
    return %c0_i32, %c0_i32_0 : i32, i32
  }
  func.func @transform_4(%arg0: i32) -> (i32, i32) {
    %c0_i32 = arith.constant 0 : i32
    %c0_i32_0 = arith.constant 0 : i32
    %c0_i32_1 = arith.constant 0 : i32
    return %c0_i32, %c0_i32_0 : i32, i32
  }
  func.func @transform_5(%arg0: i32) -> (i32, i32) {
    %c0_i32 = arith.constant 0 : i32
    %c0_i32_0 = arith.constant 0 : i32
    %c0_i32_1 = arith.constant 0 : i32
    return %c0_i32, %c0_i32_0 : i32, i32
  }
  func.func @transform_6(%arg0: i32) -> (i32, i32) {
    %c0_i32 = arith.constant 0 : i32
    %c0_i32_0 = arith.constant 0 : i32
    return %arg0, %c0_i32 : i32, i32
  }
}

</mosaic_0001>

<sc_bundles>
// kernel: kernel.11.cloned.1.call-start
scs
__scs_entry_jumppad:
0x0: {  	(pc) =	sbr.rel $0x88, $3  }
0x1: {  	(tag) =	ssettag $0x0;
	lr =	simm.s32 $0x1  }
0x2: {  	[smem:$0x3F8D] =	sst lr;
	_ =	strace $0xD0000000  }
0x3: {  	_ = 	snop  }
0x4: {  	_ = 	snop  }
0x5: {  	_ = 	snop  }
0x6: {  	_ = 	snop  }
0x7: {  	_ = 	snop  }
__scs_overlays_trampoline_lowered:
0x8: {  	[smem:$0x3F9C] =	sst s0  }
0x9: {  	[smem:$0x3F9D] =	sst s1  }
0xa: {  	[smem:$0x3F9E] =	sst s2  }
0xb: {  	[smem:$0x3F9F] =	sst s3  }
0xc: {  	[smem:$0x3FA0] =	sst s4  }
0xd: {  	[smem:$0x3FA1] =	sst s5  }
0xe: {  	[smem:$0x3FA2] =	sst s6  }
0xf: {  	[smem:$0x3FA3] =	sst s7  }
0x10: {  	[smem:$0x3FA4] =	sst s8  }
0x11: {  	[smem:$0x3FA5] =	sst s9;
	s0 =	simm.s32 @!p0 $0x0  }
0x12: {  	s1 =	sld [smem:$0x3F8B];
	s0 =	simm.s32 @p0 $0x1  }
0x13: {  	[smem:$0x3FA6] =	sst s0;
	s0 =	simm.s32 @!p1 $0x0  }
0x14: {  	s2 =	sld [smem:$0x3F8A];
	s0 =	simm.s32 @p1 $0x1  }
0x15: {  	[smem:$0x3FA7] =	sst s0;
	s0 =	simm.s32 @!p2 $0x0  }
0x16: {  	s3 =	sld [smem:$0x3FDB];
	s0 =	simm.s32 @p2 $0x1  }
0x17: {  	s4 =	simm.s32 $0x1BF5;
	[smem:$0x3FA9] =	sst s0  }
0x18: {  	s0 =	sld [smem:$0x3F8C];
	_ =	swait.ge [sflag:s4], $0x0  }
0x19: {  	s7 =	sld [smem:$0x3F8D]  }
0x1a: {  	s8 =	sadd.s32 $0xFFFFE003, lr  }
0x1b: {  	s9 =	sadd.s32 $0xFFFFFEF7, lr;
	s5 =	simm.s32 $0xFFFFFFFF;
	p2 =	slt.u32 s8, $0xFFFFF086  }
0x1c: {  	p1 =	slt.u32 s9, $0xF7A;
	s5 =	simm.s32 @!p2 $0x0  }
0x1d: {  	s5 =	simm.s32 @p1 $0x1;
	p0 =	seq.s32 s7, s2  }
0x1e: {  	s7 =	smul.u32 @!p0 $0xF7A, s2;
	p2 =	seq.s32 @!p0 s5, $0x0  }
0x1f: {  	s9 =	smul.u32 $0xF7A, s1;
	s8 =	simm.s32 @!p0 $0x1BF5;
	p2 =	por !p2, p0  }
0x20: {  	[sflag:s8] =	ssyncset.s32 @!p0 $0xFFFFF086;
	s6 =	sadd.s32 @!p0 s3, s7;
	s7 =	simm.s32 @!p0 $0x108  }
0x21: {  	s3 =	sadd.s32 s3, s9;
	s6 =	sadd.s32 @!p0 $0x88, s6;
	s7 =	simm.s32 @p2 $0x1082  }
0x22: {  	[simem:s7], [sflag:s8] =	dma.local @!p0 [hbm:s6], $0xF7A  }
0x23: {  	s9 =	sor.u32 $0xD0000000, s2;
	s6 =	simm.s32 $0x108;
	_ =	swait.ge @!p0 [sflag:s8], $0x0  }
0x24: {  	s3 =	sadd.s32 $0x88, s3;
	s6 =	simm.s32 @!p1 $0x1082;
	[sflag:s4] =	ssyncset.s32 $0xFFFFF086  }
0x25: {  	[simem:s6], [sflag:s4] =	dma.local [hbm:s3], $0xF7A  }
0x26: {  	[smem:$0x3F8D] =	sst s1;
	(tag) =	ssettag s2;
	_ =	strace s9  }
0x27: {  	s1 =	sld [smem:$0x3F9D]  }
0x28: {  	s2 =	sld [smem:$0x3F9E]  }
0x29: {  	s4 =	sld [smem:$0x3FA0]  }
0x2a: {  	p0 =	seq.s32 s5, $0x0;
	s5 =	sld [smem:$0x3FA1]  }
0x2b: {  	s6 =	sld [smem:$0x3FA2]  }
0x2c: {  	s7 =	sld [smem:$0x3FA3]  }
0x2d: {  	s3 =	simm.s32 $0x108;
	s8 =	sld [smem:$0x3FA4]  }
0x2e: {  	s3 =	simm.s32 @!p0 $0x1082;
	s9 =	sld [smem:$0x3FA5]  }
0x2f: {  	lr =	sadd.s32 s0, s3;
	s0 =	sld [smem:$0x3F9C]  }
0x30: {  	s3 =	sld [smem:$0x3F9F]  }
0x31: {  	[smem:$0x3FA8] =	sst s10  }
0x32: {  	s10 =	sld [smem:$0x3FA6];
	_ =	sdelay $0x3  }
0x33: {  	p0 =	seq.s32 s10, $0x1;
	s10 =	sld [smem:$0x3FA8];
	_ =	sdelay $0x3  }
0x34: {  	[smem:$0x3FA8] =	sst s10  }
0x35: {  	s10 =	sld [smem:$0x3FA7];
	_ =	sdelay $0x3  }
0x36: {  	p1 =	seq.s32 s10, $0x1;
	s10 =	sld [smem:$0x3FA8];
	_ =	sdelay $0x3  }
0x37: {  	[smem:$0x3FA8] =	sst s10  }
0x38: {  	s10 =	sld [smem:$0x3FA9]  }
0x39: {  	_ = 	snop;
	(pc) =	sbr.ind lr, $3  }
0x3a: {  	_ = 	snop  }
0x3b: {  	_ = 	snop  }
0x3c: {  	p2 =	seq.s32 s10, $0x1;
	s10 =	sld [smem:$0x3FA8]  }
0x3d: {  	_ =	shalt  }
0x3e: {  	_ =	shalt  }
0x3f: {  	_ =	shalt  }
0x40: {  	_ =	shalt  }
0x41: {  	_ =	shalt  }
0x42: {  	_ =	shalt  }
0x43: {  	_ =	shalt  }
0x44: {  	_ =	shalt  }
0x45: {  	_ =	shalt  }
0x46: {  	_ =	shalt  }
0x47: {  	_ =	shalt  }
0x48: {  	_ =	shalt  }
0x49: {  	_ =	shalt  }
0x4a: {  	_ =	shalt  }
0x4b: {  	_ =	shalt  }
0x4c: {  	_ =	shalt  }
0x4d: {  	_ =	shalt  }
0x4e: {  	_ =	shalt  }
0x4f: {  	_ =	shalt  }
0x50: {  	_ =	shalt  }
0x51: {  	_ =	shalt  }
0x52: {  	_ =	shalt  }
0x53: {  	_ =	shalt  }
0x54: {  	_ =	shalt  }
0x55: {  	_ =	shalt  }
0x56: {  	_ =	shalt  }
0x57: {  	_ =	shalt  }
0x58: {  	_ =	shalt  }
0x59: {  	_ =	shalt  }
0x5a: {  	_ =	shalt  }
0x5b: {  	_ =	shalt  }
0x5c: {  	_ =	shalt  }
0x5d: {  	_ =	shalt  }
0x5e: {  	_ =	shalt  }
0x5f: {  	_ =	shalt  }
0x60: {  	_ =	shalt  }
0x61: {  	_ =	shalt  }
0x62: {  	_ =	shalt  }
0x63: {  	_ =	shalt  }
0x64: {  	_ =	shalt  }
0x65: {  	_ =	shalt  }
0x66: {  	_ =	shalt  }
0x67: {  	_ =	shalt  }
0x68: {  	_ =	shalt  }
0x69: {  	_ =	shalt  }
0x6a: {  	_ =	shalt  }
0x6b: {  	_ =	shalt  }
0x6c: {  	_ =	shalt  }
0x6d: {  	_ =	shalt  }
0x6e: {  	_ =	shalt  }
0x6f: {  	_ =	shalt  }
0x70: {  	_ =	shalt  }
0x71: {  	_ =	shalt  }
0x72: {  	_ =	shalt  }
0x73: {  	_ =	shalt  }
0x74: {  	_ =	shalt  }
0x75: {  	_ =	shalt  }
0x76: {  	_ =	shalt  }
0x77: {  	_ =	shalt  }
0x78: {  	_ =	shalt  }
0x79: {  	_ =	shalt  }
0x7a: {  	_ =	shalt  }
0x7b: {  	_ =	shalt  }
0x7c: {  	_ =	shalt  }
0x7d: {  	_ =	shalt  }
0x7e: {  	_ =	shalt  }
0x7f: {  	_ =	shalt  }
0x80: {  	_ =	shalt  }
0x81: {  	_ =	shalt  }
0x82: {  	_ =	shalt  }
0x83: {  	_ =	shalt  }
0x84: {  	_ =	shalt  }
0x85: {  	_ =	shalt  }
0x86: {  	_ =	shalt  }
0x87: {  	_ =	shalt  }
.Lfunc_end0:
.L_simem_size_0:
called_computation.1_lowered:
.L_overlay_start_0:
0x88: {  	s2 =	sld [smem:$0x3FD9]  }
0x89: {  	s3 =	sld [smem:$0x3FFE];
	_ =	sdelay $0x1  }
0x8a: {  	s1 =	srdreg.scid  }
0x8b: {  	s0 =	sand.u32 $0x1, s1  }
0x8c: {  	s17 =	sshll.u32 s0, $0xA;
	s2 =	sadd.s32 s3, s2  }
0x8d: {  	s2 =	sadd.s32 s2, s17  }
0x8e: {  	[smem:$0x3FB4] =	sst s2  }
0x8f: {  	_ = 	snop  }
0x90: {  	s2 =	sld [smem:$0x3FD0];
	(tm) =	ssettm $0x1  }
0x91: {  	s18 =	sld [smem:$0x3FFB];
	_ =	sdelay $0x3  }
0x92: {  	_ =	strace s18  }
0x93: {  	s3 =	sld [smem:$0x3FFC];
	_ =	sdelay $0x3  }
0x94: {  	_ =	strace s3  }
0x95: {  	s3 =	sld [smem:$0x3FFD];
	_ =	sdelay $0x3  }
0x96: {  	_ =	strace s3  }
0x97: {  	_ =	strace $0x8FFFFFFF  }
0x98: {  	s19 =	sld [smem:$0x3FDB];
	_ =	sdelay $0x1  }
0x99: {  	s4 =	simm.s32 $_scs_section_size  }
0x9a: {  	s5 =	simm.s32 $_size__tile_overlayer_lowered;
	s6 =	simm.s32 $_tile_overlayer_lowered  }
0x9b: {  	s22 =	simm.s32 $0x1BFF;
	s21 =	sshll.u32 s6, $0x1;
	s3 =	sadd.s32 s4, s19  }
0x9c: {  	s7 =	simm.s32 $0x0;
	s20 =	sshll.u32 s5, $0x1;
	s5 =	sadd.s32 s21, s3  }
0x9d: {  	[timem:s7], [sflag:s22] =	dma.local [hbm:s5], s20  }
0x9e: {  	_ =	swait.ge [sflag:s22], s20  }
0x9f: {  	s4 =	ssub.s32 $0x0, s20;
	[sflag:s22] =	ssyncset.done $0x0  }
0xa0: {  	[sflag:s22] =	ssyncadd.s32 s4;
	_ =	sdelay $0x1  }
0xa1: {  	s23 =	simm.s32 $0x1B8B  }
0xa2: {  	_ =	swait.ge [sflag:s23], $0x1  }
0xa3: {  	[sflag:s23] =	ssyncset.done $0x0  }
0xa4: {  	s25 =	simm.s32 $0x1B8E;
	s24 =	sld [smem:$0x3FFE];
	[sflag:s23] =	ssyncadd.s32 $0xFFFFFFFF  }
0xa5: {  	s26 =	simm.s32 $execute0_lowered;
	[smem:$0x3FD2] =	sst s25  }
0xa6: {  	s5 =	sshll.u32 s26, $0x1;
	_ =	strace $0x80000049;
	[dreg:$0x1] =	wrdreg $0xFFFFFFFF  }
0xa7: {  	s28 =	simm.s32 $_size_execute0_lowered;
	s3 =	sadd.s32 s3, s5;
	[dreg:$0x0] =	wrdreg $0x0  }
0xa8: {  	s5 =	sshll.u32 s28, $0x1;
	[dreg:$0x2] =	wrdreg s3  }
0xa9: {  	[dreg:$0x3] =	wrdreg s5  }
0xaa: {  	[dreg:$0x4] =	wrdreg $0xC0  }
0xab: {  	_ =	task [dreg:s7], $0x5FFFF  }
0xac: {  	[dreg:$0x1] =	wrdreg $0xFFFFFFFF  }
0xad: {  	[dreg:$0x0] =	wrdreg $0x60  }
0xae: {  	[dreg:$0x2] =	wrdreg s24  }
0xaf: {  	[dreg:$0x3] =	wrdreg s2  }
0xb0: {  	[dreg:$0x4] =	wrdreg $0x9  }
0xb1: {  	_ =	task.clear_ibuf [dreg:s7], $0x5FFFF;
	_ =	strace $0x90000049  }
0xb2: {  	s29 =	simm.s32 $0x9;
	_ =	strace $0x8000004B  }
0xb3: {  	_ =	swait.ge [sflag:s29], $0x1  }
0xb4: {  	[sflag:s29] =	ssyncadd.s32 $0xFFFFFFFF  }
0xb5: {  	_ =	strace $0x9000004B  }
0xb6: {  	_ =	sfence  }
0xb7: {  	s30 =	sld [smem:$0x0];
	_ =	sdelay $0x2  }
0xb8: {  	s31 =	sshll.u32 s1, $0xD;
	s1 =	sshrl.u32 s1, $0x2  }
0xb9: {  	s3 =	sand.u32 $0x4000, s31;
	s1 =	sadd.s32 s1, s30  }
0xba: {  	s0 =	sor.u32 s3, s0;
	s1 =	sshll.u32 s1, $0x11  }
0xbb: {  	s0 =	sor.u32 s1, s0  }
0xbc: {  	s0 =	sadd.s32 $0x8F2B, s0  }
0xbd: {  	[sflag:s0] =	ssyncadd.remote.s32 $0x1  }
0xbe: {  	_ =	sfence.sel $0xFFFF  }
0xbf: {  	[dreg:$0x0] =	wrdreg $0xFFFFFFFF;
	(pc) =	sbr.abs _section_cstart, $3  }
0xc0: {  	[dreg:$0x1] =	wrdreg $0xFFFFFFFF  }
0xc1: {  	_ =	task.clear_ibuf [dreg:s7], $0x2FFFF;
	_ =	strace $0x9FFFFFFF  }
0xc2: {  	(tm) =	ssettm $0x7FFFFFFF  }
0xc3: {  	_ =	shalt  }
tec
execute0_lowered:
.L_overlay_start_1:
0x0: {  	(tag) =	ssettag $0x1  }
0x1: {  	s0 =	rddreg [dreg:$0x0]  }
0x2: {  	s1 =	srdreg.scid;
	s15 =	stileid.u32  }
0x3: {  	s9 =	rddreg [dreg:$0x1];
	s2 =	simm.s32 $0x0;
	s16 =	simm.s32 $0x100  }
0x4: {  	s17 =	simm.s32 $0x10500;
	s18 =	simm.s32 $0x10900;
	s19 =	simm.s32 $0x11100  }
0x5: {  	s20 =	simm.s32 $0x11500;
	s21 =	simm.s32 $0x11D00;
	s28 =	simm.s32 $0x13900  }
0x6: {  	s29 =	simm.s32 $0x14100;
	s30 =	simm.s32 $0x14500;
	s31 =	simm.s32 $0x14D00  }
0x7: {  	s1 =	sand.u32 $0x1, s1;
	s3 =	sshll.u32 s15, $0x1;
	[smem:$0x7FF] =	sst s2  }
0x8: {  	s10 =	sadd.s32 $0x4D400, s0;
	s12 =	sadd.s32 $0x3C00, s0;
	s14 =	sadd.s32 $0x4D800, s0  }
0x9: {  	s6 =	sadd.s32 $0x10D900, s0;
	p0 =	sgt.u32 s15, $0xB;
	s3 =	sor.u32 s1, s3  }
0xa: {  	s15 =	simm.s32 $0xFD00;
	s1 =	ssub.s32 $0x2, s1;
	s4 =	smul.u32 $0x70, s3  }
0xb: {  	_ =	strace $0x8000004A;
	s3 =	sadd.s32 $0x10D800, s0;
	s22 =	sshrl.u32 s1, $0x1  }
0xc: {  	s1 =	ssub.s32 s1, s22;
	s22 =	simm.s32 $0x12100;
	s11 =	sshrl.u32 s4, $0x3  }
0xd: {  	s13 =	smul.u32 $0x180, s11;
	s4 =	sadd.s32 s9, s11;
	s23 =	sadd.s32 $0x1C0, s11  }
0xe: {  	s5 =	sadd.s32 s10, s11;
	s11 =	simm.s32 $0xF100;
	s9 =	sadd.s32 s9, s23  }
0xf: {  	s0 =	sadd.s32 s10, s23;
	s10 =	simm.s32 $0x900;
	s23 =	simm.s32 $0xA900  }
0x10: {  	s7 =	sadd.s32 s12, s13;
	s8 =	sadd.s32 s14, s13;
	[dreg:$0x3] =	wrdreg s9  }
.Ltmp0:
0x11: {  	s24 =	sadd.s32 $0x2A000, s13;
	[dreg:$0x4] =	wrdreg s0;
	(pc) =	sbr.rel .LBB2_1-.Ltmp0, $4  }
0x12: {  	s13 =	smax.u32 s1, $0x1;
	s1 =	simm.s32 $0x1;
	s0 =	simm.s32 $0x2  }
0x13: {  	v2 =	vlaneseq.u32;
	s25 =	sadd.s32 s12, s24;
	s26 =	sadd.s32 s14, s24;
	s14 =	simm.s32 $0x3  }
0x14: {  	vm0 =	vmmov $0xffff;
	vm1 =	vmmov $0xff;
	v1 =	vshrl.u32 v2, $0x3;
	s12 =	simm.s32 $0xF900;
	s24 =	simm.s32 $0x12900;
	[dreg:$0x5] =	wrdreg s25  }
0x15: {  	v0 =	vand.u32 $0x7, v2;
	v2 =	vor.u32 $0x8, v2;
	v1 =	vmul.u32 $0x8, v1;
	[dreg:$0x6] =	wrdreg s26;
	s25 =	simm.s32 $0x12D00;
	s26 =	simm.s32 $0x13500  }
.LBB2_3:
0x16: {  	s13 =	sadd.s32 $0xFFFFFFFF, s13  }
0x17: {  	p1 =	sne.s32 s13, $0x0  }
.Ltmp1:
0x18: {  	_ = 	snop;
	(pc) =	sbr.rel @!p1 .LBB2_4-.Ltmp1, $1  }
0x19: {  	_ =	sdelay $0x3  }
.LBB2_1:
0x1a: {  	[tilespmem:s2], [sflag:$0x3] =	stream.linear.gather [hbm4b:s4+s2], $0x70, $0x38;
	[tilespmem:$0x15100] =	vst v63  }
0x1b: {  	_ =	swait.ge [sflag:s14], $0x70  }
0x1c: {  	[sflag:s14] =	ssyncset.done $0x0  }
0x1d: {  	s9 =	simm.s32 $0x80;
	[sflag:s14] =	ssyncadd.s32 $0xFFFFFF90  }
0x1e: {  	[tilespmem:s9], [sflag:$0x3] =	stream.linear.gather [hbm4b:s5+s2], $0x70, $0x38;
	[tilespmem:$0x15100] =	vst v63  }
0x1f: {  	_ =	swait.ge [sflag:s14], $0x70  }
0x20: {  	[sflag:s14] =	ssyncset.done $0x0  }
0x21: {  	[sflag:s14] =	ssyncadd.s32 $0xFFFFFF90  }
0x22: {  	v3 =	vld [tilespmem:$0x0];
	_ =	sdelay $0x4  }
0x23: {  	v4 =	vshrl.u32 v3, $0x3  }
0x24: {  	v4 =	vmul.u32 $0x18, v4  }
0x25: {  	v3 =	vand.u32 $0x7, v3  }
0x26: {  	v3 =	vor.u32 v3, v4  }
0x27: {  	v4 =	vperm.xlane v3, v0;
	_ =	sdelay $0x1  }
0x28: {  	v4 =	vadd.s32 v1, v4;
	_ =	sdelay $0x1  }
0x29: {  	v3 =	vperm.xlane v3, v2;
	_ =	sdelay $0x1  }
0x2a: {  	v3 =	vadd.s32 v1, v3  }
0x2b: {  	[tilespmem:s16], [sflag:$0x1] =	stream.indirect_vreg.gather [hbm4b:s3+s2], $0x80, v4, vm0, $0xb8;
	[tilespmem:$0x15100] =	vst v63  }
0x2c: {  	_ = 	snop  }
0x2d: {  	[tilespmem:s10], [sflag:$0x1] =	stream.indirect_vreg.gather [hbm4b:s6+s2], $0x80, v4, vm1, $0xb8;
	[tilespmem:$0x15100] =	vst v63  }
0x2e: {  	s9 =	simm.s32 $0xD00  }
0x2f: {  	[tilespmem:s9], [sflag:$0x1] =	stream.indirect_vreg.gather [hbm4b:s3+s2], $0x80, v3, vm0, $0xb8;
	[tilespmem:$0x15100] =	vst v63  }
0x30: {  	s9 =	simm.s32 $0x1500  }
0x31: {  	[tilespmem:s9], [sflag:$0x1] =	stream.indirect_vreg.gather [hbm4b:s6+s2], $0x80, v3, vm1, $0xb8;
	[tilespmem:$0x15100] =	vst v63  }
0x32: {  	v3 =	vld [tilespmem:$0x10];
	_ =	sdelay $0x4  }
0x33: {  	v51 =	vshrl.u32 v3, $0x3  }
0x34: {  	v4 =	vmul.u32 $0x18, v51  }
0x35: {  	v3 =	vand.u32 $0x7, v3  }
0x36: {  	v3 =	vor.u32 v3, v4  }
0x37: {  	v4 =	vperm.xlane v3, v0;
	_ =	sdelay $0x1  }
0x38: {  	v4 =	vadd.s32 v1, v4;
	_ =	sdelay $0x1  }
0x39: {  	v3 =	vperm.xlane v3, v2;
	_ =	sdelay $0x1  }
0x3a: {  	s9 =	simm.s32 $0x1900;
	v3 =	vadd.s32 v1, v3  }
0x3b: {  	[tilespmem:s9], [sflag:$0x1] =	stream.indirect_vreg.gather [hbm4b:s3+s2], $0x80, v4, vm0, $0xb8;
	[tilespmem:$0x15100] =	vst v63  }
0x3c: {  	s9 =	simm.s32 $0x2100  }
0x3d: {  	[tilespmem:s9], [sflag:$0x1] =	stream.indirect_vreg.gather [hbm4b:s6+s2], $0x80, v4, vm1, $0xb8;
	[tilespmem:$0x15100] =	vst v63  }
0x3e: {  	s9 =	simm.s32 $0x2500  }
0x3f: {  	[tilespmem:s9], [sflag:$0x1] =	stream.indirect_vreg.gather [hbm4b:s3+s2], $0x80, v3, vm0, $0xb8;
	[tilespmem:$0x15100] =	vst v63  }
0x40: {  	s9 =	simm.s32 $0x2D00  }
0x41: {  	[tilespmem:s9], [sflag:$0x1] =	stream.indirect_vreg.gather [hbm4b:s6+s2], $0x80, v3, vm1, $0xb8;
	[tilespmem:$0x15100] =	vst v63  }
0x42: {  	v3 =	vld [tilespmem:$0x20];
	_ =	sdelay $0x4  }
0x43: {  	v52 =	vshrl.u32 v3, $0x3  }
0x44: {  	v4 =	vmul.u32 $0x18, v52  }
0x45: {  	v3 =	vand.u32 $0x7, v3  }
0x46: {  	v3 =	vor.u32 v3, v4  }
0x47: {  	v4 =	vperm.xlane v3, v0;
	_ =	sdelay $0x1  }
0x48: {  	v4 =	vadd.s32 v1, v4;
	_ =	sdelay $0x1  }
0x49: {  	v3 =	vperm.xlane v3, v2;
	_ =	sdelay $0x1  }
0x4a: {  	s9 =	simm.s32 $0x3100;
	v3 =	vadd.s32 v1, v3  }
0x4b: {  	[tilespmem:s9], [sflag:$0x1] =	stream.indirect_vreg.gather [hbm4b:s3+s2], $0x80, v4, vm0, $0xb8;
	[tilespmem:$0x15100] =	vst v63  }
0x4c: {  	s9 =	simm.s32 $0x3900  }
0x4d: {  	[tilespmem:s9], [sflag:$0x1] =	stream.indirect_vreg.gather [hbm4b:s6+s2], $0x80, v4, vm1, $0xb8;
	[tilespmem:$0x15100] =	vst v63  }
0x4e: {  	s9 =	simm.s32 $0x3D00  }
0x4f: {  	[tilespmem:s9], [sflag:$0x1] =	stream.indirect_vreg.gather [hbm4b:s3+s2], $0x80, v3, vm0, $0xb8;
	[tilespmem:$0x15100] =	vst v63  }
0x50: {  	s9 =	simm.s32 $0x4500  }
0x51: {  	[tilespmem:s9], [sflag:$0x1] =	stream.indirect_vreg.gather [hbm4b:s6+s2], $0x80, v3, vm1, $0xb8;
	[tilespmem:$0x15100] =	vst v63  }
0x52: {  	v3 =	vld [tilespmem:$0x30];
	_ =	sdelay $0x4  }
0x53: {  	v53 =	vshrl.u32 v3, $0x3  }
0x54: {  	v4 =	vmul.u32 $0x18, v53  }
0x55: {  	v3 =	vand.u32 $0x7, v3  }
0x56: {  	v3 =	vor.u32 v3, v4  }
0x57: {  	v4 =	vperm.xlane v3, v0;
	_ =	sdelay $0x1  }
0x58: {  	v4 =	vadd.s32 v1, v4;
	_ =	sdelay $0x1  }
0x59: {  	v3 =	vperm.xlane v3, v2;
	_ =	sdelay $0x1  }
0x5a: {  	s9 =	simm.s32 $0x4900;
	v3 =	vadd.s32 v1, v3  }
0x5b: {  	[tilespmem:s9], [sflag:$0x1] =	stream.indirect_vreg.gather [hbm4b:s3+s2], $0x80, v4, vm0, $0xb8;
	[tilespmem:$0x15100] =	vst v63  }
0x5c: {  	s9 =	simm.s32 $0x5100  }
0x5d: {  	[tilespmem:s9], [sflag:$0x1] =	stream.indirect_vreg.gather [hbm4b:s6+s2], $0x80, v4, vm1, $0xb8;
	[tilespmem:$0x15100] =	vst v63  }
0x5e: {  	s9 =	simm.s32 $0x5500  }
0x5f: {  	[tilespmem:s9], [sflag:$0x1] =	stream.indirect_vreg.gather [hbm4b:s3+s2], $0x80, v3, vm0, $0xb8;
	[tilespmem:$0x15100] =	vst v63  }
0x60: {  	s9 =	simm.s32 $0x5D00  }
0x61: {  	[tilespmem:s9], [sflag:$0x1] =	stream.indirect_vreg.gather [hbm4b:s6+s2], $0x80, v3, vm1, $0xb8;
	[tilespmem:$0x15100] =	vst v63  }
0x62: {  	v3 =	vld [tilespmem:$0x40];
	_ =	sdelay $0x4  }
0x63: {  	v54 =	vshrl.u32 v3, $0x3  }
0x64: {  	v4 =	vmul.u32 $0x18, v54  }
0x65: {  	v3 =	vand.u32 $0x7, v3  }
0x66: {  	v3 =	vor.u32 v3, v4  }
0x67: {  	v4 =	vperm.xlane v3, v0;
	_ =	sdelay $0x1  }
0x68: {  	v4 =	vadd.s32 v1, v4;
	_ =	sdelay $0x1  }
0x69: {  	v3 =	vperm.xlane v3, v2;
	_ =	sdelay $0x1  }
0x6a: {  	s9 =	simm.s32 $0x6100;
	v3 =	vadd.s32 v1, v3  }
0x6b: {  	[tilespmem:s9], [sflag:$0x1] =	stream.indirect_vreg.gather [hbm4b:s3+s2], $0x80, v4, vm0, $0xb8;
	[tilespmem:$0x15100] =	vst v63  }
0x6c: {  	s9 =	simm.s32 $0x6900  }
0x6d: {  	[tilespmem:s9], [sflag:$0x1] =	stream.indirect_vreg.gather [hbm4b:s6+s2], $0x80, v4, vm1, $0xb8;
	[tilespmem:$0x15100] =	vst v63  }
0x6e: {  	s9 =	simm.s32 $0x6D00  }
0x6f: {  	[tilespmem:s9], [sflag:$0x1] =	stream.indirect_vreg.gather [hbm4b:s3+s2], $0x80, v3, vm0, $0xb8;
	[tilespmem:$0x15100] =	vst v63  }
0x70: {  	s9 =	simm.s32 $0x7500  }
0x71: {  	[tilespmem:s9], [sflag:$0x1] =	stream.indirect_vreg.gather [hbm4b:s6+s2], $0x80, v3, vm1, $0xb8;
	[tilespmem:$0x15100] =	vst v63  }
0x72: {  	v3 =	vld [tilespmem:$0x50];
	_ =	sdelay $0x4  }
0x73: {  	v55 =	vshrl.u32 v3, $0x3  }
0x74: {  	v4 =	vmul.u32 $0x18, v55  }
0x75: {  	v3 =	vand.u32 $0x7, v3  }
0x76: {  	v3 =	vor.u32 v3, v4  }
0x77: {  	v4 =	vperm.xlane v3, v0;
	_ =	sdelay $0x1  }
0x78: {  	v4 =	vadd.s32 v1, v4;
	_ =	sdelay $0x1  }
0x79: {  	v3 =	vperm.xlane v3, v2;
	_ =	sdelay $0x1  }
0x7a: {  	s9 =	simm.s32 $0x7900;
	v3 =	vadd.s32 v1, v3  }
0x7b: {  	[tilespmem:s9], [sflag:$0x1] =	stream.indirect_vreg.gather [hbm4b:s3+s2], $0x80, v4, vm0, $0xb8;
	[tilespmem:$0x15100] =	vst v63  }
0x7c: {  	s9 =	simm.s32 $0x8100  }
0x7d: {  	[tilespmem:s9], [sflag:$0x1] =	stream.indirect_vreg.gather [hbm4b:s6+s2], $0x80, v4, vm1, $0xb8;
	[tilespmem:$0x15100] =	vst v63  }
0x7e: {  	s9 =	simm.s32 $0x8500  }
0x7f: {  	[tilespmem:s9], [sflag:$0x1] =	stream.indirect_vreg.gather [hbm4b:s3+s2], $0x80, v3, vm0, $0xb8;
	[tilespmem:$0x15100] =	vst v63  }
0x80: {  	s9 =	simm.s32 $0x8D00  }
0x81: {  	[tilespmem:s9], [sflag:$0x1] =	stream.indirect_vreg.gather [hbm4b:s6+s2], $0x80, v3, vm1, $0xb8;
	[tilespmem:$0x15100] =	vst v63  }
0x82: {  	v3 =	vld [tilespmem:$0x60];
	_ =	sdelay $0x4  }
0x83: {  	v56 =	vshrl.u32 v3, $0x3  }
0x84: {  	v4 =	vmul.u32 $0x18, v56  }
0x85: {  	v3 =	vand.u32 $0x7, v3  }
0x86: {  	v3 =	vor.u32 v3, v4  }
0x87: {  	v4 =	vperm.xlane v3, v0;
	_ =	sdelay $0x1  }
0x88: {  	v4 =	vadd.s32 v1, v4;
	_ =	sdelay $0x1  }
0x89: {  	v3 =	vperm.xlane v3, v2;
	_ =	sdelay $0x1  }
0x8a: {  	s9 =	simm.s32 $0x9100;
	v3 =	vadd.s32 v1, v3  }
0x8b: {  	[tilespmem:s9], [sflag:$0x1] =	stream.indirect_vreg.gather [hbm4b:s3+s2], $0x80, v4, vm0, $0xb8;
	[tilespmem:$0x15100] =	vst v63  }
0x8c: {  	s9 =	simm.s32 $0x9900  }
0x8d: {  	[tilespmem:s9], [sflag:$0x1] =	stream.indirect_vreg.gather [hbm4b:s6+s2], $0x80, v4, vm1, $0xb8;
	[tilespmem:$0x15100] =	vst v63  }
0x8e: {  	s9 =	simm.s32 $0x9D00  }
0x8f: {  	[tilespmem:s9], [sflag:$0x1] =	stream.indirect_vreg.gather [hbm4b:s3+s2], $0x80, v3, vm0, $0xb8;
	[tilespmem:$0x15100] =	vst v63  }
0x90: {  	s9 =	simm.s32 $0xA500  }
0x91: {  	[tilespmem:s9], [sflag:$0x1] =	stream.indirect_vreg.gather [hbm4b:s6+s2], $0x80, v3, vm1, $0xb8;
	[tilespmem:$0x15100] =	vst v63  }
0x92: {  	v3 =	vld [tilespmem:$0x80];
	_ =	sdelay $0x4  }
0x93: {  	v57 =	vshrl.u32 v3, $0x3  }
0x94: {  	v4 =	vmul.u32 $0x18, v57  }
0x95: {  	v3 =	vand.u32 $0x7, v3  }
0x96: {  	v3 =	vor.u32 v3, v4  }
0x97: {  	v4 =	vperm.xlane v3, v0;
	_ =	sdelay $0x1  }
0x98: {  	v4 =	vadd.s32 v1, v4;
	_ =	sdelay $0x1  }
0x99: {  	v3 =	vperm.xlane v3, v2;
	_ =	sdelay $0x1  }
0x9a: {  	v3 =	vadd.s32 v1, v3  }
0x9b: {  	[tilespmem:s23], [sflag:$0x2] =	stream.indirect_vreg.gather [hbm4b:s3+s2], $0x80, v4, vm0, $0xb8;
	[tilespmem:$0x15100] =	vst v63  }
0x9c: {  	s9 =	simm.s32 $0xB100  }
0x9d: {  	[tilespmem:s9], [sflag:$0x2] =	stream.indirect_vreg.gather [hbm4b:s6+s2], $0x80, v4, vm1, $0xb8;
	[tilespmem:$0x15100] =	vst v63  }
0x9e: {  	s9 =	simm.s32 $0xB500  }
0x9f: {  	[tilespmem:s9], [sflag:$0x2] =	stream.indirect_vreg.gather [hbm4b:s3+s2], $0x80, v3, vm0, $0xb8;
	[tilespmem:$0x15100] =	vst v63  }
0xa0: {  	s9 =	simm.s32 $0xBD00  }
0xa1: {  	[tilespmem:s9], [sflag:$0x2] =	stream.indirect_vreg.gather [hbm4b:s6+s2], $0x80, v3, vm1, $0xb8;
	[tilespmem:$0x15100] =	vst v63  }
0xa2: {  	v3 =	vld [tilespmem:$0x90];
	_ =	sdelay $0x4  }
0xa3: {  	v58 =	vshrl.u32 v3, $0x3  }
0xa4: {  	v4 =	vmul.u32 $0x18, v58  }
0xa5: {  	v3 =	vand.u32 $0x7, v3  }
0xa6: {  	v3 =	vor.u32 v3, v4  }
0xa7: {  	v4 =	vperm.xlane v3, v0;
	_ =	sdelay $0x1  }
0xa8: {  	v4 =	vadd.s32 v1, v4;
	_ =	sdelay $0x1  }
0xa9: {  	v3 =	vperm.xlane v3, v2;
	_ =	sdelay $0x1  }
0xaa: {  	s9 =	simm.s32 $0xC100;
	v3 =	vadd.s32 v1, v3  }
0xab: {  	[tilespmem:s9], [sflag:$0x2] =	stream.indirect_vreg.gather [hbm4b:s3+s2], $0x80, v4, vm0, $0xb8;
	[tilespmem:$0x15100] =	vst v63  }
0xac: {  	s9 =	simm.s32 $0xC900  }
0xad: {  	[tilespmem:s9], [sflag:$0x2] =	stream.indirect_vreg.gather [hbm4b:s6+s2], $0x80, v4, vm1, $0xb8;
	[tilespmem:$0x15100] =	vst v63  }
0xae: {  	s9 =	simm.s32 $0xCD00  }
0xaf: {  	[tilespmem:s9], [sflag:$0x2] =	stream.indirect_vreg.gather [hbm4b:s3+s2], $0x80, v3, vm0, $0xb8;
	[tilespmem:$0x15100] =	vst v63  }
0xb0: {  	s9 =	simm.s32 $0xD500  }
0xb1: {  	[tilespmem:s9], [sflag:$0x2] =	stream.indirect_vreg.gather [hbm4b:s6+s2], $0x80, v3, vm1, $0xb8;
	[tilespmem:$0x15100] =	vst v63  }
0xb2: {  	v3 =	vld [tilespmem:$0xA0];
	_ =	sdelay $0x4  }
0xb3: {  	v59 =	vshrl.u32 v3, $0x3  }
0xb4: {  	v4 =	vmul.u32 $0x18, v59  }
0xb5: {  	v3 =	vand.u32 $0x7, v3  }
0xb6: {  	v3 =	vor.u32 v3, v4  }
0xb7: {  	v4 =	vperm.xlane v3, v0;
	_ =	sdelay $0x1  }
0xb8: {  	v4 =	vadd.s32 v1, v4;
	_ =	sdelay $0x1  }
0xb9: {  	v3 =	vperm.xlane v3, v2;
	_ =	sdelay $0x1  }
0xba: {  	s9 =	simm.s32 $0xD900;
	v3 =	vadd.s32 v1, v3  }
0xbb: {  	[tilespmem:s9], [sflag:$0x2] =	stream.indirect_vreg.gather [hbm4b:s3+s2], $0x80, v4, vm0, $0xb8;
	[tilespmem:$0x15100] =	vst v63  }
0xbc: {  	s9 =	simm.s32 $0xE100  }
0xbd: {  	[tilespmem:s9], [sflag:$0x2] =	stream.indirect_vreg.gather [hbm4b:s6+s2], $0x80, v4, vm1, $0xb8;
	[tilespmem:$0x15100] =	vst v63  }
0xbe: {  	s9 =	simm.s32 $0xE500  }
0xbf: {  	[tilespmem:s9], [sflag:$0x2] =	stream.indirect_vreg.gather [hbm4b:s3+s2], $0x80, v3, vm0, $0xb8;
	[tilespmem:$0x15100] =	vst v63  }
0xc0: {  	s9 =	simm.s32 $0xED00  }
0xc1: {  	[tilespmem:s9], [sflag:$0x2] =	stream.indirect_vreg.gather [hbm4b:s6+s2], $0x80, v3, vm1, $0xb8;
	[tilespmem:$0x15100] =	vst v63  }
0xc2: {  	v3 =	vld [tilespmem:$0xB0];
	_ =	sdelay $0x4  }
0xc3: {  	v60 =	vshrl.u32 v3, $0x3  }
0xc4: {  	v4 =	vmul.u32 $0x18, v60  }
0xc5: {  	v3 =	vand.u32 $0x7, v3  }
0xc6: {  	v3 =	vor.u32 v3, v4  }
0xc7: {  	v4 =	vperm.xlane v3, v0;
	_ =	sdelay $0x1  }
0xc8: {  	v4 =	vadd.s32 v1, v4;
	_ =	sdelay $0x1  }
0xc9: {  	v3 =	vperm.xlane v3, v2;
	_ =	sdelay $0x1  }
0xca: {  	v3 =	vadd.s32 v1, v3  }
0xcb: {  	[tilespmem:s11], [sflag:$0x2] =	stream.indirect_vreg.gather [hbm4b:s3+s2], $0x80, v4, vm0, $0xb8;
	[tilespmem:$0x15100] =	vst v63  }
0xcc: {  	_ = 	snop  }
0xcd: {  	[tilespmem:s12], [sflag:$0x2] =	stream.indirect_vreg.gather [hbm4b:s6+s2], $0x80, v4, vm1, $0xb8;
	[tilespmem:$0x15100] =	vst v63  }
0xce: {  	_ = 	snop  }
0xcf: {  	[tilespmem:s15], [sflag:$0x2] =	stream.indirect_vreg.gather [hbm4b:s3+s2], $0x80, v3, vm0, $0xb8;
	[tilespmem:$0x15100] =	vst v63  }
0xd0: {  	_ = 	snop  }
0xd1: {  	[tilespmem:s17], [sflag:$0x2] =	stream.indirect_vreg.gather [hbm4b:s6+s2], $0x80, v3, vm1, $0xb8;
	[tilespmem:$0x15100] =	vst v63  }
0xd2: {  	v3 =	vld [tilespmem:$0xC0];
	_ =	sdelay $0x4  }
0xd3: {  	v61 =	vshrl.u32 v3, $0x3  }
0xd4: {  	v4 =	vmul.u32 $0x18, v61  }
0xd5: {  	v3 =	vand.u32 $0x7, v3  }
0xd6: {  	v3 =	vor.u32 v3, v4  }
0xd7: {  	v4 =	vperm.xlane v3, v0;
	_ =	sdelay $0x1  }
0xd8: {  	v4 =	vadd.s32 v1, v4;
	_ =	sdelay $0x1  }
0xd9: {  	v3 =	vperm.xlane v3, v2;
	_ =	sdelay $0x1  }
0xda: {  	v3 =	vadd.s32 v1, v3  }
0xdb: {  	[tilespmem:s18], [sflag:$0x2] =	stream.indirect_vreg.gather [hbm4b:s3+s2], $0x80, v4, vm0, $0xb8;
	[tilespmem:$0x15100] =	vst v63  }
0xdc: {  	_ = 	snop  }
0xdd: {  	[tilespmem:s19], [sflag:$0x2] =	stream.indirect_vreg.gather [hbm4b:s6+s2], $0x80, v4, vm1, $0xb8;
	[tilespmem:$0x15100] =	vst v63  }
0xde: {  	_ = 	snop  }
0xdf: {  	[tilespmem:s20], [sflag:$0x2] =	stream.indirect_vreg.gather [hbm4b:s3+s2], $0x80, v3, vm0, $0xb8;
	[tilespmem:$0x15100] =	vst v63  }
0xe0: {  	_ = 	snop  }
0xe1: {  	[tilespmem:s21], [sflag:$0x2] =	stream.indirect_vreg.gather [hbm4b:s6+s2], $0x80, v3, vm1, $0xb8;
	[tilespmem:$0x15100] =	vst v63  }
0xe2: {  	v3 =	vld [tilespmem:$0xD0];
	_ =	sdelay $0x4  }
0xe3: {  	v62 =	vshrl.u32 v3, $0x3  }
0xe4: {  	v4 =	vmul.u32 $0x18, v62  }
0xe5: {  	v3 =	vand.u32 $0x7, v3  }
0xe6: {  	v3 =	vor.u32 v3, v4  }
0xe7: {  	v4 =	vperm.xlane v3, v0;
	_ =	sdelay $0x1  }
0xe8: {  	v4 =	vadd.s32 v1, v4;
	_ =	sdelay $0x1  }
0xe9: {  	v3 =	vperm.xlane v3, v2;
	_ =	sdelay $0x1  }
0xea: {  	v3 =	vadd.s32 v1, v3  }
0xeb: {  	[tilespmem:s22], [sflag:$0x2] =	stream.indirect_vreg.gather [hbm4b:s3+s2], $0x80, v4, vm0, $0xb8;
	[tilespmem:$0x15100] =	vst v63  }
0xec: {  	_ = 	snop  }
0xed: {  	[tilespmem:s24], [sflag:$0x2] =	stream.indirect_vreg.gather [hbm4b:s6+s2], $0x80, v4, vm1, $0xb8;
	[tilespmem:$0x15100] =	vst v63  }
0xee: {  	_ = 	snop  }
0xef: {  	[tilespmem:s25], [sflag:$0x2] =	stream.indirect_vreg.gather [hbm4b:s3+s2], $0x80, v3, vm0, $0xb8;
	[tilespmem:$0x15100] =	vst v63  }
0xf0: {  	_ = 	snop  }
0xf1: {  	[tilespmem:s26], [sflag:$0x2] =	stream.indirect_vreg.gather [hbm4b:s6+s2], $0x80, v3, vm1, $0xb8;
	[tilespmem:$0x15100] =	vst v63  }
0xf2: {  	v3 =	vld [tilespmem:$0xE0];
	_ =	sdelay $0x4  }
0xf3: {  	v63 =	vshrl.u32 v3, $0x3  }
0xf4: {  	v4 =	vmul.u32 $0x18, v63  }
0xf5: {  	v3 =	vand.u32 $0x7, v3  }
0xf6: {  	v3 =	vor.u32 v3, v4  }
0xf7: {  	v4 =	vperm.xlane v3, v0;
	_ =	sdelay $0x1  }
0xf8: {  	v4 =	vadd.s32 v1, v4;
	_ =	sdelay $0x1  }
0xf9: {  	v3 =	vperm.xlane v3, v2;
	_ =	sdelay $0x1  }
0xfa: {  	v3 =	vadd.s32 v1, v3  }
0xfb: {  	[tilespmem:s28], [sflag:$0x2] =	stream.indirect_vreg.gather [hbm4b:s3+s2], $0x80, v4, vm0, $0xb8;
	[tilespmem:$0x15100] =	vst v63  }
0xfc: {  	_ = 	snop  }
0xfd: {  	[tilespmem:s29], [sflag:$0x2] =	stream.indirect_vreg.gather [hbm4b:s6+s2], $0x80, v4, vm1, $0xb8;
	[tilespmem:$0x15100] =	vst v63  }
0xfe: {  	_ = 	snop  }
0xff: {  	[tilespmem:s30], [sflag:$0x2] =	stream.indirect_vreg.gather [hbm4b:s3+s2], $0x80, v3, vm0, $0xb8;
	[tilespmem:$0x15100] =	vst v63  }
0x100: {  	_ = 	snop  }
0x101: {  	[tilespmem:s31], [sflag:$0x2] =	stream.indirect_vreg.gather [hbm4b:s6+s2], $0x80, v3, vm1, $0xb8;
	[tilespmem:$0x15100] =	vst v63  }
0x102: {  	_ =	swait.ge [sflag:s1], $0xA800  }
0x103: {  	[sflag:s1] =	ssyncset.done $0x0  }
0x104: {  	[sflag:s1] =	ssyncadd.s32 $0xFFFF5800  }
0x105: {  	_ =	swait.ge [sflag:s0], $0xA800  }
0x106: {  	[sflag:s0] =	ssyncset.done $0x0  }
0x107: {  	[sflag:s0] =	ssyncadd.s32 $0xFFFF5800  }
0x108: {  	[hbm4b:s7+s2] =	stream.linear.scatter [tilespmem:s16], [sflag:$0x3], $0xA800, $0x38;
	[tilespmem:$0x15100] =	vst v63  }
0x109: {  	_ =	swait.ge [sflag:s14], $0xA800  }
0x10a: {  	[sflag:s14] =	ssyncset.done $0x0  }
.Ltmp2:
0x10b: {  	[sflag:s14] =	ssyncadd.s32 $0xFFFF5800;
	(pc) =	sbr.rel @p0 .LBB2_3-.Ltmp2, $4  }
0x10c: {  	[hbm4b:s8+s2] =	stream.linear.scatter [tilespmem:s23], [sflag:$0x3], $0xA800, $0x38;
	[tilespmem:$0x15100] =	vst v63  }
0x10d: {  	_ =	swait.ge [sflag:s14], $0xA800  }
0x10e: {  	[sflag:s14] =	ssyncset.done $0x0  }
0x10f: {  	[sflag:s14] =	ssyncadd.s32 $0xFFFF5800  }
0x110: {  	s9 =	rddreg [dreg:$0x3]  }
0x111: {  	[tilespmem:s2], [sflag:$0x3] =	stream.linear.gather [hbm4b:s9+s2], $0x70, $0x38;
	[tilespmem:$0x15100] =	vst v63  }
0x112: {  	_ =	swait.ge [sflag:s14], $0x70  }
0x113: {  	[sflag:s14] =	ssyncset.done $0x0  }
0x114: {  	s10 =	simm.s32 $0x80;
	s9 =	rddreg [dreg:$0x4];
	[sflag:s14] =	ssyncadd.s32 $0xFFFFFF90  }
0x115: {  	[tilespmem:s10], [sflag:$0x3] =	stream.linear.gather [hbm4b:s9+s2], $0x70, $0x38;
	[tilespmem:$0x15100] =	vst v63  }
0x116: {  	_ =	swait.ge [sflag:s14], $0x70  }
0x117: {  	[sflag:s14] =	ssyncset.done $0x0  }
0x118: {  	[sflag:s14] =	ssyncadd.s32 $0xFFFFFF90  }
0x119: {  	v3 =	vld [tilespmem:$0x0];
	_ =	sdelay $0x4  }
0x11a: {  	v4 =	vshrl.u32 v3, $0x3  }
0x11b: {  	v4 =	vmul.u32 $0x18, v4  }
0x11c: {  	v3 =	vand.u32 $0x7, v3  }
0x11d: {  	v3 =	vor.u32 v3, v4  }
0x11e: {  	v4 =	vperm.xlane v3, v0;
	_ =	sdelay $0x1  }
0x11f: {  	v4 =	vadd.s32 v1, v4;
	_ =	sdelay $0x1  }
0x120: {  	v3 =	vperm.xlane v3, v2;
	_ =	sdelay $0x1  }
0x121: {  	v3 =	vadd.s32 v1, v3  }
0x122: {  	[tilespmem:s16], [sflag:$0x1] =	stream.indirect_vreg.gather [hbm4b:s3+s2], $0x80, v4, vm0, $0xb8;
	[tilespmem:$0x15100] =	vst v63  }
0x123: {  	s10 =	simm.s32 $0x900  }
0x124: {  	[tilespmem:s10], [sflag:$0x1] =	stream.indirect_vreg.gather [hbm4b:s6+s2], $0x80, v4, vm1, $0xb8;
	[tilespmem:$0x15100] =	vst v63  }
0x125: {  	s9 =	simm.s32 $0xD00  }
0x126: {  	[tilespmem:s9], [sflag:$0x1] =	stream.indirect_vreg.gather [hbm4b:s3+s2], $0x80, v3, vm0, $0xb8;
	[tilespmem:$0x15100] =	vst v63  }
0x127: {  	s9 =	simm.s32 $0x1500  }
0x128: {  	[tilespmem:s9], [sflag:$0x1] =	stream.indirect_vreg.gather [hbm4b:s6+s2], $0x80, v3, vm1, $0xb8;
	[tilespmem:$0x15100] =	vst v63  }
0x129: {  	v3 =	vld [tilespmem:$0x10];
	_ =	sdelay $0x4  }
0x12a: {  	v51 =	vshrl.u32 v3, $0x3  }
0x12b: {  	v4 =	vmul.u32 $0x18, v51  }
0x12c: {  	v3 =	vand.u32 $0x7, v3  }
0x12d: {  	v3 =	vor.u32 v3, v4  }
0x12e: {  	v4 =	vperm.xlane v3, v0;
	_ =	sdelay $0x1  }
0x12f: {  	v4 =	vadd.s32 v1, v4;
	_ =	sdelay $0x1  }
0x130: {  	v3 =	vperm.xlane v3, v2;
	_ =	sdelay $0x1  }
0x131: {  	s9 =	simm.s32 $0x1900;
	v3 =	vadd.s32 v1, v3  }
0x132: {  	[tilespmem:s9], [sflag:$0x1] =	stream.indirect_vreg.gather [hbm4b:s3+s2], $0x80, v4, vm0, $0xb8;
	[tilespmem:$0x15100] =	vst v63  }
0x133: {  	s9 =	simm.s32 $0x2100  }
0x134: {  	[tilespmem:s9], [sflag:$0x1] =	stream.indirect_vreg.gather [hbm4b:s6+s2], $0x80, v4, vm1, $0xb8;
	[tilespmem:$0x15100] =	vst v63  }
0x135: {  	s9 =	simm.s32 $0x2500  }
0x136: {  	[tilespmem:s9], [sflag:$0x1] =	stream.indirect_vreg.gather [hbm4b:s3+s2], $0x80, v3, vm0, $0xb8;
	[tilespmem:$0x15100] =	vst v63  }
0x137: {  	s9 =	simm.s32 $0x2D00  }
0x138: {  	[tilespmem:s9], [sflag:$0x1] =	stream.indirect_vreg.gather [hbm4b:s6+s2], $0x80, v3, vm1, $0xb8;
	[tilespmem:$0x15100] =	vst v63  }
0x139: {  	v3 =	vld [tilespmem:$0x20];
	_ =	sdelay $0x4  }
0x13a: {  	v52 =	vshrl.u32 v3, $0x3  }
0x13b: {  	v4 =	vmul.u32 $0x18, v52  }
0x13c: {  	v3 =	vand.u32 $0x7, v3  }
0x13d: {  	v3 =	vor.u32 v3, v4  }
0x13e: {  	v4 =	vperm.xlane v3, v0;
	_ =	sdelay $0x1  }
0x13f: {  	v4 =	vadd.s32 v1, v4;
	_ =	sdelay $0x1  }
0x140: {  	v3 =	vperm.xlane v3, v2;
	_ =	sdelay $0x1  }
0x141: {  	s9 =	simm.s32 $0x3100;
	v3 =	vadd.s32 v1, v3  }
0x142: {  	[tilespmem:s9], [sflag:$0x1] =	stream.indirect_vreg.gather [hbm4b:s3+s2], $0x80, v4, vm0, $0xb8;
	[tilespmem:$0x15100] =	vst v63  }
0x143: {  	s9 =	simm.s32 $0x3900  }
0x144: {  	[tilespmem:s9], [sflag:$0x1] =	stream.indirect_vreg.gather [hbm4b:s6+s2], $0x80, v4, vm1, $0xb8;
	[tilespmem:$0x15100] =	vst v63  }
0x145: {  	s9 =	simm.s32 $0x3D00  }
0x146: {  	[tilespmem:s9], [sflag:$0x1] =	stream.indirect_vreg.gather [hbm4b:s3+s2], $0x80, v3, vm0, $0xb8;
	[tilespmem:$0x15100] =	vst v63  }
0x147: {  	s9 =	simm.s32 $0x4500  }
0x148: {  	[tilespmem:s9], [sflag:$0x1] =	stream.indirect_vreg.gather [hbm4b:s6+s2], $0x80, v3, vm1, $0xb8;
	[tilespmem:$0x15100] =	vst v63  }
0x149: {  	v3 =	vld [tilespmem:$0x30];
	_ =	sdelay $0x4  }
0x14a: {  	v53 =	vshrl.u32 v3, $0x3  }
0x14b: {  	v4 =	vmul.u32 $0x18, v53  }
0x14c: {  	v3 =	vand.u32 $0x7, v3  }
0x14d: {  	v3 =	vor.u32 v3, v4  }
0x14e: {  	v4 =	vperm.xlane v3, v0;
	_ =	sdelay $0x1  }
0x14f: {  	v4 =	vadd.s32 v1, v4;
	_ =	sdelay $0x1  }
0x150: {  	v3 =	vperm.xlane v3, v2;
	_ =	sdelay $0x1  }
0x151: {  	s9 =	simm.s32 $0x4900;
	v3 =	vadd.s32 v1, v3  }
0x152: {  	[tilespmem:s9], [sflag:$0x1] =	stream.indirect_vreg.gather [hbm4b:s3+s2], $0x80, v4, vm0, $0xb8;
	[tilespmem:$0x15100] =	vst v63  }
0x153: {  	s9 =	simm.s32 $0x5100  }
0x154: {  	[tilespmem:s9], [sflag:$0x1] =	stream.indirect_vreg.gather [hbm4b:s6+s2], $0x80, v4, vm1, $0xb8;
	[tilespmem:$0x15100] =	vst v63  }
0x155: {  	s9 =	simm.s32 $0x5500  }
0x156: {  	[tilespmem:s9], [sflag:$0x1] =	stream.indirect_vreg.gather [hbm4b:s3+s2], $0x80, v3, vm0, $0xb8;
	[tilespmem:$0x15100] =	vst v63  }
0x157: {  	s9 =	simm.s32 $0x5D00  }
0x158: {  	[tilespmem:s9], [sflag:$0x1] =	stream.indirect_vreg.gather [hbm4b:s6+s2], $0x80, v3, vm1, $0xb8;
	[tilespmem:$0x15100] =	vst v63  }
0x159: {  	v3 =	vld [tilespmem:$0x40];
	_ =	sdelay $0x4  }
0x15a: {  	v54 =	vshrl.u32 v3, $0x3  }
0x15b: {  	v4 =	vmul.u32 $0x18, v54  }
0x15c: {  	v3 =	vand.u32 $0x7, v3  }
0x15d: {  	v3 =	vor.u32 v3, v4  }
0x15e: {  	v4 =	vperm.xlane v3, v0;
	_ =	sdelay $0x1  }
0x15f: {  	v4 =	vadd.s32 v1, v4;
	_ =	sdelay $0x1  }
0x160: {  	v3 =	vperm.xlane v3, v2;
	_ =	sdelay $0x1  }
0x161: {  	s9 =	simm.s32 $0x6100;
	v3 =	vadd.s32 v1, v3  }
0x162: {  	[tilespmem:s9], [sflag:$0x1] =	stream.indirect_vreg.gather [hbm4b:s3+s2], $0x80, v4, vm0, $0xb8;
	[tilespmem:$0x15100] =	vst v63  }
0x163: {  	s9 =	simm.s32 $0x6900  }
0x164: {  	[tilespmem:s9], [sflag:$0x1] =	stream.indirect_vreg.gather [hbm4b:s6+s2], $0x80, v4, vm1, $0xb8;
	[tilespmem:$0x15100] =	vst v63  }
0x165: {  	s9 =	simm.s32 $0x6D00  }
0x166: {  	[tilespmem:s9], [sflag:$0x1] =	stream.indirect_vreg.gather [hbm4b:s3+s2], $0x80, v3, vm0, $0xb8;
	[tilespmem:$0x15100] =	vst v63  }
0x167: {  	s9 =	simm.s32 $0x7500  }
0x168: {  	[tilespmem:s9], [sflag:$0x1] =	stream.indirect_vreg.gather [hbm4b:s6+s2], $0x80, v3, vm1, $0xb8;
	[tilespmem:$0x15100] =	vst v63  }
0x169: {  	v3 =	vld [tilespmem:$0x50];
	_ =	sdelay $0x4  }
0x16a: {  	v55 =	vshrl.u32 v3, $0x3  }
0x16b: {  	v4 =	vmul.u32 $0x18, v55  }
0x16c: {  	v3 =	vand.u32 $0x7, v3  }
0x16d: {  	v3 =	vor.u32 v3, v4  }
0x16e: {  	v4 =	vperm.xlane v3, v0;
	_ =	sdelay $0x1  }
0x16f: {  	v4 =	vadd.s32 v1, v4;
	_ =	sdelay $0x1  }
0x170: {  	v3 =	vperm.xlane v3, v2;
	_ =	sdelay $0x1  }
0x171: {  	s9 =	simm.s32 $0x7900;
	v3 =	vadd.s32 v1, v3  }
0x172: {  	[tilespmem:s9], [sflag:$0x1] =	stream.indirect_vreg.gather [hbm4b:s3+s2], $0x80, v4, vm0, $0xb8;
	[tilespmem:$0x15100] =	vst v63  }
0x173: {  	s9 =	simm.s32 $0x8100  }
0x174: {  	[tilespmem:s9], [sflag:$0x1] =	stream.indirect_vreg.gather [hbm4b:s6+s2], $0x80, v4, vm1, $0xb8;
	[tilespmem:$0x15100] =	vst v63  }
0x175: {  	s9 =	simm.s32 $0x8500  }
0x176: {  	[tilespmem:s9], [sflag:$0x1] =	stream.indirect_vreg.gather [hbm4b:s3+s2], $0x80, v3, vm0, $0xb8;
	[tilespmem:$0x15100] =	vst v63  }
0x177: {  	s9 =	simm.s32 $0x8D00  }
0x178: {  	[tilespmem:s9], [sflag:$0x1] =	stream.indirect_vreg.gather [hbm4b:s6+s2], $0x80, v3, vm1, $0xb8;
	[tilespmem:$0x15100] =	vst v63  }
0x179: {  	v3 =	vld [tilespmem:$0x60];
	_ =	sdelay $0x4  }
0x17a: {  	v56 =	vshrl.u32 v3, $0x3  }
0x17b: {  	v4 =	vmul.u32 $0x18, v56  }
0x17c: {  	v3 =	vand.u32 $0x7, v3  }
0x17d: {  	v3 =	vor.u32 v3, v4  }
0x17e: {  	v4 =	vperm.xlane v3, v0;
	_ =	sdelay $0x1  }
0x17f: {  	v4 =	vadd.s32 v1, v4;
	_ =	sdelay $0x1  }
0x180: {  	v3 =	vperm.xlane v3, v2;
	_ =	sdelay $0x1  }
0x181: {  	s9 =	simm.s32 $0x9100;
	v3 =	vadd.s32 v1, v3  }
0x182: {  	[tilespmem:s9], [sflag:$0x1] =	stream.indirect_vreg.gather [hbm4b:s3+s2], $0x80, v4, vm0, $0xb8;
	[tilespmem:$0x15100] =	vst v63  }
0x183: {  	s9 =	simm.s32 $0x9900  }
0x184: {  	[tilespmem:s9], [sflag:$0x1] =	stream.indirect_vreg.gather [hbm4b:s6+s2], $0x80, v4, vm1, $0xb8;
	[tilespmem:$0x15100] =	vst v63  }
0x185: {  	s9 =	simm.s32 $0x9D00  }
0x186: {  	[tilespmem:s9], [sflag:$0x1] =	stream.indirect_vreg.gather [hbm4b:s3+s2], $0x80, v3, vm0, $0xb8;
	[tilespmem:$0x15100] =	vst v63  }
0x187: {  	s9 =	simm.s32 $0xA500  }
0x188: {  	[tilespmem:s9], [sflag:$0x1] =	stream.indirect_vreg.gather [hbm4b:s6+s2], $0x80, v3, vm1, $0xb8;
	[tilespmem:$0x15100] =	vst v63  }
0x189: {  	v3 =	vld [tilespmem:$0x80];
	_ =	sdelay $0x4  }
0x18a: {  	v57 =	vshrl.u32 v3, $0x3  }
0x18b: {  	v4 =	vmul.u32 $0x18, v57  }
0x18c: {  	v3 =	vand.u32 $0x7, v3  }
0x18d: {  	v3 =	vor.u32 v3, v4  }
0x18e: {  	v4 =	vperm.xlane v3, v0;
	_ =	sdelay $0x1  }
0x18f: {  	v4 =	vadd.s32 v1, v4;
	_ =	sdelay $0x1  }
0x190: {  	v3 =	vperm.xlane v3, v2;
	_ =	sdelay $0x1  }
0x191: {  	v3 =	vadd.s32 v1, v3  }
0x192: {  	[tilespmem:s23], [sflag:$0x2] =	stream.indirect_vreg.gather [hbm4b:s3+s2], $0x80, v4, vm0, $0xb8;
	[tilespmem:$0x15100] =	vst v63  }
0x193: {  	s9 =	simm.s32 $0xB100  }
0x194: {  	[tilespmem:s9], [sflag:$0x2] =	stream.indirect_vreg.gather [hbm4b:s6+s2], $0x80, v4, vm1, $0xb8;
	[tilespmem:$0x15100] =	vst v63  }
0x195: {  	s9 =	simm.s32 $0xB500  }
0x196: {  	[tilespmem:s9], [sflag:$0x2] =	stream.indirect_vreg.gather [hbm4b:s3+s2], $0x80, v3, vm0, $0xb8;
	[tilespmem:$0x15100] =	vst v63  }
0x197: {  	s9 =	simm.s32 $0xBD00  }
0x198: {  	[tilespmem:s9], [sflag:$0x2] =	stream.indirect_vreg.gather [hbm4b:s6+s2], $0x80, v3, vm1, $0xb8;
	[tilespmem:$0x15100] =	vst v63  }
0x199: {  	v3 =	vld [tilespmem:$0x90];
	_ =	sdelay $0x4  }
0x19a: {  	v58 =	vshrl.u32 v3, $0x3  }
0x19b: {  	v4 =	vmul.u32 $0x18, v58  }
0x19c: {  	v3 =	vand.u32 $0x7, v3  }
0x19d: {  	v3 =	vor.u32 v3, v4  }
0x19e: {  	v4 =	vperm.xlane v3, v0;
	_ =	sdelay $0x1  }
0x19f: {  	v4 =	vadd.s32 v1, v4;
	_ =	sdelay $0x1  }
0x1a0: {  	v3 =	vperm.xlane v3, v2;
	_ =	sdelay $0x1  }
0x1a1: {  	s9 =	simm.s32 $0xC100;
	v3 =	vadd.s32 v1, v3  }
0x1a2: {  	[tilespmem:s9], [sflag:$0x2] =	stream.indirect_vreg.gather [hbm4b:s3+s2], $0x80, v4, vm0, $0xb8;
	[tilespmem:$0x15100] =	vst v63  }
0x1a3: {  	s9 =	simm.s32 $0xC900  }
0x1a4: {  	[tilespmem:s9], [sflag:$0x2] =	stream.indirect_vreg.gather [hbm4b:s6+s2], $0x80, v4, vm1, $0xb8;
	[tilespmem:$0x15100] =	vst v63  }
0x1a5: {  	s9 =	simm.s32 $0xCD00  }
0x1a6: {  	[tilespmem:s9], [sflag:$0x2] =	stream.indirect_vreg.gather [hbm4b:s3+s2], $0x80, v3, vm0, $0xb8;
	[tilespmem:$0x15100] =	vst v63  }
0x1a7: {  	s9 =	simm.s32 $0xD500  }
0x1a8: {  	[tilespmem:s9], [sflag:$0x2] =	stream.indirect_vreg.gather [hbm4b:s6+s2], $0x80, v3, vm1, $0xb8;
	[tilespmem:$0x15100] =	vst v63  }
0x1a9: {  	v3 =	vld [tilespmem:$0xA0];
	_ =	sdelay $0x4  }
0x1aa: {  	v59 =	vshrl.u32 v3, $0x3  }
0x1ab: {  	v4 =	vmul.u32 $0x18, v59  }
0x1ac: {  	v3 =	vand.u32 $0x7, v3  }
0x1ad: {  	v3 =	vor.u32 v3, v4  }
0x1ae: {  	v4 =	vperm.xlane v3, v0;
	_ =	sdelay $0x1  }
0x1af: {  	v4 =	vadd.s32 v1, v4;
	_ =	sdelay $0x1  }
0x1b0: {  	v3 =	vperm.xlane v3, v2;
	_ =	sdelay $0x1  }
0x1b1: {  	s9 =	simm.s32 $0xD900;
	v3 =	vadd.s32 v1, v3  }
0x1b2: {  	[tilespmem:s9], [sflag:$0x2] =	stream.indirect_vreg.gather [hbm4b:s3+s2], $0x80, v4, vm0, $0xb8;
	[tilespmem:$0x15100] =	vst v63  }
0x1b3: {  	s9 =	simm.s32 $0xE100  }
0x1b4: {  	[tilespmem:s9], [sflag:$0x2] =	stream.indirect_vreg.gather [hbm4b:s6+s2], $0x80, v4, vm1, $0xb8;
	[tilespmem:$0x15100] =	vst v63  }
0x1b5: {  	s9 =	simm.s32 $0xE500  }
0x1b6: {  	[tilespmem:s9], [sflag:$0x2] =	stream.indirect_vreg.gather [hbm4b:s3+s2], $0x80, v3, vm0, $0xb8;
	[tilespmem:$0x15100] =	vst v63  }
0x1b7: {  	s9 =	simm.s32 $0xED00  }
0x1b8: {  	[tilespmem:s9], [sflag:$0x2] =	stream.indirect_vreg.gather [hbm4b:s6+s2], $0x80, v3, vm1, $0xb8;
	[tilespmem:$0x15100] =	vst v63  }
0x1b9: {  	v3 =	vld [tilespmem:$0xB0];
	_ =	sdelay $0x4  }
0x1ba: {  	v60 =	vshrl.u32 v3, $0x3  }
0x1bb: {  	v4 =	vmul.u32 $0x18, v60  }
0x1bc: {  	v3 =	vand.u32 $0x7, v3  }
0x1bd: {  	v3 =	vor.u32 v3, v4  }
0x1be: {  	v4 =	vperm.xlane v3, v0;
	_ =	sdelay $0x1  }
0x1bf: {  	v4 =	vadd.s32 v1, v4;
	_ =	sdelay $0x1  }
0x1c0: {  	v3 =	vperm.xlane v3, v2;
	_ =	sdelay $0x1  }
0x1c1: {  	v3 =	vadd.s32 v1, v3  }
0x1c2: {  	[tilespmem:s11], [sflag:$0x2] =	stream.indirect_vreg.gather [hbm4b:s3+s2], $0x80, v4, vm0, $0xb8;
	[tilespmem:$0x15100] =	vst v63  }
0x1c3: {  	_ = 	snop  }
0x1c4: {  	[tilespmem:s12], [sflag:$0x2] =	stream.indirect_vreg.gather [hbm4b:s6+s2], $0x80, v4, vm1, $0xb8;
	[tilespmem:$0x15100] =	vst v63  }
0x1c5: {  	_ = 	snop  }
0x1c6: {  	[tilespmem:s15], [sflag:$0x2] =	stream.indirect_vreg.gather [hbm4b:s3+s2], $0x80, v3, vm0, $0xb8;
	[tilespmem:$0x15100] =	vst v63  }
0x1c7: {  	_ = 	snop  }
0x1c8: {  	[tilespmem:s17], [sflag:$0x2] =	stream.indirect_vreg.gather [hbm4b:s6+s2], $0x80, v3, vm1, $0xb8;
	[tilespmem:$0x15100] =	vst v63  }
0x1c9: {  	v3 =	vld [tilespmem:$0xC0];
	_ =	sdelay $0x4  }
0x1ca: {  	v61 =	vshrl.u32 v3, $0x3  }
0x1cb: {  	v4 =	vmul.u32 $0x18, v61  }
0x1cc: {  	v3 =	vand.u32 $0x7, v3  }
0x1cd: {  	v3 =	vor.u32 v3, v4  }
0x1ce: {  	v4 =	vperm.xlane v3, v0;
	_ =	sdelay $0x1  }
0x1cf: {  	v4 =	vadd.s32 v1, v4;
	_ =	sdelay $0x1  }
0x1d0: {  	v3 =	vperm.xlane v3, v2;
	_ =	sdelay $0x1  }
0x1d1: {  	v3 =	vadd.s32 v1, v3  }
0x1d2: {  	[tilespmem:s18], [sflag:$0x2] =	stream.indirect_vreg.gather [hbm4b:s3+s2], $0x80, v4, vm0, $0xb8;
	[tilespmem:$0x15100] =	vst v63  }
0x1d3: {  	_ = 	snop  }
0x1d4: {  	[tilespmem:s19], [sflag:$0x2] =	stream.indirect_vreg.gather [hbm4b:s6+s2], $0x80, v4, vm1, $0xb8;
	[tilespmem:$0x15100] =	vst v63  }
0x1d5: {  	_ = 	snop  }
0x1d6: {  	[tilespmem:s20], [sflag:$0x2] =	stream.indirect_vreg.gather [hbm4b:s3+s2], $0x80, v3, vm0, $0xb8;
	[tilespmem:$0x15100] =	vst v63  }
0x1d7: {  	_ = 	snop  }
0x1d8: {  	[tilespmem:s21], [sflag:$0x2] =	stream.indirect_vreg.gather [hbm4b:s6+s2], $0x80, v3, vm1, $0xb8;
	[tilespmem:$0x15100] =	vst v63  }
0x1d9: {  	v3 =	vld [tilespmem:$0xD0];
	_ =	sdelay $0x4  }
0x1da: {  	v62 =	vshrl.u32 v3, $0x3  }
0x1db: {  	v4 =	vmul.u32 $0x18, v62  }
0x1dc: {  	v3 =	vand.u32 $0x7, v3  }
0x1dd: {  	v3 =	vor.u32 v3, v4  }
0x1de: {  	v4 =	vperm.xlane v3, v0;
	_ =	sdelay $0x1  }
0x1df: {  	v4 =	vadd.s32 v1, v4;
	_ =	sdelay $0x1  }
0x1e0: {  	v3 =	vperm.xlane v3, v2;
	_ =	sdelay $0x1  }
0x1e1: {  	v3 =	vadd.s32 v1, v3  }
0x1e2: {  	[tilespmem:s22], [sflag:$0x2] =	stream.indirect_vreg.gather [hbm4b:s3+s2], $0x80, v4, vm0, $0xb8;
	[tilespmem:$0x15100] =	vst v63  }
0x1e3: {  	_ = 	snop  }
0x1e4: {  	[tilespmem:s24], [sflag:$0x2] =	stream.indirect_vreg.gather [hbm4b:s6+s2], $0x80, v4, vm1, $0xb8;
	[tilespmem:$0x15100] =	vst v63  }
0x1e5: {  	_ = 	snop  }
0x1e6: {  	[tilespmem:s25], [sflag:$0x2] =	stream.indirect_vreg.gather [hbm4b:s3+s2], $0x80, v3, vm0, $0xb8;
	[tilespmem:$0x15100] =	vst v63  }
0x1e7: {  	_ = 	snop  }
0x1e8: {  	[tilespmem:s26], [sflag:$0x2] =	stream.indirect_vreg.gather [hbm4b:s6+s2], $0x80, v3, vm1, $0xb8;
	[tilespmem:$0x15100] =	vst v63  }
0x1e9: {  	v3 =	vld [tilespmem:$0xE0];
	_ =	sdelay $0x4  }
0x1ea: {  	v63 =	vshrl.u32 v3, $0x3  }
0x1eb: {  	v4 =	vmul.u32 $0x18, v63  }
0x1ec: {  	v3 =	vand.u32 $0x7, v3  }
0x1ed: {  	v3 =	vor.u32 v3, v4  }
0x1ee: {  	v4 =	vperm.xlane v3, v0;
	_ =	sdelay $0x1  }
0x1ef: {  	v4 =	vadd.s32 v1, v4;
	_ =	sdelay $0x1  }
0x1f0: {  	v3 =	vperm.xlane v3, v2;
	_ =	sdelay $0x1  }
0x1f1: {  	v3 =	vadd.s32 v1, v3  }
0x1f2: {  	[tilespmem:s28], [sflag:$0x2] =	stream.indirect_vreg.gather [hbm4b:s3+s2], $0x80, v4, vm0, $0xb8;
	[tilespmem:$0x15100] =	vst v63  }
0x1f3: {  	_ = 	snop  }
0x1f4: {  	[tilespmem:s29], [sflag:$0x2] =	stream.indirect_vreg.gather [hbm4b:s6+s2], $0x80, v4, vm1, $0xb8;
	[tilespmem:$0x15100] =	vst v63  }
0x1f5: {  	_ = 	snop  }
0x1f6: {  	[tilespmem:s30], [sflag:$0x2] =	stream.indirect_vreg.gather [hbm4b:s3+s2], $0x80, v3, vm0, $0xb8;
	[tilespmem:$0x15100] =	vst v63  }
0x1f7: {  	_ = 	snop  }
0x1f8: {  	[tilespmem:s31], [sflag:$0x2] =	stream.indirect_vreg.gather [hbm4b:s6+s2], $0x80, v3, vm1, $0xb8;
	[tilespmem:$0x15100] =	vst v63  }
0x1f9: {  	_ =	swait.ge [sflag:s1], $0xA800  }
0x1fa: {  	[sflag:s1] =	ssyncset.done $0x0  }
0x1fb: {  	[sflag:s1] =	ssyncadd.s32 $0xFFFF5800  }
0x1fc: {  	_ =	swait.ge [sflag:s0], $0xA800  }
0x1fd: {  	[sflag:s0] =	ssyncset.done $0x0  }
0x1fe: {  	s9 =	rddreg [dreg:$0x5];
	[sflag:s0] =	ssyncadd.s32 $0xFFFF5800  }
0x1ff: {  	[hbm4b:s9+s2] =	stream.linear.scatter [tilespmem:s16], [sflag:$0x3], $0xA800, $0x38;
	[tilespmem:$0x15100] =	vst v63  }
0x200: {  	_ =	swait.ge [sflag:s14], $0xA800  }
0x201: {  	[sflag:s14] =	ssyncset.done $0x0  }
.Ltmp3:
0x202: {  	s9 =	rddreg [dreg:$0x6];
	[sflag:s14] =	ssyncadd.s32 $0xFFFF5800;
	(pc) =	sbr.rel .LBB2_3-.Ltmp3, $4  }
0x203: {  	[hbm4b:s9+s2] =	stream.linear.scatter [tilespmem:s23], [sflag:$0x3], $0xA800, $0x38;
	[tilespmem:$0x15100] =	vst v63  }
0x204: {  	_ =	swait.ge [sflag:s14], $0xA800  }
0x205: {  	[sflag:s14] =	ssyncset.done $0x0  }
0x206: {  	[sflag:s14] =	ssyncadd.s32 $0xFFFF5800  }
.LBB2_4:
0x207: {  	_ =	sfence.sel $0x180000  }
0x208: {  	[bflag:$0x0] =	sbarrier.arrive $0xFFFF  }
0x209: {  	_ =	strace $0x9000004A  }
0x20a: {  	s0 =	stileid.u32;
	[bflag:$0x2] =	sbarrier.arrive $0xFFFF  }
0x20b: {  	p0 =	sne.s32 s0, $0x0;
	s0 =	rddreg [dreg:$0x2]  }
0x20c: {  	s0 =	sadd.s32 @!p0 $0x100000, s0  }
0x20d: {  	[sflag:s0] =	ssyncadd.tile.s32 @!p0 $0x1;
	_ =	shalt  }
.Lfunc_end2:
_tile_overlayer_lowered:
.L_overlay_start_2:
0x20e: {  	(tag) =	ssettag $0x2  }
0x20f: {  	s0 =	rddreg [dreg:$0x0];
	s2 =	stileid.u32  }
0x210: {  	s1 =	rddreg [dreg:$0x1];
	p0 =	sne.s32 s2, $0x0  }
0x211: {  	s3 =	rddreg [dreg:$0x2];
	[bflag:$0x3] =	sbarrier.arrive $0xFFFF;
	s2 =	simm.s32 @!p0 $0x1C03  }
0x212: {  	[timem:s3], [sflag:s2] =	dma.local @!p0 [hbm:s0], s1  }
0x213: {  	s0 =	simm.s32 @!p0 $0x3  }
0x214: {  	_ =	swait.ge @!p0 [sflag:s0], s1  }
0x215: {  	s1 =	ssub.s32 @!p0 $0x0, s1;
	[sflag:s0] =	ssyncset.done @!p0 $0x0  }
0x216: {  	[sflag:s0] =	ssyncadd.s32 @!p0 s1  }
0x217: {  	[bflag:$0x3] =	sbarrier.arrive $0xFFFF  }
0x218: {  	_ =	shalt  }

// kernel: kernel.8.cloned.1.call-start
scs
__scs_entry_jumppad:
0x0: {  	(pc) =	sbr.rel $0x88, $3  }
0x1: {  	(tag) =	ssettag $0x0;
	lr =	simm.s32 $0x1  }
0x2: {  	[smem:$0x3F8D] =	sst lr;
	_ =	strace $0xD0000000  }
0x3: {  	_ = 	snop  }
0x4: {  	_ = 	snop  }
0x5: {  	_ = 	snop  }
0x6: {  	_ = 	snop  }
0x7: {  	_ = 	snop  }
__scs_overlays_trampoline_lowered:
0x8: {  	[smem:$0x3F9C] =	sst s0  }
0x9: {  	[smem:$0x3F9D] =	sst s1  }
0xa: {  	[smem:$0x3F9E] =	sst s2  }
0xb: {  	[smem:$0x3F9F] =	sst s3  }
0xc: {  	[smem:$0x3FA0] =	sst s4  }
0xd: {  	[smem:$0x3FA1] =	sst s5  }
0xe: {  	[smem:$0x3FA2] =	sst s6  }
0xf: {  	[smem:$0x3FA3] =	sst s7  }
0x10: {  	[smem:$0x3FA4] =	sst s8  }
0x11: {  	[smem:$0x3FA5] =	sst s9;
	s0 =	simm.s32 @!p0 $0x0  }
0x12: {  	s1 =	sld [smem:$0x3F8B];
	s0 =	simm.s32 @p0 $0x1  }
0x13: {  	[smem:$0x3FA6] =	sst s0;
	s0 =	simm.s32 @!p1 $0x0  }
0x14: {  	s2 =	sld [smem:$0x3F8A];
	s0 =	simm.s32 @p1 $0x1  }
0x15: {  	[smem:$0x3FA7] =	sst s0;
	s0 =	simm.s32 @!p2 $0x0  }
0x16: {  	s3 =	sld [smem:$0x3FDB];
	s0 =	simm.s32 @p2 $0x1  }
0x17: {  	s4 =	simm.s32 $0x1BF5;
	[smem:$0x3FA9] =	sst s0  }
0x18: {  	s0 =	sld [smem:$0x3F8C];
	_ =	swait.ge [sflag:s4], $0x0  }
0x19: {  	s7 =	sld [smem:$0x3F8D]  }
0x1a: {  	s8 =	sadd.s32 $0xFFFFE003, lr  }
0x1b: {  	s9 =	sadd.s32 $0xFFFFFEF7, lr;
	s5 =	simm.s32 $0xFFFFFFFF;
	p2 =	slt.u32 s8, $0xFFFFF086  }
0x1c: {  	p1 =	slt.u32 s9, $0xF7A;
	s5 =	simm.s32 @!p2 $0x0  }
0x1d: {  	s5 =	simm.s32 @p1 $0x1;
	p0 =	seq.s32 s7, s2  }
0x1e: {  	s7 =	smul.u32 @!p0 $0xF7A, s2;
	p2 =	seq.s32 @!p0 s5, $0x0  }
0x1f: {  	s9 =	smul.u32 $0xF7A, s1;
	s8 =	simm.s32 @!p0 $0x1BF5;
	p2 =	por !p2, p0  }
0x20: {  	[sflag:s8] =	ssyncset.s32 @!p0 $0xFFFFF086;
	s6 =	sadd.s32 @!p0 s3, s7;
	s7 =	simm.s32 @!p0 $0x108  }
0x21: {  	s3 =	sadd.s32 s3, s9;
	s6 =	sadd.s32 @!p0 $0x88, s6;
	s7 =	simm.s32 @p2 $0x1082  }
0x22: {  	[simem:s7], [sflag:s8] =	dma.local @!p0 [hbm:s6], $0xF7A  }
0x23: {  	s9 =	sor.u32 $0xD0000000, s2;
	s6 =	simm.s32 $0x108;
	_ =	swait.ge @!p0 [sflag:s8], $0x0  }
0x24: {  	s3 =	sadd.s32 $0x88, s3;
	s6 =	simm.s32 @!p1 $0x1082;
	[sflag:s4] =	ssyncset.s32 $0xFFFFF086  }
0x25: {  	[simem:s6], [sflag:s4] =	dma.local [hbm:s3], $0xF7A  }
0x26: {  	[smem:$0x3F8D] =	sst s1;
	(tag) =	ssettag s2;
	_ =	strace s9  }
0x27: {  	s1 =	sld [smem:$0x3F9D]  }
0x28: {  	s2 =	sld [smem:$0x3F9E]  }
0x29: {  	s4 =	sld [smem:$0x3FA0]  }
0x2a: {  	p0 =	seq.s32 s5, $0x0;
	s5 =	sld [smem:$0x3FA1]  }
0x2b: {  	s6 =	sld [smem:$0x3FA2]  }
0x2c: {  	s7 =	sld [smem:$0x3FA3]  }
0x2d: {  	s3 =	simm.s32 $0x108;
	s8 =	sld [smem:$0x3FA4]  }
0x2e: {  	s3 =	simm.s32 @!p0 $0x1082;
	s9 =	sld [smem:$0x3FA5]  }
0x2f: {  	lr =	sadd.s32 s0, s3;
	s0 =	sld [smem:$0x3F9C]  }
0x30: {  	s3 =	sld [smem:$0x3F9F]  }
0x31: {  	[smem:$0x3FA8] =	sst s10  }
0x32: {  	s10 =	sld [smem:$0x3FA6];
	_ =	sdelay $0x3  }
0x33: {  	p0 =	seq.s32 s10, $0x1;
	s10 =	sld [smem:$0x3FA8];
	_ =	sdelay $0x3  }
0x34: {  	[smem:$0x3FA8] =	sst s10  }
0x35: {  	s10 =	sld [smem:$0x3FA7];
	_ =	sdelay $0x3  }
0x36: {  	p1 =	seq.s32 s10, $0x1;
	s10 =	sld [smem:$0x3FA8];
	_ =	sdelay $0x3  }
0x37: {  	[smem:$0x3FA8] =	sst s10  }
0x38: {  	s10 =	sld [smem:$0x3FA9]  }
0x39: {  	_ = 	snop;
	(pc) =	sbr.ind lr, $3  }
0x3a: {  	_ = 	snop  }
0x3b: {  	_ = 	snop  }
0x3c: {  	p2 =	seq.s32 s10, $0x1;
	s10 =	sld [smem:$0x3FA8]  }
0x3d: {  	_ =	shalt  }
0x3e: {  	_ =	shalt  }
0x3f: {  	_ =	shalt  }
0x40: {  	_ =	shalt  }
0x41: {  	_ =	shalt  }
0x42: {  	_ =	shalt  }
0x43: {  	_ =	shalt  }
0x44: {  	_ =	shalt  }
0x45: {  	_ =	shalt  }
0x46: {  	_ =	shalt  }
0x47: {  	_ =	shalt  }
0x48: {  	_ =	shalt  }
0x49: {  	_ =	shalt  }
0x4a: {  	_ =	shalt  }
0x4b: {  	_ =	shalt  }
0x4c: {  	_ =	shalt  }
0x4d: {  	_ =	shalt  }
0x4e: {  	_ =	shalt  }
0x4f: {  	_ =	shalt  }
0x50: {  	_ =	shalt  }
0x51: {  	_ =	shalt  }
0x52: {  	_ =	shalt  }
0x53: {  	_ =	shalt  }
0x54: {  	_ =	shalt  }
0x55: {  	_ =	shalt  }
0x56: {  	_ =	shalt  }
0x57: {  	_ =	shalt  }
0x58: {  	_ =	shalt  }
0x59: {  	_ =	shalt  }
0x5a: {  	_ =	shalt  }
0x5b: {  	_ =	shalt  }
0x5c: {  	_ =	shalt  }
0x5d: {  	_ =	shalt  }
0x5e: {  	_ =	shalt  }
0x5f: {  	_ =	shalt  }
0x60: {  	_ =	shalt  }
0x61: {  	_ =	shalt  }
0x62: {  	_ =	shalt  }
0x63: {  	_ =	shalt  }
0x64: {  	_ =	shalt  }
0x65: {  	_ =	shalt  }
0x66: {  	_ =	shalt  }
0x67: {  	_ =	shalt  }
0x68: {  	_ =	shalt  }
0x69: {  	_ =	shalt  }
0x6a: {  	_ =	shalt  }
0x6b: {  	_ =	shalt  }
0x6c: {  	_ =	shalt  }
0x6d: {  	_ =	shalt  }
0x6e: {  	_ =	shalt  }
0x6f: {  	_ =	shalt  }
0x70: {  	_ =	shalt  }
0x71: {  	_ =	shalt  }
0x72: {  	_ =	shalt  }
0x73: {  	_ =	shalt  }
0x74: {  	_ =	shalt  }
0x75: {  	_ =	shalt  }
0x76: {  	_ =	shalt  }
0x77: {  	_ =	shalt  }
0x78: {  	_ =	shalt  }
0x79: {  	_ =	shalt  }
0x7a: {  	_ =	shalt  }
0x7b: {  	_ =	shalt  }
0x7c: {  	_ =	shalt  }
0x7d: {  	_ =	shalt  }
0x7e: {  	_ =	shalt  }
0x7f: {  	_ =	shalt  }
0x80: {  	_ =	shalt  }
0x81: {  	_ =	shalt  }
0x82: {  	_ =	shalt  }
0x83: {  	_ =	shalt  }
0x84: {  	_ =	shalt  }
0x85: {  	_ =	shalt  }
0x86: {  	_ =	shalt  }
0x87: {  	_ =	shalt  }
.Lfunc_end0:
.L_simem_size_0:
called_computation_lowered:
.L_overlay_start_0:
0x88: {  	s2 =	sld [smem:$0x3FD9]  }
0x89: {  	s3 =	sld [smem:$0x3FFE];
	_ =	sdelay $0x1  }
0x8a: {  	s1 =	srdreg.scid  }
0x8b: {  	s0 =	sand.u32 $0x1, s1  }
0x8c: {  	s17 =	sshll.u32 s0, $0xA;
	s2 =	sadd.s32 s3, s2  }
0x8d: {  	s2 =	sadd.s32 s2, s17  }
0x8e: {  	[smem:$0x3FB4] =	sst s2  }
0x8f: {  	_ = 	snop  }
0x90: {  	s2 =	sld [smem:$0x3FD0];
	(tm) =	ssettm $0x1  }
0x91: {  	s18 =	sld [smem:$0x3FFB];
	_ =	sdelay $0x3  }
0x92: {  	_ =	strace s18  }
0x93: {  	s3 =	sld [smem:$0x3FFC];
	_ =	sdelay $0x3  }
0x94: {  	_ =	strace s3  }
0x95: {  	s3 =	sld [smem:$0x3FFD];
	_ =	sdelay $0x3  }
0x96: {  	_ =	strace s3  }
0x97: {  	_ =	strace $0x8FFFFFFF  }
0x98: {  	s19 =	sld [smem:$0x3FDB];
	_ =	sdelay $0x1  }
0x99: {  	s4 =	simm.s32 $_scs_section_size  }
0x9a: {  	s5 =	simm.s32 $_size__tile_overlayer_lowered;
	s6 =	simm.s32 $_tile_overlayer_lowered  }
0x9b: {  	s22 =	simm.s32 $0x1BFF;
	s21 =	sshll.u32 s6, $0x1;
	s3 =	sadd.s32 s4, s19  }
0x9c: {  	s7 =	simm.s32 $0x0;
	s20 =	sshll.u32 s5, $0x1;
	s5 =	sadd.s32 s21, s3  }
0x9d: {  	[timem:s7], [sflag:s22] =	dma.local [hbm:s5], s20  }
0x9e: {  	_ =	swait.ge [sflag:s22], s20  }
0x9f: {  	s4 =	ssub.s32 $0x0, s20;
	[sflag:s22] =	ssyncset.done $0x0  }
0xa0: {  	[sflag:s22] =	ssyncadd.s32 s4;
	_ =	sdelay $0x1  }
0xa1: {  	s23 =	simm.s32 $0x1B8B  }
0xa2: {  	_ =	swait.ge [sflag:s23], $0x1  }
0xa3: {  	[sflag:s23] =	ssyncset.done $0x0  }
0xa4: {  	s25 =	simm.s32 $0x1B8E;
	s24 =	sld [smem:$0x3FFE];
	[sflag:s23] =	ssyncadd.s32 $0xFFFFFFFF  }
0xa5: {  	s26 =	simm.s32 $execute0_lowered;
	[smem:$0x3FD2] =	sst s25  }
0xa6: {  	s5 =	sshll.u32 s26, $0x1;
	_ =	strace $0x80000046;
	[dreg:$0x1] =	wrdreg $0xFFFFFFFF  }
0xa7: {  	s28 =	simm.s32 $_size_execute0_lowered;
	s3 =	sadd.s32 s3, s5;
	[dreg:$0x0] =	wrdreg $0x0  }
0xa8: {  	s5 =	sshll.u32 s28, $0x1;
	[dreg:$0x2] =	wrdreg s3  }
0xa9: {  	[dreg:$0x3] =	wrdreg s5  }
0xaa: {  	[dreg:$0x4] =	wrdreg $0xC0  }
0xab: {  	_ =	task [dreg:s7], $0x5FFFF  }
0xac: {  	[dreg:$0x1] =	wrdreg $0xFFFFFFFF  }
0xad: {  	[dreg:$0x0] =	wrdreg $0x60  }
0xae: {  	[dreg:$0x2] =	wrdreg s24  }
0xaf: {  	[dreg:$0x3] =	wrdreg s2  }
0xb0: {  	[dreg:$0x4] =	wrdreg $0x9  }
0xb1: {  	_ =	task.clear_ibuf [dreg:s7], $0x5FFFF;
	_ =	strace $0x90000046  }
0xb2: {  	s29 =	simm.s32 $0x9;
	_ =	strace $0x80000048  }
0xb3: {  	_ =	swait.ge [sflag:s29], $0x1  }
0xb4: {  	[sflag:s29] =	ssyncadd.s32 $0xFFFFFFFF  }
0xb5: {  	_ =	strace $0x90000048  }
0xb6: {  	_ =	sfence  }
0xb7: {  	s30 =	sld [smem:$0x0];
	_ =	sdelay $0x2  }
0xb8: {  	s31 =	sshll.u32 s1, $0xD;
	s1 =	sshrl.u32 s1, $0x2  }
0xb9: {  	s3 =	sand.u32 $0x4000, s31;
	s1 =	sadd.s32 s1, s30  }
0xba: {  	s0 =	sor.u32 s3, s0;
	s1 =	sshll.u32 s1, $0x11  }
0xbb: {  	s0 =	sor.u32 s1, s0  }
0xbc: {  	s0 =	sadd.s32 $0x8F2B, s0  }
0xbd: {  	[sflag:s0] =	ssyncadd.remote.s32 $0x1  }
0xbe: {  	_ =	sfence.sel $0xFFFF  }
0xbf: {  	[dreg:$0x0] =	wrdreg $0xFFFFFFFF;
	(pc) =	sbr.abs _section_cstart, $3  }
0xc0: {  	[dreg:$0x1] =	wrdreg $0xFFFFFFFF  }
0xc1: {  	_ =	task.clear_ibuf [dreg:s7], $0x2FFFF;
	_ =	strace $0x9FFFFFFF  }
0xc2: {  	(tm) =	ssettm $0x7FFFFFFF  }
0xc3: {  	_ =	shalt  }
tec
execute0_lowered:
.L_overlay_start_1:
0x0: {  	(tag) =	ssettag $0x1  }
0x1: {  	s3 =	srdreg.scid;
	s12 =	stileid.u32  }
0x2: {  	s0 =	rddreg [dreg:$0x0];
	s3 =	sand.u32 $0x1, s3;
	s4 =	sshll.u32 s12, $0x1  }
0x3: {  	s1 =	rddreg [dreg:$0x1];
	s2 =	simm.s32 $0x0;
	s4 =	sor.u32 s3, s4  }
0x4: {  	[smem:$0x7FF] =	sst s2;
	s7 =	smul.u32 $0xE, s4  }
0x5: {  	s5 =	sadd.s32 $0x3C00, s0;
	s9 =	sor.u32 $0x20, s4;
	s4 =	smul.u32 $0x1500, s4  }
0x6: {  	s6 =	sadd.s32 $0x4D400, s0;
	p0 =	sgt.u32 s12, $0xB;
	_ =	strace $0x80000047  }
0x7: {  	s8 =	ssub.s32 $0x2, s3;
	s3 =	sadd.s32 $0x4D800, s0;
	s4 =	sadd.s32 s5, s4  }
0x8: {  	s11 =	smul.u32 $0xE, s9;
	s29 =	sadd.s32 s1, s7;
	[dreg:$0x3] =	wrdreg s4  }
.Ltmp0:
0x9: {  	s7 =	sadd.s32 s6, s7;
	[dreg:$0x4] =	wrdreg s29;
	(pc) =	sbr.rel .LBB2_1-.Ltmp0, $4  }
0xa: {  	s28 =	smul.u32 $0x1500, s9;
	[dreg:$0x5] =	wrdreg s7;
	s1 =	sadd.s32 s1, s11  }
0xb: {  	v2 =	vlaneseq.u32;
	s10 =	sshrl.u32 s8, $0x1;
	s30 =	sadd.s32 s6, s11;
	[dreg:$0x6] =	wrdreg s1  }
0xc: {  	vm0 =	vmmov $0xffff;
	vm1 =	vmmov $0xff;
	v1 =	vshrl.u32 v2, $0x3;
	s8 =	ssub.s32 s8, s10;
	s31 =	sadd.s32 s5, s28;
	[dreg:$0x7] =	wrdreg s30  }
0xd: {  	v0 =	vand.u32 $0x7, v2;
	v2 =	vor.u32 $0x8, v2;
	v1 =	vmul.u32 $0x8, v1;
	s9 =	sadd.s32 $0x4D900, s0;
	s11 =	smax.u32 s8, $0x1;
	[dreg:$0x8] =	wrdreg s31  }
.LBB2_3:
0xe: {  	s0 =	simm.s32 $0x2;
	s11 =	sadd.s32 $0xFFFFFFFF, s11  }
0xf: {  	_ =	swait.ge [sflag:s0], $0xA800;
	p1 =	sne.s32 s11, $0x0  }
.Ltmp1:
0x10: {  	[sflag:s0] =	ssyncset.done $0x0;
	(pc) =	sbr.rel @!p1 .LBB2_4-.Ltmp1, $4  }
0x11: {  	s31 =	simm.s32 $0x3;
	[sflag:s0] =	ssyncadd.s32 $0xFFFF5800  }
0x12: {  	_ =	swait.ge [sflag:s31], $0xA800  }
0x13: {  	[sflag:s31] =	ssyncset.done $0x0  }
0x14: {  	[sflag:s31] =	ssyncadd.s32 $0xFFFF5800  }
.LBB2_1:
0x15: {  	s21 =	rddreg [dreg:$0x3];
	s15 =	simm.s32 $0x200  }
0x16: {  	[tilespmem:s15], [sflag:$0x1] =	stream.linear.gather [hbm4b:s21+s2], $0xA800, $0x38;
	[tilespmem:$0x15200] =	vst v63  }
0x17: {  	s17 =	rddreg [dreg:$0x4];
	s0 =	simm.s32 $0x4  }
0x18: {  	[tilespmem:s2], [sflag:$0x4] =	stream.linear.gather [hbm4b:s17+s2], $0x70, $0x38;
	[tilespmem:$0x15200] =	vst v63  }
0x19: {  	_ =	swait.ge [sflag:s0], $0x70  }
0x1a: {  	[sflag:s0] =	ssyncset.done $0x0  }
0x1b: {  	s22 =	simm.s32 $0x80;
	s18 =	rddreg [dreg:$0x5];
	[sflag:s0] =	ssyncadd.s32 $0xFFFFFF90  }
0x1c: {  	[tilespmem:s22], [sflag:$0x4] =	stream.linear.gather [hbm4b:s18+s2], $0x70, $0x38;
	[tilespmem:$0x15200] =	vst v63  }
0x1d: {  	_ =	swait.ge [sflag:s0], $0x70  }
0x1e: {  	s21 =	simm.s32 @!p0 $0x0;
	[sflag:s0] =	ssyncset.done $0x0  }
0x1f: {  	s22 =	simm.s32 @!p0 $0x100;
	s23 =	rddreg [dreg:$0x6];
	[sflag:s0] =	ssyncadd.s32 $0xFFFFFF90  }
0x20: {  	[tilespmem:s22], [sflag:$0x4] =	stream.linear.gather @!p0 [hbm4b:s23+s21], $0x70, $0x38;
	[tilespmem:$0x15200] =	vst v63  }
0x21: {  	s22 =	simm.s32 @!p0 $0x4  }
0x22: {  	_ =	swait.ge @!p0 [sflag:s22], $0x70  }
0x23: {  	[sflag:s22] =	ssyncset.done @!p0 $0x0  }
0x24: {  	s23 =	simm.s32 @!p0 $0x180;
	s24 =	rddreg [dreg:$0x7];
	[sflag:s22] =	ssyncadd.s32 @!p0 $0xFFFFFF90  }
0x25: {  	[tilespmem:s23], [sflag:$0x4] =	stream.linear.gather @!p0 [hbm4b:s24+s21], $0x70, $0x38;
	[tilespmem:$0x15200] =	vst v63  }
0x26: {  	_ =	swait.ge @!p0 [sflag:s22], $0x70  }
0x27: {  	[sflag:s22] =	ssyncset.done @!p0 $0x0  }
0x28: {  	s19 =	simm.s32 $0x1;
	[sflag:s22] =	ssyncadd.s32 @!p0 $0xFFFFFF90  }
0x29: {  	_ =	swait.ge [sflag:s19], $0xA800  }
0x2a: {  	[sflag:s19] =	ssyncset.done $0x0  }
0x2b: {  	[sflag:s19] =	ssyncadd.s32 $0xFFFF5800  }
0x2c: {  	v3 =	vld [tilespmem:$0x0];
	_ =	sdelay $0x4  }
0x2d: {  	v4 =	vshrl.u32 v3, $0x3  }
0x2e: {  	v4 =	vmul.u32 $0x18, v4  }
0x2f: {  	v3 =	vand.u32 $0x7, v3  }
0x30: {  	v3 =	vor.u32 v3, v4  }
0x31: {  	v4 =	vperm.xlane v3, v0;
	_ =	sdelay $0x1  }
0x32: {  	v4 =	vadd.s32 v1, v4;
	_ =	sdelay $0x1  }
0x33: {  	v3 =	vperm.xlane v3, v2;
	_ =	sdelay $0x1  }
0x34: {  	v3 =	vadd.s32 v1, v3  }
0x35: {  	[hbm4b:s3+s2] =	stream.indirect_vreg.scatter [tilespmem:s15], [sflag:$0x2], $0x80, v4, vm0, $0xb8;
	[tilespmem:$0x15200] =	vst v63  }
0x36: {  	s21 =	simm.s32 $0xA00  }
0x37: {  	[hbm4b:s9+s2] =	stream.indirect_vreg.scatter [tilespmem:s21], [sflag:$0x2], $0x80, v4, vm1, $0xb8;
	[tilespmem:$0x15200] =	vst v63  }
0x38: {  	s22 =	simm.s32 $0xE00  }
0x39: {  	[hbm4b:s3+s2] =	stream.indirect_vreg.scatter [tilespmem:s22], [sflag:$0x2], $0x80, v3, vm0, $0xb8;
	[tilespmem:$0x15200] =	vst v63  }
0x3a: {  	s23 =	simm.s32 $0x1600  }
0x3b: {  	[hbm4b:s9+s2] =	stream.indirect_vreg.scatter [tilespmem:s23], [sflag:$0x2], $0x80, v3, vm1, $0xb8;
	[tilespmem:$0x15200] =	vst v63  }
0x3c: {  	v3 =	vld [tilespmem:$0x10];
	_ =	sdelay $0x4  }
0x3d: {  	v51 =	vshrl.u32 v3, $0x3  }
0x3e: {  	v4 =	vmul.u32 $0x18, v51  }
0x3f: {  	v3 =	vand.u32 $0x7, v3  }
0x40: {  	v3 =	vor.u32 v3, v4  }
0x41: {  	v4 =	vperm.xlane v3, v0;
	_ =	sdelay $0x1  }
0x42: {  	v4 =	vadd.s32 v1, v4;
	_ =	sdelay $0x1  }
0x43: {  	v3 =	vperm.xlane v3, v2;
	_ =	sdelay $0x1  }
0x44: {  	s24 =	simm.s32 $0x1A00;
	v3 =	vadd.s32 v1, v3  }
0x45: {  	[hbm4b:s3+s2] =	stream.indirect_vreg.scatter [tilespmem:s24], [sflag:$0x2], $0x80, v4, vm0, $0xb8;
	[tilespmem:$0x15200] =	vst v63  }
0x46: {  	s25 =	simm.s32 $0x2200  }
0x47: {  	[hbm4b:s9+s2] =	stream.indirect_vreg.scatter [tilespmem:s25], [sflag:$0x2], $0x80, v4, vm1, $0xb8;
	[tilespmem:$0x15200] =	vst v63  }
0x48: {  	s26 =	simm.s32 $0x2600  }
0x49: {  	[hbm4b:s3+s2] =	stream.indirect_vreg.scatter [tilespmem:s26], [sflag:$0x2], $0x80, v3, vm0, $0xb8;
	[tilespmem:$0x15200] =	vst v63  }
0x4a: {  	s28 =	simm.s32 $0x2E00  }
0x4b: {  	[hbm4b:s9+s2] =	stream.indirect_vreg.scatter [tilespmem:s28], [sflag:$0x2], $0x80, v3, vm1, $0xb8;
	[tilespmem:$0x15200] =	vst v63  }
0x4c: {  	v3 =	vld [tilespmem:$0x20];
	_ =	sdelay $0x4  }
0x4d: {  	v52 =	vshrl.u32 v3, $0x3  }
0x4e: {  	v4 =	vmul.u32 $0x18, v52  }
0x4f: {  	v3 =	vand.u32 $0x7, v3  }
0x50: {  	v3 =	vor.u32 v3, v4  }
0x51: {  	v4 =	vperm.xlane v3, v0;
	_ =	sdelay $0x1  }
0x52: {  	v4 =	vadd.s32 v1, v4;
	_ =	sdelay $0x1  }
0x53: {  	v3 =	vperm.xlane v3, v2;
	_ =	sdelay $0x1  }
0x54: {  	s29 =	simm.s32 $0x3200;
	v3 =	vadd.s32 v1, v3  }
0x55: {  	[hbm4b:s3+s2] =	stream.indirect_vreg.scatter [tilespmem:s29], [sflag:$0x2], $0x80, v4, vm0, $0xb8;
	[tilespmem:$0x15200] =	vst v63  }
0x56: {  	s30 =	simm.s32 $0x3A00  }
0x57: {  	[hbm4b:s9+s2] =	stream.indirect_vreg.scatter [tilespmem:s30], [sflag:$0x2], $0x80, v4, vm1, $0xb8;
	[tilespmem:$0x15200] =	vst v63  }
0x58: {  	s31 =	simm.s32 $0x3E00  }
0x59: {  	[hbm4b:s3+s2] =	stream.indirect_vreg.scatter [tilespmem:s31], [sflag:$0x2], $0x80, v3, vm0, $0xb8;
	[tilespmem:$0x15200] =	vst v63  }
0x5a: {  	s20 =	simm.s32 $0x4600  }
0x5b: {  	[hbm4b:s9+s2] =	stream.indirect_vreg.scatter [tilespmem:s20], [sflag:$0x2], $0x80, v3, vm1, $0xb8;
	[tilespmem:$0x15200] =	vst v63  }
0x5c: {  	v3 =	vld [tilespmem:$0x30];
	_ =	sdelay $0x4  }
0x5d: {  	v53 =	vshrl.u32 v3, $0x3  }
0x5e: {  	v4 =	vmul.u32 $0x18, v53  }
0x5f: {  	v3 =	vand.u32 $0x7, v3  }
0x60: {  	v3 =	vor.u32 v3, v4  }
0x61: {  	v4 =	vperm.xlane v3, v0;
	_ =	sdelay $0x1  }
0x62: {  	v4 =	vadd.s32 v1, v4;
	_ =	sdelay $0x1  }
0x63: {  	v3 =	vperm.xlane v3, v2;
	_ =	sdelay $0x1  }
0x64: {  	s1 =	simm.s32 $0x4A00;
	v3 =	vadd.s32 v1, v3  }
0x65: {  	[hbm4b:s3+s2] =	stream.indirect_vreg.scatter [tilespmem:s1], [sflag:$0x2], $0x80, v4, vm0, $0xb8;
	[tilespmem:$0x15200] =	vst v63  }
0x66: {  	s14 =	simm.s32 $0x5200  }
0x67: {  	[hbm4b:s9+s2] =	stream.indirect_vreg.scatter [tilespmem:s14], [sflag:$0x2], $0x80, v4, vm1, $0xb8;
	[tilespmem:$0x15200] =	vst v63  }
0x68: {  	s10 =	simm.s32 $0x5600  }
0x69: {  	[hbm4b:s3+s2] =	stream.indirect_vreg.scatter [tilespmem:s10], [sflag:$0x2], $0x80, v3, vm0, $0xb8;
	[tilespmem:$0x15200] =	vst v63  }
0x6a: {  	s4 =	simm.s32 $0x5E00  }
0x6b: {  	[hbm4b:s9+s2] =	stream.indirect_vreg.scatter [tilespmem:s4], [sflag:$0x2], $0x80, v3, vm1, $0xb8;
	[tilespmem:$0x15200] =	vst v63  }
0x6c: {  	v3 =	vld [tilespmem:$0x40];
	_ =	sdelay $0x4  }
0x6d: {  	v54 =	vshrl.u32 v3, $0x3  }
0x6e: {  	v4 =	vmul.u32 $0x18, v54  }
0x6f: {  	v3 =	vand.u32 $0x7, v3  }
0x70: {  	v3 =	vor.u32 v3, v4  }
0x71: {  	v4 =	vperm.xlane v3, v0;
	_ =	sdelay $0x1  }
0x72: {  	v4 =	vadd.s32 v1, v4;
	_ =	sdelay $0x1  }
0x73: {  	v3 =	vperm.xlane v3, v2;
	_ =	sdelay $0x1  }
0x74: {  	s5 =	simm.s32 $0x6200;
	v3 =	vadd.s32 v1, v3  }
0x75: {  	[hbm4b:s3+s2] =	stream.indirect_vreg.scatter [tilespmem:s5], [sflag:$0x2], $0x80, v4, vm0, $0xb8;
	[tilespmem:$0x15200] =	vst v63  }
0x76: {  	s6 =	simm.s32 $0x6A00  }
0x77: {  	[hbm4b:s9+s2] =	stream.indirect_vreg.scatter [tilespmem:s6], [sflag:$0x2], $0x80, v4, vm1, $0xb8;
	[tilespmem:$0x15200] =	vst v63  }
0x78: {  	s7 =	simm.s32 $0x6E00  }
0x79: {  	[hbm4b:s3+s2] =	stream.indirect_vreg.scatter [tilespmem:s7], [sflag:$0x2], $0x80, v3, vm0, $0xb8;
	[tilespmem:$0x15200] =	vst v63  }
0x7a: {  	s8 =	simm.s32 $0x7600  }
0x7b: {  	[hbm4b:s9+s2] =	stream.indirect_vreg.scatter [tilespmem:s8], [sflag:$0x2], $0x80, v3, vm1, $0xb8;
	[tilespmem:$0x15200] =	vst v63  }
0x7c: {  	v3 =	vld [tilespmem:$0x50];
	_ =	sdelay $0x4  }
0x7d: {  	v55 =	vshrl.u32 v3, $0x3  }
0x7e: {  	v4 =	vmul.u32 $0x18, v55  }
0x7f: {  	v3 =	vand.u32 $0x7, v3  }
0x80: {  	v3 =	vor.u32 v3, v4  }
0x81: {  	v4 =	vperm.xlane v3, v0;
	_ =	sdelay $0x1  }
0x82: {  	v4 =	vadd.s32 v1, v4;
	_ =	sdelay $0x1  }
0x83: {  	v3 =	vperm.xlane v3, v2;
	_ =	sdelay $0x1  }
0x84: {  	s16 =	simm.s32 $0x7A00;
	v3 =	vadd.s32 v1, v3  }
0x85: {  	[hbm4b:s3+s2] =	stream.indirect_vreg.scatter [tilespmem:s16], [sflag:$0x2], $0x80, v4, vm0, $0xb8;
	[tilespmem:$0x15200] =	vst v63  }
0x86: {  	s17 =	simm.s32 $0x8200  }
0x87: {  	[hbm4b:s9+s2] =	stream.indirect_vreg.scatter [tilespmem:s17], [sflag:$0x2], $0x80, v4, vm1, $0xb8;
	[tilespmem:$0x15200] =	vst v63  }
0x88: {  	s18 =	simm.s32 $0x8600  }
0x89: {  	[hbm4b:s3+s2] =	stream.indirect_vreg.scatter [tilespmem:s18], [sflag:$0x2], $0x80, v3, vm0, $0xb8;
	[tilespmem:$0x15200] =	vst v63  }
0x8a: {  	s12 =	simm.s32 $0x8E00  }
0x8b: {  	[hbm4b:s9+s2] =	stream.indirect_vreg.scatter [tilespmem:s12], [sflag:$0x2], $0x80, v3, vm1, $0xb8;
	[tilespmem:$0x15200] =	vst v63  }
0x8c: {  	v3 =	vld [tilespmem:$0x60];
	_ =	sdelay $0x4  }
0x8d: {  	v56 =	vshrl.u32 v3, $0x3  }
0x8e: {  	v4 =	vmul.u32 $0x18, v56  }
0x8f: {  	v3 =	vand.u32 $0x7, v3  }
0x90: {  	v3 =	vor.u32 v3, v4  }
0x91: {  	v4 =	vperm.xlane v3, v0;
	_ =	sdelay $0x1  }
0x92: {  	v4 =	vadd.s32 v1, v4;
	_ =	sdelay $0x1  }
0x93: {  	v3 =	vperm.xlane v3, v2;
	_ =	sdelay $0x1  }
0x94: {  	s19 =	simm.s32 $0x9200;
	v3 =	vadd.s32 v1, v3  }
0x95: {  	[hbm4b:s3+s2] =	stream.indirect_vreg.scatter [tilespmem:s19], [sflag:$0x2], $0x80, v4, vm0, $0xb8;
	[tilespmem:$0x15200] =	vst v63  }
0x96: {  	s20 =	simm.s32 $0x9A00  }
0x97: {  	[hbm4b:s9+s2] =	stream.indirect_vreg.scatter [tilespmem:s20], [sflag:$0x2], $0x80, v4, vm1, $0xb8;
	[tilespmem:$0x15200] =	vst v63  }
0x98: {  	s13 =	simm.s32 $0x9E00  }
0x99: {  	[hbm4b:s3+s2] =	stream.indirect_vreg.scatter [tilespmem:s13], [sflag:$0x2], $0x80, v3, vm0, $0xb8;
	[tilespmem:$0x15200] =	vst v63  }
0x9a: {  	s0 =	simm.s32 $0xA600  }
0x9b: {  	[hbm4b:s9+s2] =	stream.indirect_vreg.scatter [tilespmem:s0], [sflag:$0x2], $0x80, v3, vm1, $0xb8;
	[tilespmem:$0x15200] =	vst v63  }
0x9c: {  	v3 =	vld [tilespmem:$0x80];
	_ =	sdelay $0x4  }
0x9d: {  	v57 =	vshrl.u32 v3, $0x3  }
0x9e: {  	v4 =	vmul.u32 $0x18, v57  }
0x9f: {  	v3 =	vand.u32 $0x7, v3  }
0xa0: {  	v3 =	vor.u32 v3, v4  }
0xa1: {  	v4 =	vperm.xlane v3, v0;
	_ =	sdelay $0x1  }
0xa2: {  	v4 =	vadd.s32 v1, v4;
	_ =	sdelay $0x1  }
0xa3: {  	v3 =	vperm.xlane v3, v2;
	_ =	sdelay $0x1  }
0xa4: {  	v3 =	vadd.s32 v1, v3  }
0xa5: {  	[hbm4b:s3+s2] =	stream.indirect_vreg.scatter [tilespmem:s15], [sflag:$0x3], $0x80, v4, vm0, $0xb8;
	[tilespmem:$0x15200] =	vst v63  }
0xa6: {  	_ = 	snop  }
0xa7: {  	[hbm4b:s9+s2] =	stream.indirect_vreg.scatter [tilespmem:s21], [sflag:$0x3], $0x80, v4, vm1, $0xb8;
	[tilespmem:$0x15200] =	vst v63  }
0xa8: {  	_ = 	snop  }
0xa9: {  	[hbm4b:s3+s2] =	stream.indirect_vreg.scatter [tilespmem:s22], [sflag:$0x3], $0x80, v3, vm0, $0xb8;
	[tilespmem:$0x15200] =	vst v63  }
0xaa: {  	_ = 	snop  }
0xab: {  	[hbm4b:s9+s2] =	stream.indirect_vreg.scatter [tilespmem:s23], [sflag:$0x3], $0x80, v3, vm1, $0xb8;
	[tilespmem:$0x15200] =	vst v63  }
0xac: {  	v3 =	vld [tilespmem:$0x90];
	_ =	sdelay $0x4  }
0xad: {  	v58 =	vshrl.u32 v3, $0x3  }
0xae: {  	v4 =	vmul.u32 $0x18, v58  }
0xaf: {  	v3 =	vand.u32 $0x7, v3  }
0xb0: {  	v3 =	vor.u32 v3, v4  }
0xb1: {  	v4 =	vperm.xlane v3, v0;
	_ =	sdelay $0x1  }
0xb2: {  	v4 =	vadd.s32 v1, v4;
	_ =	sdelay $0x1  }
0xb3: {  	v3 =	vperm.xlane v3, v2;
	_ =	sdelay $0x1  }
0xb4: {  	v3 =	vadd.s32 v1, v3  }
0xb5: {  	[hbm4b:s3+s2] =	stream.indirect_vreg.scatter [tilespmem:s24], [sflag:$0x3], $0x80, v4, vm0, $0xb8;
	[tilespmem:$0x15200] =	vst v63  }
0xb6: {  	_ = 	snop  }
0xb7: {  	[hbm4b:s9+s2] =	stream.indirect_vreg.scatter [tilespmem:s25], [sflag:$0x3], $0x80, v4, vm1, $0xb8;
	[tilespmem:$0x15200] =	vst v63  }
0xb8: {  	_ = 	snop  }
0xb9: {  	[hbm4b:s3+s2] =	stream.indirect_vreg.scatter [tilespmem:s26], [sflag:$0x3], $0x80, v3, vm0, $0xb8;
	[tilespmem:$0x15200] =	vst v63  }
0xba: {  	_ = 	snop  }
0xbb: {  	[hbm4b:s9+s2] =	stream.indirect_vreg.scatter [tilespmem:s28], [sflag:$0x3], $0x80, v3, vm1, $0xb8;
	[tilespmem:$0x15200] =	vst v63  }
0xbc: {  	v3 =	vld [tilespmem:$0xA0];
	_ =	sdelay $0x4  }
0xbd: {  	v59 =	vshrl.u32 v3, $0x3  }
0xbe: {  	v4 =	vmul.u32 $0x18, v59  }
0xbf: {  	v3 =	vand.u32 $0x7, v3  }
0xc0: {  	v3 =	vor.u32 v3, v4  }
0xc1: {  	v4 =	vperm.xlane v3, v0;
	_ =	sdelay $0x1  }
0xc2: {  	v4 =	vadd.s32 v1, v4;
	_ =	sdelay $0x1  }
0xc3: {  	v3 =	vperm.xlane v3, v2;
	_ =	sdelay $0x1  }
0xc4: {  	v3 =	vadd.s32 v1, v3  }
0xc5: {  	[hbm4b:s3+s2] =	stream.indirect_vreg.scatter [tilespmem:s29], [sflag:$0x3], $0x80, v4, vm0, $0xb8;
	[tilespmem:$0x15200] =	vst v63  }
0xc6: {  	_ = 	snop  }
0xc7: {  	[hbm4b:s9+s2] =	stream.indirect_vreg.scatter [tilespmem:s30], [sflag:$0x3], $0x80, v4, vm1, $0xb8;
	[tilespmem:$0x15200] =	vst v63  }
0xc8: {  	_ = 	snop  }
0xc9: {  	[hbm4b:s3+s2] =	stream.indirect_vreg.scatter [tilespmem:s31], [sflag:$0x3], $0x80, v3, vm0, $0xb8;
	[tilespmem:$0x15200] =	vst v63  }
0xca: {  	s31 =	simm.s32 $0x4600  }
0xcb: {  	[hbm4b:s9+s2] =	stream.indirect_vreg.scatter [tilespmem:s31], [sflag:$0x3], $0x80, v3, vm1, $0xb8;
	[tilespmem:$0x15200] =	vst v63  }
0xcc: {  	v3 =	vld [tilespmem:$0xB0];
	_ =	sdelay $0x4  }
0xcd: {  	v60 =	vshrl.u32 v3, $0x3  }
0xce: {  	v4 =	vmul.u32 $0x18, v60  }
0xcf: {  	v3 =	vand.u32 $0x7, v3  }
0xd0: {  	v3 =	vor.u32 v3, v4  }
0xd1: {  	v4 =	vperm.xlane v3, v0;
	_ =	sdelay $0x1  }
0xd2: {  	v4 =	vadd.s32 v1, v4;
	_ =	sdelay $0x1  }
0xd3: {  	v3 =	vperm.xlane v3, v2;
	_ =	sdelay $0x1  }
0xd4: {  	v3 =	vadd.s32 v1, v3  }
0xd5: {  	[hbm4b:s3+s2] =	stream.indirect_vreg.scatter [tilespmem:s1], [sflag:$0x3], $0x80, v4, vm0, $0xb8;
	[tilespmem:$0x15200] =	vst v63  }
0xd6: {  	_ = 	snop  }
0xd7: {  	[hbm4b:s9+s2] =	stream.indirect_vreg.scatter [tilespmem:s14], [sflag:$0x3], $0x80, v4, vm1, $0xb8;
	[tilespmem:$0x15200] =	vst v63  }
0xd8: {  	_ = 	snop  }
0xd9: {  	[hbm4b:s3+s2] =	stream.indirect_vreg.scatter [tilespmem:s10], [sflag:$0x3], $0x80, v3, vm0, $0xb8;
	[tilespmem:$0x15200] =	vst v63  }
0xda: {  	_ = 	snop  }
0xdb: {  	[hbm4b:s9+s2] =	stream.indirect_vreg.scatter [tilespmem:s4], [sflag:$0x3], $0x80, v3, vm1, $0xb8;
	[tilespmem:$0x15200] =	vst v63  }
0xdc: {  	v3 =	vld [tilespmem:$0xC0];
	_ =	sdelay $0x4  }
0xdd: {  	v61 =	vshrl.u32 v3, $0x3  }
0xde: {  	v4 =	vmul.u32 $0x18, v61  }
0xdf: {  	v3 =	vand.u32 $0x7, v3  }
0xe0: {  	v3 =	vor.u32 v3, v4  }
0xe1: {  	v4 =	vperm.xlane v3, v0;
	_ =	sdelay $0x1  }
0xe2: {  	v4 =	vadd.s32 v1, v4;
	_ =	sdelay $0x1  }
0xe3: {  	v3 =	vperm.xlane v3, v2;
	_ =	sdelay $0x1  }
0xe4: {  	v3 =	vadd.s32 v1, v3  }
0xe5: {  	[hbm4b:s3+s2] =	stream.indirect_vreg.scatter [tilespmem:s5], [sflag:$0x3], $0x80, v4, vm0, $0xb8;
	[tilespmem:$0x15200] =	vst v63  }
0xe6: {  	_ = 	snop  }
0xe7: {  	[hbm4b:s9+s2] =	stream.indirect_vreg.scatter [tilespmem:s6], [sflag:$0x3], $0x80, v4, vm1, $0xb8;
	[tilespmem:$0x15200] =	vst v63  }
0xe8: {  	_ = 	snop  }
0xe9: {  	[hbm4b:s3+s2] =	stream.indirect_vreg.scatter [tilespmem:s7], [sflag:$0x3], $0x80, v3, vm0, $0xb8;
	[tilespmem:$0x15200] =	vst v63  }
0xea: {  	_ = 	snop  }
0xeb: {  	[hbm4b:s9+s2] =	stream.indirect_vreg.scatter [tilespmem:s8], [sflag:$0x3], $0x80, v3, vm1, $0xb8;
	[tilespmem:$0x15200] =	vst v63  }
0xec: {  	v3 =	vld [tilespmem:$0xD0];
	_ =	sdelay $0x4  }
0xed: {  	v62 =	vshrl.u32 v3, $0x3  }
0xee: {  	v4 =	vmul.u32 $0x18, v62  }
0xef: {  	v3 =	vand.u32 $0x7, v3  }
0xf0: {  	v3 =	vor.u32 v3, v4  }
0xf1: {  	v4 =	vperm.xlane v3, v0;
	_ =	sdelay $0x1  }
0xf2: {  	v4 =	vadd.s32 v1, v4;
	_ =	sdelay $0x1  }
0xf3: {  	v3 =	vperm.xlane v3, v2;
	_ =	sdelay $0x1  }
0xf4: {  	v3 =	vadd.s32 v1, v3  }
0xf5: {  	[hbm4b:s3+s2] =	stream.indirect_vreg.scatter [tilespmem:s16], [sflag:$0x3], $0x80, v4, vm0, $0xb8;
	[tilespmem:$0x15200] =	vst v63  }
0xf6: {  	_ = 	snop  }
0xf7: {  	[hbm4b:s9+s2] =	stream.indirect_vreg.scatter [tilespmem:s17], [sflag:$0x3], $0x80, v4, vm1, $0xb8;
	[tilespmem:$0x15200] =	vst v63  }
0xf8: {  	_ = 	snop  }
0xf9: {  	[hbm4b:s3+s2] =	stream.indirect_vreg.scatter [tilespmem:s18], [sflag:$0x3], $0x80, v3, vm0, $0xb8;
	[tilespmem:$0x15200] =	vst v63  }
0xfa: {  	_ = 	snop  }
0xfb: {  	[hbm4b:s9+s2] =	stream.indirect_vreg.scatter [tilespmem:s12], [sflag:$0x3], $0x80, v3, vm1, $0xb8;
	[tilespmem:$0x15200] =	vst v63  }
0xfc: {  	v3 =	vld [tilespmem:$0xE0];
	_ =	sdelay $0x4  }
0xfd: {  	v63 =	vshrl.u32 v3, $0x3  }
0xfe: {  	v4 =	vmul.u32 $0x18, v63  }
0xff: {  	v3 =	vand.u32 $0x7, v3  }
0x100: {  	v3 =	vor.u32 v3, v4  }
0x101: {  	v4 =	vperm.xlane v3, v0;
	_ =	sdelay $0x1  }
0x102: {  	v4 =	vadd.s32 v1, v4;
	_ =	sdelay $0x2  }
0x103: {  	v3 =	vperm.xlane v3, v2;
	_ =	sdelay $0x1  }
0x104: {  	v3 =	vadd.s32 v1, v3;
	[hbm4b:s3+s2] =	stream.indirect_vreg.scatter [tilespmem:s19], [sflag:$0x3], $0x80, v4, vm0, $0xb8;
	[tilespmem:$0x15200] =	vst v63  }
0x105: {  	_ = 	snop  }
0x106: {  	[hbm4b:s9+s2] =	stream.indirect_vreg.scatter [tilespmem:s20], [sflag:$0x3], $0x80, v4, vm1, $0xb8;
	[tilespmem:$0x15200] =	vst v63  }
.Ltmp2:
0x107: {  	_ = 	snop;
	(pc) =	sbr.rel @p0 .LBB2_3-.Ltmp2, $4  }
0x108: {  	_ = 	snop  }
0x109: {  	[hbm4b:s3+s2] =	stream.indirect_vreg.scatter [tilespmem:s13], [sflag:$0x3], $0x80, v3, vm0, $0xb8;
	[tilespmem:$0x15200] =	vst v63  }
0x10a: {  	s0 =	simm.s32 $0xA600  }
0x10b: {  	[hbm4b:s9+s2] =	stream.indirect_vreg.scatter [tilespmem:s0], [sflag:$0x3], $0x80, v3, vm1, $0xb8;
	[tilespmem:$0x15200] =	vst v63  }
0x10c: {  	s21 =	rddreg [dreg:$0x8];
	s1 =	simm.s32 $0xAA00;
	s0 =	simm.s32 $0x1  }
0x10d: {  	[tilespmem:s1], [sflag:$0x1] =	stream.linear.gather [hbm4b:s21+s2], $0xA800, $0x38;
	[tilespmem:$0x15200] =	vst v63  }
0x10e: {  	_ =	swait.ge [sflag:s0], $0xA800  }
0x10f: {  	[sflag:s0] =	ssyncset.done $0x0  }
0x110: {  	s29 =	simm.s32 $0x2;
	[sflag:s0] =	ssyncadd.s32 $0xFFFF5800  }
0x111: {  	_ =	swait.ge [sflag:s29], $0xA800  }
0x112: {  	[sflag:s29] =	ssyncset.done $0x0  }
0x113: {  	s30 =	simm.s32 $0x3;
	[sflag:s29] =	ssyncadd.s32 $0xFFFF5800  }
0x114: {  	_ =	swait.ge [sflag:s30], $0xA800  }
0x115: {  	[sflag:s30] =	ssyncset.done $0x0  }
0x116: {  	[sflag:s30] =	ssyncadd.s32 $0xFFFF5800  }
0x117: {  	v3 =	vld [tilespmem:$0x100];
	_ =	sdelay $0x4  }
0x118: {  	v4 =	vshrl.u32 v3, $0x3  }
0x119: {  	v4 =	vmul.u32 $0x18, v4  }
0x11a: {  	v3 =	vand.u32 $0x7, v3  }
0x11b: {  	v3 =	vor.u32 v3, v4  }
0x11c: {  	v4 =	vperm.xlane v3, v0;
	_ =	sdelay $0x1  }
0x11d: {  	v4 =	vadd.s32 v1, v4;
	_ =	sdelay $0x1  }
0x11e: {  	v3 =	vperm.xlane v3, v2;
	_ =	sdelay $0x1  }
0x11f: {  	v3 =	vadd.s32 v1, v3  }
0x120: {  	[hbm4b:s3+s2] =	stream.indirect_vreg.scatter [tilespmem:s1], [sflag:$0x2], $0x80, v4, vm0, $0xb8;
	[tilespmem:$0x15200] =	vst v63  }
0x121: {  	s31 =	simm.s32 $0xB200  }
0x122: {  	[hbm4b:s9+s2] =	stream.indirect_vreg.scatter [tilespmem:s31], [sflag:$0x2], $0x80, v4, vm1, $0xb8;
	[tilespmem:$0x15200] =	vst v63  }
0x123: {  	s4 =	simm.s32 $0xB600  }
0x124: {  	[hbm4b:s3+s2] =	stream.indirect_vreg.scatter [tilespmem:s4], [sflag:$0x2], $0x80, v3, vm0, $0xb8;
	[tilespmem:$0x15200] =	vst v63  }
0x125: {  	s5 =	simm.s32 $0xBE00  }
0x126: {  	[hbm4b:s9+s2] =	stream.indirect_vreg.scatter [tilespmem:s5], [sflag:$0x2], $0x80, v3, vm1, $0xb8;
	[tilespmem:$0x15200] =	vst v63  }
0x127: {  	v3 =	vld [tilespmem:$0x110];
	_ =	sdelay $0x4  }
0x128: {  	v51 =	vshrl.u32 v3, $0x3  }
0x129: {  	v4 =	vmul.u32 $0x18, v51  }
0x12a: {  	v3 =	vand.u32 $0x7, v3  }
0x12b: {  	v3 =	vor.u32 v3, v4  }
0x12c: {  	v4 =	vperm.xlane v3, v0;
	_ =	sdelay $0x1  }
0x12d: {  	v4 =	vadd.s32 v1, v4;
	_ =	sdelay $0x1  }
0x12e: {  	v3 =	vperm.xlane v3, v2;
	_ =	sdelay $0x1  }
0x12f: {  	s6 =	simm.s32 $0xC200;
	v3 =	vadd.s32 v1, v3  }
0x130: {  	[hbm4b:s3+s2] =	stream.indirect_vreg.scatter [tilespmem:s6], [sflag:$0x2], $0x80, v4, vm0, $0xb8;
	[tilespmem:$0x15200] =	vst v63  }
0x131: {  	s7 =	simm.s32 $0xCA00  }
0x132: {  	[hbm4b:s9+s2] =	stream.indirect_vreg.scatter [tilespmem:s7], [sflag:$0x2], $0x80, v4, vm1, $0xb8;
	[tilespmem:$0x15200] =	vst v63  }
0x133: {  	s8 =	simm.s32 $0xCE00  }
0x134: {  	[hbm4b:s3+s2] =	stream.indirect_vreg.scatter [tilespmem:s8], [sflag:$0x2], $0x80, v3, vm0, $0xb8;
	[tilespmem:$0x15200] =	vst v63  }
0x135: {  	s10 =	simm.s32 $0xD600  }
0x136: {  	[hbm4b:s9+s2] =	stream.indirect_vreg.scatter [tilespmem:s10], [sflag:$0x2], $0x80, v3, vm1, $0xb8;
	[tilespmem:$0x15200] =	vst v63  }
0x137: {  	v3 =	vld [tilespmem:$0x120];
	_ =	sdelay $0x4  }
0x138: {  	v52 =	vshrl.u32 v3, $0x3  }
0x139: {  	v4 =	vmul.u32 $0x18, v52  }
0x13a: {  	v3 =	vand.u32 $0x7, v3  }
0x13b: {  	v3 =	vor.u32 v3, v4  }
0x13c: {  	v4 =	vperm.xlane v3, v0;
	_ =	sdelay $0x1  }
0x13d: {  	v4 =	vadd.s32 v1, v4;
	_ =	sdelay $0x1  }
0x13e: {  	v3 =	vperm.xlane v3, v2;
	_ =	sdelay $0x1  }
0x13f: {  	s12 =	simm.s32 $0xDA00;
	v3 =	vadd.s32 v1, v3  }
0x140: {  	[hbm4b:s3+s2] =	stream.indirect_vreg.scatter [tilespmem:s12], [sflag:$0x2], $0x80, v4, vm0, $0xb8;
	[tilespmem:$0x15200] =	vst v63  }
0x141: {  	s13 =	simm.s32 $0xE200  }
0x142: {  	[hbm4b:s9+s2] =	stream.indirect_vreg.scatter [tilespmem:s13], [sflag:$0x2], $0x80, v4, vm1, $0xb8;
	[tilespmem:$0x15200] =	vst v63  }
0x143: {  	s14 =	simm.s32 $0xE600  }
0x144: {  	[hbm4b:s3+s2] =	stream.indirect_vreg.scatter [tilespmem:s14], [sflag:$0x2], $0x80, v3, vm0, $0xb8;
	[tilespmem:$0x15200] =	vst v63  }
0x145: {  	s15 =	simm.s32 $0xEE00  }
0x146: {  	[hbm4b:s9+s2] =	stream.indirect_vreg.scatter [tilespmem:s15], [sflag:$0x2], $0x80, v3, vm1, $0xb8;
	[tilespmem:$0x15200] =	vst v63  }
0x147: {  	v3 =	vld [tilespmem:$0x130];
	_ =	sdelay $0x4  }
0x148: {  	v53 =	vshrl.u32 v3, $0x3  }
0x149: {  	v4 =	vmul.u32 $0x18, v53  }
0x14a: {  	v3 =	vand.u32 $0x7, v3  }
0x14b: {  	v3 =	vor.u32 v3, v4  }
0x14c: {  	v4 =	vperm.xlane v3, v0;
	_ =	sdelay $0x1  }
0x14d: {  	v4 =	vadd.s32 v1, v4;
	_ =	sdelay $0x1  }
0x14e: {  	v3 =	vperm.xlane v3, v2;
	_ =	sdelay $0x1  }
0x14f: {  	s16 =	simm.s32 $0xF200;
	v3 =	vadd.s32 v1, v3  }
0x150: {  	[hbm4b:s3+s2] =	stream.indirect_vreg.scatter [tilespmem:s16], [sflag:$0x2], $0x80, v4, vm0, $0xb8;
	[tilespmem:$0x15200] =	vst v63  }
0x151: {  	s17 =	simm.s32 $0xFA00  }
0x152: {  	[hbm4b:s9+s2] =	stream.indirect_vreg.scatter [tilespmem:s17], [sflag:$0x2], $0x80, v4, vm1, $0xb8;
	[tilespmem:$0x15200] =	vst v63  }
0x153: {  	s18 =	simm.s32 $0xFE00  }
0x154: {  	[hbm4b:s3+s2] =	stream.indirect_vreg.scatter [tilespmem:s18], [sflag:$0x2], $0x80, v3, vm0, $0xb8;
	[tilespmem:$0x15200] =	vst v63  }
0x155: {  	s19 =	simm.s32 $0x10600  }
0x156: {  	[hbm4b:s9+s2] =	stream.indirect_vreg.scatter [tilespmem:s19], [sflag:$0x2], $0x80, v3, vm1, $0xb8;
	[tilespmem:$0x15200] =	vst v63  }
0x157: {  	v3 =	vld [tilespmem:$0x140];
	_ =	sdelay $0x4  }
0x158: {  	v54 =	vshrl.u32 v3, $0x3  }
0x159: {  	v4 =	vmul.u32 $0x18, v54  }
0x15a: {  	v3 =	vand.u32 $0x7, v3  }
0x15b: {  	v3 =	vor.u32 v3, v4  }
0x15c: {  	v4 =	vperm.xlane v3, v0;
	_ =	sdelay $0x1  }
0x15d: {  	v4 =	vadd.s32 v1, v4;
	_ =	sdelay $0x1  }
0x15e: {  	v3 =	vperm.xlane v3, v2;
	_ =	sdelay $0x1  }
0x15f: {  	s20 =	simm.s32 $0x10A00;
	v3 =	vadd.s32 v1, v3  }
0x160: {  	[hbm4b:s3+s2] =	stream.indirect_vreg.scatter [tilespmem:s20], [sflag:$0x2], $0x80, v4, vm0, $0xb8;
	[tilespmem:$0x15200] =	vst v63  }
0x161: {  	s21 =	simm.s32 $0x11200  }
0x162: {  	[hbm4b:s9+s2] =	stream.indirect_vreg.scatter [tilespmem:s21], [sflag:$0x2], $0x80, v4, vm1, $0xb8;
	[tilespmem:$0x15200] =	vst v63  }
0x163: {  	s22 =	simm.s32 $0x11600  }
0x164: {  	[hbm4b:s3+s2] =	stream.indirect_vreg.scatter [tilespmem:s22], [sflag:$0x2], $0x80, v3, vm0, $0xb8;
	[tilespmem:$0x15200] =	vst v63  }
0x165: {  	s23 =	simm.s32 $0x11E00  }
0x166: {  	[hbm4b:s9+s2] =	stream.indirect_vreg.scatter [tilespmem:s23], [sflag:$0x2], $0x80, v3, vm1, $0xb8;
	[tilespmem:$0x15200] =	vst v63  }
0x167: {  	v3 =	vld [tilespmem:$0x150];
	_ =	sdelay $0x4  }
0x168: {  	v55 =	vshrl.u32 v3, $0x3  }
0x169: {  	v4 =	vmul.u32 $0x18, v55  }
0x16a: {  	v3 =	vand.u32 $0x7, v3  }
0x16b: {  	v3 =	vor.u32 v3, v4  }
0x16c: {  	v4 =	vperm.xlane v3, v0;
	_ =	sdelay $0x1  }
0x16d: {  	v4 =	vadd.s32 v1, v4;
	_ =	sdelay $0x1  }
0x16e: {  	v3 =	vperm.xlane v3, v2;
	_ =	sdelay $0x1  }
0x16f: {  	s24 =	simm.s32 $0x12200;
	v3 =	vadd.s32 v1, v3  }
0x170: {  	[hbm4b:s3+s2] =	stream.indirect_vreg.scatter [tilespmem:s24], [sflag:$0x2], $0x80, v4, vm0, $0xb8;
	[tilespmem:$0x15200] =	vst v63  }
0x171: {  	s25 =	simm.s32 $0x12A00  }
0x172: {  	[hbm4b:s9+s2] =	stream.indirect_vreg.scatter [tilespmem:s25], [sflag:$0x2], $0x80, v4, vm1, $0xb8;
	[tilespmem:$0x15200] =	vst v63  }
0x173: {  	s26 =	simm.s32 $0x12E00  }
0x174: {  	[hbm4b:s3+s2] =	stream.indirect_vreg.scatter [tilespmem:s26], [sflag:$0x2], $0x80, v3, vm0, $0xb8;
	[tilespmem:$0x15200] =	vst v63  }
0x175: {  	s28 =	simm.s32 $0x13600  }
0x176: {  	[hbm4b:s9+s2] =	stream.indirect_vreg.scatter [tilespmem:s28], [sflag:$0x2], $0x80, v3, vm1, $0xb8;
	[tilespmem:$0x15200] =	vst v63  }
0x177: {  	v3 =	vld [tilespmem:$0x160];
	_ =	sdelay $0x4  }
0x178: {  	v56 =	vshrl.u32 v3, $0x3  }
0x179: {  	v4 =	vmul.u32 $0x18, v56  }
0x17a: {  	v3 =	vand.u32 $0x7, v3  }
0x17b: {  	v3 =	vor.u32 v3, v4  }
0x17c: {  	v4 =	vperm.xlane v3, v0;
	_ =	sdelay $0x1  }
0x17d: {  	v4 =	vadd.s32 v1, v4;
	_ =	sdelay $0x1  }
0x17e: {  	v3 =	vperm.xlane v3, v2;
	_ =	sdelay $0x1  }
0x17f: {  	s29 =	simm.s32 $0x13A00;
	v3 =	vadd.s32 v1, v3  }
0x180: {  	[hbm4b:s3+s2] =	stream.indirect_vreg.scatter [tilespmem:s29], [sflag:$0x2], $0x80, v4, vm0, $0xb8;
	[tilespmem:$0x15200] =	vst v63  }
0x181: {  	s30 =	simm.s32 $0x14200  }
0x182: {  	[hbm4b:s9+s2] =	stream.indirect_vreg.scatter [tilespmem:s30], [sflag:$0x2], $0x80, v4, vm1, $0xb8;
	[tilespmem:$0x15200] =	vst v63  }
0x183: {  	s31 =	simm.s32 $0x14600  }
0x184: {  	[hbm4b:s3+s2] =	stream.indirect_vreg.scatter [tilespmem:s31], [sflag:$0x2], $0x80, v3, vm0, $0xb8;
	[tilespmem:$0x15200] =	vst v63  }
0x185: {  	s0 =	simm.s32 $0x14E00  }
0x186: {  	[hbm4b:s9+s2] =	stream.indirect_vreg.scatter [tilespmem:s0], [sflag:$0x2], $0x80, v3, vm1, $0xb8;
	[tilespmem:$0x15200] =	vst v63  }
0x187: {  	v3 =	vld [tilespmem:$0x180];
	_ =	sdelay $0x4  }
0x188: {  	v57 =	vshrl.u32 v3, $0x3  }
0x189: {  	v4 =	vmul.u32 $0x18, v57  }
0x18a: {  	v3 =	vand.u32 $0x7, v3  }
0x18b: {  	v3 =	vor.u32 v3, v4  }
0x18c: {  	v4 =	vperm.xlane v3, v0;
	_ =	sdelay $0x1  }
0x18d: {  	v4 =	vadd.s32 v1, v4;
	_ =	sdelay $0x1  }
0x18e: {  	v3 =	vperm.xlane v3, v2;
	_ =	sdelay $0x1  }
0x18f: {  	v3 =	vadd.s32 v1, v3  }
0x190: {  	[hbm4b:s3+s2] =	stream.indirect_vreg.scatter [tilespmem:s1], [sflag:$0x3], $0x80, v4, vm0, $0xb8;
	[tilespmem:$0x15200] =	vst v63  }
0x191: {  	s1 =	simm.s32 $0xB200  }
0x192: {  	[hbm4b:s9+s2] =	stream.indirect_vreg.scatter [tilespmem:s1], [sflag:$0x3], $0x80, v4, vm1, $0xb8;
	[tilespmem:$0x15200] =	vst v63  }
0x193: {  	_ = 	snop  }
0x194: {  	[hbm4b:s3+s2] =	stream.indirect_vreg.scatter [tilespmem:s4], [sflag:$0x3], $0x80, v3, vm0, $0xb8;
	[tilespmem:$0x15200] =	vst v63  }
0x195: {  	_ = 	snop  }
0x196: {  	[hbm4b:s9+s2] =	stream.indirect_vreg.scatter [tilespmem:s5], [sflag:$0x3], $0x80, v3, vm1, $0xb8;
	[tilespmem:$0x15200] =	vst v63  }
0x197: {  	v3 =	vld [tilespmem:$0x190];
	_ =	sdelay $0x4  }
0x198: {  	v58 =	vshrl.u32 v3, $0x3  }
0x199: {  	v4 =	vmul.u32 $0x18, v58  }
0x19a: {  	v3 =	vand.u32 $0x7, v3  }
0x19b: {  	v3 =	vor.u32 v3, v4  }
0x19c: {  	v4 =	vperm.xlane v3, v0;
	_ =	sdelay $0x1  }
0x19d: {  	v4 =	vadd.s32 v1, v4;
	_ =	sdelay $0x1  }
0x19e: {  	v3 =	vperm.xlane v3, v2;
	_ =	sdelay $0x1  }
0x19f: {  	v3 =	vadd.s32 v1, v3  }
0x1a0: {  	[hbm4b:s3+s2] =	stream.indirect_vreg.scatter [tilespmem:s6], [sflag:$0x3], $0x80, v4, vm0, $0xb8;
	[tilespmem:$0x15200] =	vst v63  }
0x1a1: {  	_ = 	snop  }
0x1a2: {  	[hbm4b:s9+s2] =	stream.indirect_vreg.scatter [tilespmem:s7], [sflag:$0x3], $0x80, v4, vm1, $0xb8;
	[tilespmem:$0x15200] =	vst v63  }
0x1a3: {  	_ = 	snop  }
0x1a4: {  	[hbm4b:s3+s2] =	stream.indirect_vreg.scatter [tilespmem:s8], [sflag:$0x3], $0x80, v3, vm0, $0xb8;
	[tilespmem:$0x15200] =	vst v63  }
0x1a5: {  	_ = 	snop  }
0x1a6: {  	[hbm4b:s9+s2] =	stream.indirect_vreg.scatter [tilespmem:s10], [sflag:$0x3], $0x80, v3, vm1, $0xb8;
	[tilespmem:$0x15200] =	vst v63  }
0x1a7: {  	v3 =	vld [tilespmem:$0x1A0];
	_ =	sdelay $0x4  }
0x1a8: {  	v59 =	vshrl.u32 v3, $0x3  }
0x1a9: {  	v4 =	vmul.u32 $0x18, v59  }
0x1aa: {  	v3 =	vand.u32 $0x7, v3  }
0x1ab: {  	v3 =	vor.u32 v3, v4  }
0x1ac: {  	v4 =	vperm.xlane v3, v0;
	_ =	sdelay $0x1  }
0x1ad: {  	v4 =	vadd.s32 v1, v4;
	_ =	sdelay $0x1  }
0x1ae: {  	v3 =	vperm.xlane v3, v2;
	_ =	sdelay $0x1  }
0x1af: {  	v3 =	vadd.s32 v1, v3  }
0x1b0: {  	[hbm4b:s3+s2] =	stream.indirect_vreg.scatter [tilespmem:s12], [sflag:$0x3], $0x80, v4, vm0, $0xb8;
	[tilespmem:$0x15200] =	vst v63  }
0x1b1: {  	_ = 	snop  }
0x1b2: {  	[hbm4b:s9+s2] =	stream.indirect_vreg.scatter [tilespmem:s13], [sflag:$0x3], $0x80, v4, vm1, $0xb8;
	[tilespmem:$0x15200] =	vst v63  }
0x1b3: {  	_ = 	snop  }
0x1b4: {  	[hbm4b:s3+s2] =	stream.indirect_vreg.scatter [tilespmem:s14], [sflag:$0x3], $0x80, v3, vm0, $0xb8;
	[tilespmem:$0x15200] =	vst v63  }
0x1b5: {  	_ = 	snop  }
0x1b6: {  	[hbm4b:s9+s2] =	stream.indirect_vreg.scatter [tilespmem:s15], [sflag:$0x3], $0x80, v3, vm1, $0xb8;
	[tilespmem:$0x15200] =	vst v63  }
0x1b7: {  	v3 =	vld [tilespmem:$0x1B0];
	_ =	sdelay $0x4  }
0x1b8: {  	v60 =	vshrl.u32 v3, $0x3  }
0x1b9: {  	v4 =	vmul.u32 $0x18, v60  }
0x1ba: {  	v3 =	vand.u32 $0x7, v3  }
0x1bb: {  	v3 =	vor.u32 v3, v4  }
0x1bc: {  	v4 =	vperm.xlane v3, v0;
	_ =	sdelay $0x1  }
0x1bd: {  	v4 =	vadd.s32 v1, v4;
	_ =	sdelay $0x1  }
0x1be: {  	v3 =	vperm.xlane v3, v2;
	_ =	sdelay $0x1  }
0x1bf: {  	v3 =	vadd.s32 v1, v3  }
0x1c0: {  	[hbm4b:s3+s2] =	stream.indirect_vreg.scatter [tilespmem:s16], [sflag:$0x3], $0x80, v4, vm0, $0xb8;
	[tilespmem:$0x15200] =	vst v63  }
0x1c1: {  	_ = 	snop  }
0x1c2: {  	[hbm4b:s9+s2] =	stream.indirect_vreg.scatter [tilespmem:s17], [sflag:$0x3], $0x80, v4, vm1, $0xb8;
	[tilespmem:$0x15200] =	vst v63  }
0x1c3: {  	_ = 	snop  }
0x1c4: {  	[hbm4b:s3+s2] =	stream.indirect_vreg.scatter [tilespmem:s18], [sflag:$0x3], $0x80, v3, vm0, $0xb8;
	[tilespmem:$0x15200] =	vst v63  }
0x1c5: {  	_ = 	snop  }
0x1c6: {  	[hbm4b:s9+s2] =	stream.indirect_vreg.scatter [tilespmem:s19], [sflag:$0x3], $0x80, v3, vm1, $0xb8;
	[tilespmem:$0x15200] =	vst v63  }
0x1c7: {  	v3 =	vld [tilespmem:$0x1C0];
	_ =	sdelay $0x4  }
0x1c8: {  	v61 =	vshrl.u32 v3, $0x3  }
0x1c9: {  	v4 =	vmul.u32 $0x18, v61  }
0x1ca: {  	v3 =	vand.u32 $0x7, v3  }
0x1cb: {  	v3 =	vor.u32 v3, v4  }
0x1cc: {  	v4 =	vperm.xlane v3, v0;
	_ =	sdelay $0x1  }
0x1cd: {  	v4 =	vadd.s32 v1, v4;
	_ =	sdelay $0x1  }
0x1ce: {  	v3 =	vperm.xlane v3, v2;
	_ =	sdelay $0x1  }
0x1cf: {  	v3 =	vadd.s32 v1, v3  }
0x1d0: {  	[hbm4b:s3+s2] =	stream.indirect_vreg.scatter [tilespmem:s20], [sflag:$0x3], $0x80, v4, vm0, $0xb8;
	[tilespmem:$0x15200] =	vst v63  }
0x1d1: {  	_ = 	snop  }
0x1d2: {  	[hbm4b:s9+s2] =	stream.indirect_vreg.scatter [tilespmem:s21], [sflag:$0x3], $0x80, v4, vm1, $0xb8;
	[tilespmem:$0x15200] =	vst v63  }
0x1d3: {  	_ = 	snop  }
0x1d4: {  	[hbm4b:s3+s2] =	stream.indirect_vreg.scatter [tilespmem:s22], [sflag:$0x3], $0x80, v3, vm0, $0xb8;
	[tilespmem:$0x15200] =	vst v63  }
0x1d5: {  	_ = 	snop  }
0x1d6: {  	[hbm4b:s9+s2] =	stream.indirect_vreg.scatter [tilespmem:s23], [sflag:$0x3], $0x80, v3, vm1, $0xb8;
	[tilespmem:$0x15200] =	vst v63  }
0x1d7: {  	v3 =	vld [tilespmem:$0x1D0];
	_ =	sdelay $0x4  }
0x1d8: {  	v62 =	vshrl.u32 v3, $0x3  }
0x1d9: {  	v4 =	vmul.u32 $0x18, v62  }
0x1da: {  	v3 =	vand.u32 $0x7, v3  }
0x1db: {  	v3 =	vor.u32 v3, v4  }
0x1dc: {  	v4 =	vperm.xlane v3, v0;
	_ =	sdelay $0x1  }
0x1dd: {  	v4 =	vadd.s32 v1, v4;
	_ =	sdelay $0x1  }
0x1de: {  	v3 =	vperm.xlane v3, v2;
	_ =	sdelay $0x1  }
0x1df: {  	v3 =	vadd.s32 v1, v3  }
0x1e0: {  	[hbm4b:s3+s2] =	stream.indirect_vreg.scatter [tilespmem:s24], [sflag:$0x3], $0x80, v4, vm0, $0xb8;
	[tilespmem:$0x15200] =	vst v63  }
0x1e1: {  	_ = 	snop  }
0x1e2: {  	[hbm4b:s9+s2] =	stream.indirect_vreg.scatter [tilespmem:s25], [sflag:$0x3], $0x80, v4, vm1, $0xb8;
	[tilespmem:$0x15200] =	vst v63  }
0x1e3: {  	_ = 	snop  }
0x1e4: {  	[hbm4b:s3+s2] =	stream.indirect_vreg.scatter [tilespmem:s26], [sflag:$0x3], $0x80, v3, vm0, $0xb8;
	[tilespmem:$0x15200] =	vst v63  }
0x1e5: {  	_ = 	snop  }
0x1e6: {  	[hbm4b:s9+s2] =	stream.indirect_vreg.scatter [tilespmem:s28], [sflag:$0x3], $0x80, v3, vm1, $0xb8;
	[tilespmem:$0x15200] =	vst v63  }
0x1e7: {  	v3 =	vld [tilespmem:$0x1E0];
	_ =	sdelay $0x4  }
0x1e8: {  	v63 =	vshrl.u32 v3, $0x3  }
0x1e9: {  	v4 =	vmul.u32 $0x18, v63  }
0x1ea: {  	v3 =	vand.u32 $0x7, v3  }
0x1eb: {  	v3 =	vor.u32 v3, v4  }
0x1ec: {  	v4 =	vperm.xlane v3, v0;
	_ =	sdelay $0x1  }
0x1ed: {  	v4 =	vadd.s32 v1, v4;
	_ =	sdelay $0x2  }
0x1ee: {  	v3 =	vperm.xlane v3, v2;
	_ =	sdelay $0x1  }
0x1ef: {  	v3 =	vadd.s32 v1, v3;
	[hbm4b:s3+s2] =	stream.indirect_vreg.scatter [tilespmem:s29], [sflag:$0x3], $0x80, v4, vm0, $0xb8;
	[tilespmem:$0x15200] =	vst v63  }
0x1f0: {  	_ = 	snop  }
0x1f1: {  	[hbm4b:s9+s2] =	stream.indirect_vreg.scatter [tilespmem:s30], [sflag:$0x3], $0x80, v4, vm1, $0xb8;
	[tilespmem:$0x15200] =	vst v63  }
.Ltmp3:
0x1f2: {  	_ = 	snop;
	(pc) =	sbr.rel .LBB2_3-.Ltmp3, $4  }
0x1f3: {  	_ = 	snop  }
0x1f4: {  	[hbm4b:s3+s2] =	stream.indirect_vreg.scatter [tilespmem:s31], [sflag:$0x3], $0x80, v3, vm0, $0xb8;
	[tilespmem:$0x15200] =	vst v63  }
0x1f5: {  	s31 =	simm.s32 $0x14E00  }
0x1f6: {  	[hbm4b:s9+s2] =	stream.indirect_vreg.scatter [tilespmem:s31], [sflag:$0x3], $0x80, v3, vm1, $0xb8;
	[tilespmem:$0x15200] =	vst v63  }
.LBB2_4:
0x1f7: {  	_ =	sfence.sel $0x180000  }
0x1f8: {  	[bflag:$0x0] =	sbarrier.arrive $0xFFFF  }
0x1f9: {  	_ =	strace $0x90000047  }
0x1fa: {  	s0 =	stileid.u32;
	[bflag:$0x2] =	sbarrier.arrive $0xFFFF  }
0x1fb: {  	p0 =	sne.s32 s0, $0x0;
	s0 =	rddreg [dreg:$0x2]  }
0x1fc: {  	s0 =	sadd.s32 @!p0 $0x100000, s0  }
0x1fd: {  	[sflag:s0] =	ssyncadd.tile.s32 @!p0 $0x1;
	_ =	shalt  }
.Lfunc_end2:
_tile_overlayer_lowered:
.L_overlay_start_2:
0x1fe: {  	(tag) =	ssettag $0x2  }
0x1ff: {  	s0 =	rddreg [dreg:$0x0];
	s2 =	stileid.u32  }
0x200: {  	s1 =	rddreg [dreg:$0x1];
	p0 =	sne.s32 s2, $0x0  }
0x201: {  	s3 =	rddreg [dreg:$0x2];
	[bflag:$0x3] =	sbarrier.arrive $0xFFFF;
	s2 =	simm.s32 @!p0 $0x1C04  }
0x202: {  	[timem:s3], [sflag:s2] =	dma.local @!p0 [hbm:s0], s1  }
0x203: {  	s0 =	simm.s32 @!p0 $0x4  }
0x204: {  	_ =	swait.ge @!p0 [sflag:s0], s1  }
0x205: {  	s1 =	ssub.s32 @!p0 $0x0, s1;
	[sflag:s0] =	ssyncset.done @!p0 $0x0  }
0x206: {  	[sflag:s0] =	ssyncadd.s32 @!p0 s1  }
0x207: {  	[bflag:$0x3] =	sbarrier.arrive $0xFFFF  }
0x208: {  	_ =	shalt  }

</sc_bundles>
